<compile_context>
chip_gen: v7x
topology: tpu7x:2x2x1
jax: 0.10.2.dev20260603
libtpu: 0.0.44.dev20260713+nightly
codegen_flags: <defaults>
</compile_context>

<pallas_src>
import jax
import jax.numpy as jnp
from jax.experimental import pallas as pl
from jax.experimental.pallas import tpu as pltpu
from jax.experimental.pallas import tpu_sc as plsc

S = 2048
D = 576
H = 9
HD = D // H
LAT = D // 4
INTER = 1536
NR = 7
EPS = 1e-5

BA = 512
BQ = 512
BK = 512
BC = 512
FB = 512
NF = INTER // FB

_F32 = jnp.float32


def _rope(t, cos, sin):
    parts = []
    for h in range(H):
        th = t[:, h * HD:(h + 1) * HD]
        rot = jnp.concatenate([-th[:, HD // 2:], th[:, :HD // 2]], axis=1)
        parts.append(th * cos + rot * sin)
    return jnp.concatenate(parts, axis=1)


def _qkv_body(x_ref, ln1_ref, wqd_ref, wqu_ref, wkvd_ref, wku_ref, wvu_ref,
              q_ref, k_ref, v_ref):
    i = pl.program_id(0)
    xb = x_ref[...]
    h = xb * jax.lax.rsqrt(jnp.mean(xb * xb, axis=1, keepdims=True) + EPS)
    h = h * ln1_ref[...]
    q = jnp.dot(jnp.dot(h, wqd_ref[...], preferred_element_type=_F32),
                wqu_ref[...], preferred_element_type=_F32)
    kv = jnp.dot(h, wkvd_ref[...], preferred_element_type=_F32)
    k = jnp.dot(kv, wku_ref[...], preferred_element_type=_F32)
    v = jnp.dot(kv, wvu_ref[...], preferred_element_type=_F32)
    pos = (i * BA + jax.lax.broadcasted_iota(jnp.int32, (BA, HD), 0)).astype(_F32)
    lane = jax.lax.broadcasted_iota(jnp.int32, (BA, HD), 1)
    kk = jnp.where(lane < HD // 2, lane, lane - HD // 2).astype(_F32)
    inv = jnp.exp(kk * (-2.0 * jnp.log(10000.0) / HD))
    ang = pos * inv
    cos = jnp.cos(ang)
    sin = jnp.sin(ang)
    q_ref[...] = _rope(q, cos, sin).astype(jnp.bfloat16)
    k_ref[...] = _rope(k, cos, sin).astype(jnp.bfloat16)
    v_ref[...] = v.astype(jnp.bfloat16)


def _qkv(xf, ln1, wq_d, wq_u, wkv_d, wk_u, wv_u):
    out = jax.ShapeDtypeStruct((S, D), jnp.bfloat16)
    row_spec = pl.BlockSpec((BA, D), lambda i: (i, 0))
    return pl.pallas_call(
        _qkv_body,
        grid=(S // BA,),
        in_specs=[
            row_spec,
            pl.BlockSpec((1, D), lambda i: (0, 0)),
            pl.BlockSpec((D, LAT), lambda i: (0, 0)),
            pl.BlockSpec((LAT, D), lambda i: (0, 0)),
            pl.BlockSpec((D, LAT), lambda i: (0, 0)),
            pl.BlockSpec((LAT, D), lambda i: (0, 0)),
            pl.BlockSpec((LAT, D), lambda i: (0, 0)),
        ],
        out_specs=[row_spec, row_spec, row_spec],
        out_shape=[out, out, out],
    )(xf, ln1, wq_d, wq_u, wkv_d, wk_u, wv_u)


def _attn_body(q_ref, k_ref, v_ref, o_ref):
    i = pl.program_id(0)
    rows = jax.lax.broadcasted_iota(jnp.int32, (BQ, BK), 0)
    cols = jax.lax.broadcasted_iota(jnp.int32, (BQ, BK), 1)
    for h in range(H):
        hs = slice(h * HD, (h + 1) * HD)
        qh = q_ref[:, hs]

        def body(j, carry, qh=qh, hs=hs):
            m, l, acc = carry
            kh = k_ref[pl.ds(j * BK, BK), hs]
            lg = jax.lax.dot_general(qh, kh, (((1,), (1,)), ((), ())),
                                     preferred_element_type=_F32) * 0.125
            mask = (i * BQ + rows) >= (j * BK + cols)
            lg = jnp.where(mask, lg, -1e30)
            mj = jnp.max(lg, axis=1, keepdims=True)
            mn = jnp.maximum(m, mj)
            p = jnp.exp(lg - mn)
            scale = jnp.exp(m - mn)
            l2 = l * scale + jnp.sum(p, axis=1, keepdims=True)
            acc2 = acc * scale + jnp.dot(
                p.astype(jnp.bfloat16), v_ref[pl.ds(j * BK, BK), hs],
                preferred_element_type=_F32)
            return mn, l2, acc2

        m0 = jnp.full((BQ, 1), -1e30, _F32)
        l0 = jnp.zeros((BQ, 1), _F32)
        a0 = jnp.zeros((BQ, HD), _F32)
        m, l, acc = jax.lax.fori_loop(0, i + 1, body, (m0, l0, a0))
        o_ref[:, hs] = (acc / l).astype(jnp.bfloat16)


def _attention(q, k, v):
    row_spec = pl.BlockSpec((BQ, D), lambda i: (i, 0))
    kv_spec = pl.BlockSpec((S, D), lambda i: (0, 0))
    return pl.pallas_call(
        _attn_body,
        grid=(S // BQ,),
        in_specs=[row_spec, kv_spec, kv_spec],
        out_specs=row_spec,
        out_shape=jax.ShapeDtypeStruct((S, D), jnp.bfloat16),
    )(q, k, v)


def _post_body(x_ref, attn_ref, wo_ref, ln2_ref, sg_ref, su_ref, sd_ref,
               rw_ref, rb_ref, part_ref, h2_ref, w_ref, ind_ref):
    x2 = x_ref[...] + jnp.dot(attn_ref[...],
                              wo_ref[...].astype(jnp.bfloat16),
                              preferred_element_type=_F32)
    h2 = x2 * jax.lax.rsqrt(jnp.mean(x2 * x2, axis=1, keepdims=True) + EPS)
    h2 = h2 * ln2_ref[...]
    h2b = h2.astype(jnp.bfloat16)
    g = jnp.dot(h2b, sg_ref[...].astype(jnp.bfloat16),
                preferred_element_type=_F32)
    u = jnp.dot(h2b, su_ref[...].astype(jnp.bfloat16),
                preferred_element_type=_F32)
    a = g * jax.nn.sigmoid(g) * u
    shared = jnp.dot(a.astype(jnp.bfloat16), sd_ref[...].astype(jnp.bfloat16),
                     preferred_element_type=_F32)
    part_ref[...] = x2 + shared
    h2_ref[...] = jnp.concatenate([h2, jnp.zeros((BC, DP - D), _F32)], axis=1)
    logits = jnp.dot(h2, rw_ref[...], preferred_element_type=_F32) + rb_ref[...]
    p = jax.nn.sigmoid(logits)
    colid = jax.lax.broadcasted_iota(jnp.int32, (BC, 8), 1)
    p = jnp.where(colid < NR, p, -1.0)
    m1 = jnp.max(p, axis=1, keepdims=True)
    i1 = jnp.min(jnp.where(p == m1, colid, 127), axis=1, keepdims=True)
    pm = jnp.where(colid == i1, -1.0, p)
    m2 = jnp.max(pm, axis=1, keepdims=True)
    i2 = jnp.min(jnp.where(pm == m2, colid, 127), axis=1, keepdims=True)
    den = m1 + m2
    w_ref[...] = (jnp.where(colid == i1, m1, 0.0)
                  + jnp.where(colid == i2, m2, 0.0)) / den
    ind_ref[...] = (jnp.where(colid == i1, 1.0, 0.0)
                    + jnp.where(colid == i2, 1.0, 0.0))


def _post(xf, attn, wo, ln2, s_gate, s_up, s_down, rw, rb):
    row_spec = pl.BlockSpec((BC, D), lambda i: (i, 0))
    return pl.pallas_call(
        _post_body,
        grid=(S // BC,),
        in_specs=[
            row_spec,
            row_spec,
            pl.BlockSpec((D, D), lambda i: (0, 0)),
            pl.BlockSpec((1, D), lambda i: (0, 0)),
            pl.BlockSpec((D, INTER), lambda i: (0, 0)),
            pl.BlockSpec((D, INTER), lambda i: (0, 0)),
            pl.BlockSpec((INTER, D), lambda i: (0, 0)),
            pl.BlockSpec((D, 8), lambda i: (0, 0)),
            pl.BlockSpec((1, 8), lambda i: (0, 0)),
        ],
        out_specs=[row_spec, pl.BlockSpec((BC, DP), lambda i: (i, 0)),
                   pl.BlockSpec((BC, 8), lambda i: (i, 0)),
                   pl.BlockSpec((BC, 8), lambda i: (i, 0))],
        out_shape=[
            jax.ShapeDtypeStruct((S, D), _F32),
            jax.ShapeDtypeStruct((S, DP), _F32),
            jax.ShapeDtypeStruct((S, 8), _F32),
            jax.ShapeDtypeStruct((S, 8), _F32),
        ],
    )(xf, attn, wo, ln2, s_gate, s_up, s_down, rw, rb)



BT = 256
NB = (S * 2) // BT + NR
NSLOT = NB * BT
SC_NC = 2
SC_NS = 16
SC_NW = SC_NC * SC_NS
GPW = NSLOT // SC_NW
DP = 640
TPW = S // SC_NW


def _sc_mesh():
    return plsc.VectorSubcoreMesh(core_axis_name="c", subcore_axis_name="s",
                                  num_cores=SC_NC, num_subcores=SC_NS)


def _route_body(ind_ref, w_ref, sa_ref, sb_ref, wa_ref, wb_ref, be_ref):
    ind = ind_ref[...]
    indb = ind.astype(jnp.bfloat16)
    ri = jax.lax.broadcasted_iota(jnp.int32, (S, S), 0)
    ci = jax.lax.broadcasted_iota(jnp.int32, (S, S), 1)
    ltri = (ri > ci).astype(jnp.bfloat16)
    pfx = jnp.dot(ltri, indb, preferred_element_type=_F32)
    cnt = jnp.sum(ind, axis=0, keepdims=True)
    nb = jnp.floor((cnt + (BT - 1)) * (1.0 / BT))
    e1 = jax.lax.broadcasted_iota(jnp.int32, (8, 8), 0)
    e2 = jax.lax.broadcasted_iota(jnp.int32, (8, 8), 1)
    m8 = (e1 < e2).astype(_F32)
    base = jnp.dot(nb, m8, preferred_element_type=_F32) * BT
    slot = base + pfx
    colid = jax.lax.broadcasted_iota(jnp.int32, (S, 8), 1)
    sel = ind > 0.5
    cf = jnp.min(jnp.where(sel, colid, 127), axis=1, keepdims=True)
    cs = jnp.max(jnp.where(sel, colid, -1), axis=1, keepdims=True)
    w = w_ref[...]
    sa_ref[...] = jnp.sum(jnp.where(colid == cf, slot, 0.0), axis=1,
                          keepdims=True).astype(jnp.int32)
    sb_ref[...] = jnp.sum(jnp.where(colid == cs, slot, 0.0), axis=1,
                          keepdims=True).astype(jnp.int32)
    wa_ref[...] = jnp.sum(jnp.where(colid == cf, w, 0.0), axis=1, keepdims=True)
    wb_ref[...] = jnp.sum(jnp.where(colid == cs, w, 0.0), axis=1, keepdims=True)
    bid = jax.lax.broadcasted_iota(jnp.int32, (NB, 8), 0).astype(_F32) * BT
    ecol = jax.lax.broadcasted_iota(jnp.int32, (NB, 8), 1)
    inblk = (bid >= base) & (bid < base + nb * BT)
    be_ref[...] = jnp.sum(jnp.where(inblk, ecol, 0), axis=1,
                          keepdims=True).astype(jnp.int32)


def _route(ind, w):
    return pl.pallas_call(
        _route_body,
        grid=(1,),
        in_specs=[pl.BlockSpec((S, 8), lambda i: (0, 0)),
                  pl.BlockSpec((S, 8), lambda i: (0, 0))],
        out_specs=[pl.BlockSpec((S, 1), lambda i: (0, 0)),
                   pl.BlockSpec((S, 1), lambda i: (0, 0)),
                   pl.BlockSpec((S, 1), lambda i: (0, 0)),
                   pl.BlockSpec((S, 1), lambda i: (0, 0)),
                   pl.BlockSpec((NB, 1), lambda i: (0, 0))],
        out_shape=[
            jax.ShapeDtypeStruct((S, 1), jnp.int32),
            jax.ShapeDtypeStruct((S, 1), jnp.int32),
            jax.ShapeDtypeStruct((S, 1), _F32),
            jax.ShapeDtypeStruct((S, 1), _F32),
            jax.ShapeDtypeStruct((NB, 1), jnp.int32),
        ],
    )(ind, w)


def _invert_body(sa_ref, sb_ref, wat_ref, wbt_ref, tok_ref, ws_ref):
    b = pl.program_id(0)
    scol = b * 128 + jax.lax.broadcasted_iota(jnp.int32, (1, 128), 1)
    mask_a = (sa_ref[...] == scol).astype(_F32)
    mask_b = (sb_ref[...] == scol).astype(_F32)
    trow = jax.lax.broadcasted_iota(jnp.int32, (1, S), 1).astype(_F32)
    hp = jax.lax.Precision.HIGHEST
    tok = (jnp.dot(trow, mask_a, preferred_element_type=_F32, precision=hp)
           + jnp.dot(trow, mask_b, preferred_element_type=_F32, precision=hp))
    ws = (jnp.dot(wat_ref[...], mask_a, preferred_element_type=_F32,
                  precision=hp)
          + jnp.dot(wbt_ref[...], mask_b, preferred_element_type=_F32,
                    precision=hp))
    tok_ref[...] = tok.astype(jnp.int32)
    ws_ref[...] = ws


def _invert(sa, sb, wa, wb):
    col_spec = pl.BlockSpec((S, 1), lambda b: (0, 0))
    row_spec = pl.BlockSpec((1, S), lambda b: (0, 0))
    out_spec = pl.BlockSpec((1, 128), lambda b: (0, b))
    return pl.pallas_call(
        _invert_body,
        grid=(NSLOT // 128,),
        in_specs=[col_spec, col_spec, row_spec, row_spec],
        out_specs=[out_spec, out_spec],
        out_shape=[jax.ShapeDtypeStruct((1, NSLOT), jnp.int32),
                   jax.ShapeDtypeStruct((1, NSLOT), _F32)],
    )(sa, sb, wa.reshape(1, S), wb.reshape(1, S))


def _gatherx_body(h2_hbm, tok_hbm, xg_hbm, idx_v, rows_v, sem):
    wid = jax.lax.axis_index("s") * SC_NC + jax.lax.axis_index("c")
    base = wid * GPW
    pltpu.sync_copy(tok_hbm.at[pl.ds(base, GPW)], idx_v)
    pltpu.async_copy(h2_hbm.at[idx_v], rows_v, sem).wait()
    pltpu.sync_copy(rows_v, xg_hbm.at[pl.ds(base, GPW)])


def _gatherx(h2, tok):
    return pl.kernel(
        _gatherx_body,
        out_type=jax.ShapeDtypeStruct((NSLOT, DP), _F32),
        mesh=_sc_mesh(),
        scratch_types=[pltpu.VMEM((GPW,), jnp.int32),
                       pltpu.VMEM((GPW, DP), _F32),
                       pltpu.SemaphoreType.DMA],
    )(h2, tok)


def _gathery_body(yg_hbm, sa_hbm, sb_hbm, y1_hbm, y2_hbm,
                  ia_v, ib_v, ra_v, rb_v, sem):
    wid = jax.lax.axis_index("s") * SC_NC + jax.lax.axis_index("c")
    base = wid * TPW
    pltpu.sync_copy(sa_hbm.at[pl.ds(base, TPW)], ia_v)
    pltpu.sync_copy(sb_hbm.at[pl.ds(base, TPW)], ib_v)
    d1 = pltpu.async_copy(yg_hbm.at[ia_v], ra_v, sem)
    d2 = pltpu.async_copy(yg_hbm.at[ib_v], rb_v, sem)
    d1.wait()
    d2.wait()
    pltpu.sync_copy(ra_v, y1_hbm.at[pl.ds(base, TPW)])
    pltpu.sync_copy(rb_v, y2_hbm.at[pl.ds(base, TPW)])


def _gathery(yg, sa, sb):
    return pl.kernel(
        _gathery_body,
        out_type=[jax.ShapeDtypeStruct((S, DP), _F32),
                  jax.ShapeDtypeStruct((S, DP), _F32)],
        mesh=_sc_mesh(),
        scratch_types=[pltpu.VMEM((TPW,), jnp.int32),
                       pltpu.VMEM((TPW,), jnp.int32),
                       pltpu.VMEM((TPW, DP), _F32),
                       pltpu.VMEM((TPW, DP), _F32),
                       pltpu.SemaphoreType.DMA],
    )(yg, sa, sb)


def _group_body(be_ref, xg_ref, ws_ref, rg_ref, ru_ref, rd_ref, yg_ref):
    xgb = xg_ref[:, :D]
    g = jnp.dot(xgb, rg_ref[0], preferred_element_type=_F32)
    u = jnp.dot(xgb, ru_ref[0], preferred_element_type=_F32)
    a = g * jax.nn.sigmoid(g) * u
    res = jnp.dot(a, rd_ref[0], preferred_element_type=_F32) * ws_ref[...]
    yg_ref[...] = jnp.concatenate([res, jnp.zeros((BT, DP - D), _F32)], axis=1)


def _group(be, xg, ws, r_gate, r_up, r_down):
    grid_spec = pltpu.PrefetchScalarGridSpec(
        num_scalar_prefetch=1,
        grid=(NB,),
        in_specs=[
            pl.BlockSpec((BT, DP), lambda b, be: (b, 0)),
            pl.BlockSpec((BT, 1), lambda b, be: (b, 0)),
            pl.BlockSpec((1, D, INTER), lambda b, be: (be[b], 0, 0)),
            pl.BlockSpec((1, D, INTER), lambda b, be: (be[b], 0, 0)),
            pl.BlockSpec((1, INTER, D), lambda b, be: (be[b], 0, 0)),
        ],
        out_specs=pl.BlockSpec((BT, DP), lambda b, be: (b, 0)),
    )
    return pl.pallas_call(
        _group_body,
        grid_spec=grid_spec,
        out_shape=jax.ShapeDtypeStruct((NSLOT, DP), _F32),
    )(be, xg, ws, r_gate, r_up, r_down)


def _combine_body(part_ref, y1_ref, y2_ref, out_ref):
    out_ref[...] = part_ref[...] + y1_ref[:, :D] + y2_ref[:, :D]


def _combine(part, y1, y2):
    row_spec = pl.BlockSpec((BC, D), lambda i: (i, 0))
    pad_spec = pl.BlockSpec((BC, DP), lambda i: (i, 0))
    return pl.pallas_call(
        _combine_body,
        grid=(S // BC,),
        in_specs=[row_spec, pad_spec, pad_spec],
        out_specs=row_spec,
        out_shape=jax.ShapeDtypeStruct((S, D), _F32),
    )(part, y1, y2)


def kernel(x, ln1_w, ln2_w, wq_d, wkv_d, wq_u, wk_u, wv_u, wo, s_gate, s_up,
           s_down, r_gate, r_up, r_down, router_w, routing_bias):
    xf = x.reshape(S, D)
    ln1 = ln1_w.reshape(1, D)
    ln2 = ln2_w.reshape(1, D)
    rw = jnp.pad(router_w, ((0, 0), (0, 1)))
    rb = jnp.pad(routing_bias, (0, 1)).reshape(1, 8)

    q, k, v = _qkv(xf, ln1, wq_d, wq_u, wkv_d, wk_u, wv_u)
    attn = _attention(q, k, v)
    part, h2, w, ind = _post(xf, attn, wo, ln2, s_gate, s_up, s_down, rw, rb)
    sa, sb, wa, wb, be = _route(ind, w)
    sa1 = sa.reshape(S)
    sb1 = sb.reshape(S)
    tok, ws = _invert(sa, sb, wa, wb)
    xg = _gatherx(h2, tok.reshape(NSLOT))
    yg = _group(be.reshape(NB), xg, ws.reshape(NSLOT, 1), r_gate, r_up, r_down)
    y1, y2 = _gathery(yg, sa1, sb1)
    out = _combine(part, y1, y2)
    return out.reshape(1, S, D)

# --- scband reference (transcript-rebuilt; emitter-appended) ---
"""Pipeline reference for scband-llama-decoder-layer-52106543235533 (READ-ONLY COPY).

The authoritative reference and input builder live on the scoring server;
editing this copy changes nothing except your own understanding.
"""

import jax, jax.numpy as jnp
import numpy as np

B, S, D = 1, 2048, 576
H = 9
HD = D // H
LAT = D // 4
INTER = 1536
NR = 7
TOPK = 2
EPS = 1e-5

def rms_norm(x, w):
    return x * jax.lax.rsqrt(jnp.mean(x * x, axis=-1, keepdims=True) + EPS) * w

def rotate_half(x):
    x1 = x[..., : x.shape[-1] // 2]
    x2 = x[..., x.shape[-1] // 2 :]
    return jnp.concatenate((-x2, x1), axis=-1)

def _forward(x, ln1_w, ln2_w, wq_d, wkv_d, wq_u, wk_u, wv_u, wo, s_gate, s_up, s_down, r_gate, r_up, r_down, router_w, routing_bias):
    h = rms_norm(x, ln1_w)
    q = (h @ wq_d) @ wq_u
    kv = h @ wkv_d
    k = kv @ wk_u
    v = kv @ wv_u
    q = q.reshape(B, S, H, HD).transpose(0, 2, 1, 3)
    k = k.reshape(B, S, H, HD).transpose(0, 2, 1, 3)
    v = v.reshape(B, S, H, HD).transpose(0, 2, 1, 3)
    pos = jnp.arange(S, dtype=jnp.float32)
    inv_freq = 1.0 / (10000.0 ** (jnp.arange(0, HD, 2, dtype=jnp.float32) / HD))
    freqs = pos[:, None] * inv_freq[None, :]
    emb = jnp.concatenate((freqs, freqs), axis=-1)
    cos = jnp.cos(emb)[None, None, :, :]
    sin = jnp.sin(emb)[None, None, :, :]
    q = q * cos + rotate_half(q) * sin
    k = k * cos + rotate_half(k) * sin
    logits = jnp.einsum('bhqd,bhkd->bhqk', q, k) / jnp.sqrt(jnp.float32(HD))
    mask = jnp.tril(jnp.ones((S, S), dtype=bool))
    logits = jnp.where(mask[None, None], logits, jnp.float32(-1e30))
    attn = jnp.einsum('bhqk,bhkd->bhqd', jax.nn.softmax(logits, axis=-1), v)
    attn = attn.transpose(0, 2, 1, 3).reshape(B, S, D) @ wo
    x = x + attn
    h2 = rms_norm(x, ln2_w)
    xt = h2.reshape(-1, D)
    shared = (jax.nn.silu(xt @ s_gate) * (xt @ s_up)) @ s_down
    rlog = xt @ router_w + routing_bias
    rprobs = jax.nn.sigmoid(rlog)
    scores, idx = jax.lax.top_k(rprobs, TOPK)
    scores = scores / jnp.sum(scores, axis=-1, keepdims=True)
    weights = jnp.sum(scores[..., None] * jax.nn.one_hot(idx, NR, dtype=xt.dtype), axis=1)
    g = jnp.einsum('td,edf->etf', xt, r_gate)
    u = jnp.einsum('td,edf->etf', xt, r_up)
    eo = jnp.einsum('etf,efd->etd', jax.nn.silu(g) * u, r_down)
    routed = jnp.einsum('te,etd->td', weights, eo)
    moe_out = (shared + routed).reshape(B, S, D)
    return x + moe_out

def setup_inputs(seed: int = 0):
    key = jax.random.key(seed)
    ks = jax.random.split(key, 16)
    def w(k, shape):
        return jax.random.normal(k, shape, dtype=jnp.float32) * 0.02
    return {
        'x': jax.random.normal(ks[0], (B, S, D), dtype=jnp.float32),
        'ln1_w': jnp.ones((D,), dtype=jnp.float32),
        'ln2_w': jnp.ones((D,), dtype=jnp.float32),
        'wq_d': w(ks[1], (D, LAT)),
        'wkv_d': w(ks[2], (D, LAT)),
        'wq_u': w(ks[3], (LAT, D)),
        'wk_u': w(ks[4], (LAT, D)),
        'wv_u': w(ks[5], (LAT, D)),
        'wo': w(ks[6], (D, D)),
        's_gate': w(ks[7], (D, INTER)),
        's_up': w(ks[8], (D, INTER)),
        's_down': w(ks[9], (INTER, D)),
        'r_gate': w(ks[10], (NR, D, INTER)),
        'r_up': w(ks[11], (NR, D, INTER)),
        'r_down': w(ks[12], (NR, INTER, D)),
        'router_w': w(ks[13], (D, NR)),
        'routing_bias': jnp.zeros((NR,), dtype=jnp.float32),
    }

def reference(x, ln1_w, ln2_w, wq_d, wkv_d, wq_u, wk_u, wv_u, wo, s_gate, s_up, s_down, r_gate, r_up, r_down, router_w, routing_bias):
    return _forward(x, ln1_w, ln2_w, wq_d, wkv_d, wq_u, wk_u, wv_u, wo, s_gate, s_up, s_down, r_gate, r_up, r_down, router_w, routing_bias)

if __name__ == "__main__":
    import jax
    _d = setup_inputs()
    print(jax.jit(kernel)(*tuple(_d.values())))

</pallas_src>

<mosaic_0001>
#map = affine_map<(d0, d1) -> (0, 0)>
#map1 = affine_map<(d0, d1) -> (0)>
module attributes {stable_mosaic.version = 14 : i64} {
  func.func @_gatherx_body(%arg0: i32, %arg1: i32, %arg2: memref<2048x640xf32, #tpu.memory_space<hbm>>, %arg3: memref<5888xi32, #tpu.memory_space<hbm>>, %arg4: memref<5888x640xf32, #tpu.memory_space<hbm>>, %arg5: memref<184xi32, #tpu.memory_space<vmem>>, %arg6: memref<184x640xf32, #tpu.memory_space<vmem>>, %arg7: memref<!tpu.dma_semaphore, #tpu.memory_space<semaphore_mem>>) attributes {dimension_semantics = [#tpu.dimension_semantics<core_parallel>, #tpu.dimension_semantics<subcore_parallel>], iteration_bounds = array<i64: 2, 16>, scalar_prefetch = 0 : i64, scratch_operands = 3 : i64, tpu.core_type = #tpu.core_type<sc_vector_subcore>, window_params = [{transform_indices = #map}, {transform_indices = #map1}, {transform_indices = #map}]} {
    %mul3A = arith.constant 2 : i32
    %mul3A_0 = arith.muli %arg1, %mul3A : i32
    %add3A = arith.addi %mul3A_0, %arg0 : i32
    %mul3A_1 = arith.constant 184 : i32
    %mul3A_2 = arith.muli %add3A, %mul3A_1 : i32
    "tpu.region"() ({
      %run_scoped3A = tpu.sem_alloc : memref<!tpu.dma_semaphore, #tpu.memory_space<semaphore_mem>>
      %dma_start3A_7 = tpu.memref_slice %arg3[%mul3A_2] : memref<5888xi32, #tpu.memory_space<hbm>> -> memref<184xi32, #tpu.memory_space<hbm>>
      %dma_start3A_8 = tpu.memref_slice %arg3[%mul3A_2] : memref<5888xi32, #tpu.memory_space<hbm>> -> memref<184xi32, #tpu.memory_space<hbm>>
      tpu.enqueue_dma source(%dma_start3A_8 : memref<184xi32, #tpu.memory_space<hbm>>) target(%arg5 : memref<184xi32, #tpu.memory_space<vmem>>) target_semaphore(%run_scoped3A : memref<!tpu.dma_semaphore, #tpu.memory_space<semaphore_mem>>)
      %dma_wait3A_9 = tpu.memref_slice %arg3[%mul3A_2] : memref<5888xi32, #tpu.memory_space<hbm>> -> memref<184xi32, #tpu.memory_space<hbm>>
      %dma_wait3A_10 = tpu.memref_slice %arg3[%mul3A_2] : memref<5888xi32, #tpu.memory_space<hbm>> -> memref<184xi32, #tpu.memory_space<hbm>>
      tpu.wait_dma2 semaphore(%run_scoped3A : memref<!tpu.dma_semaphore, #tpu.memory_space<semaphore_mem>>) src(%dma_wait3A_10 : memref<184xi32, #tpu.memory_space<hbm>>) dst(%arg5 : memref<184xi32, #tpu.memory_space<vmem>>)
      tpu.yield
    }) : () -> ()
    %dma_start3A = arith.constant 0 : i32
    %dma_start3A_3 = arith.constant 0 : i32
    %dma_start3A_4 = tpu.memref_slice %arg2[%dma_start3A, %dma_start3A_3] : memref<2048x640xf32, #tpu.memory_space<hbm>> -> memref<2048x640xf32, #tpu.memory_space<hbm>>
    tpu.enqueue_indirect_dma source(%dma_start3A_4 : memref<2048x640xf32, #tpu.memory_space<hbm>>) target(%arg6 : memref<184x640xf32, #tpu.memory_space<vmem>>) offsets(%arg5 : memref<184xi32, #tpu.memory_space<vmem>>) semaphore(%arg7 : memref<!tpu.dma_semaphore, #tpu.memory_space<semaphore_mem>>)
    %dma_wait3A = arith.constant 0 : i32
    %dma_wait3A_5 = arith.constant 0 : i32
    %dma_wait3A_6 = tpu.memref_slice %arg2[%dma_wait3A, %dma_wait3A_5] : memref<2048x640xf32, #tpu.memory_space<hbm>> -> memref<2048x640xf32, #tpu.memory_space<hbm>>
    tpu.wait_indirect_dma semaphore(%arg7 : memref<!tpu.dma_semaphore, #tpu.memory_space<semaphore_mem>>) src(%dma_wait3A_6 : memref<2048x640xf32, #tpu.memory_space<hbm>>) dst(%arg6 : memref<184x640xf32, #tpu.memory_space<vmem>>)
    "tpu.region"() ({
      %run_scoped3A = tpu.sem_alloc : memref<!tpu.dma_semaphore, #tpu.memory_space<semaphore_mem>>
      %dma_start3A_7 = arith.constant 0 : i32
      %dma_start3A_8 = tpu.memref_slice %arg4[%mul3A_2, %dma_start3A_7] : memref<5888x640xf32, #tpu.memory_space<hbm>> -> memref<184x640xf32, #tpu.memory_space<hbm>>
      %dma_start3A_9 = arith.constant 0 : i32
      %dma_start3A_10 = tpu.memref_slice %arg4[%mul3A_2, %dma_start3A_9] : memref<5888x640xf32, #tpu.memory_space<hbm>> -> memref<184x640xf32, #tpu.memory_space<hbm>>
      tpu.enqueue_dma source(%arg6 : memref<184x640xf32, #tpu.memory_space<vmem>>) target(%dma_start3A_10 : memref<184x640xf32, #tpu.memory_space<hbm>>) target_semaphore(%run_scoped3A : memref<!tpu.dma_semaphore, #tpu.memory_space<semaphore_mem>>)
      %dma_wait3A_11 = arith.constant 0 : i32
      %dma_wait3A_12 = tpu.memref_slice %arg4[%mul3A_2, %dma_wait3A_11] : memref<5888x640xf32, #tpu.memory_space<hbm>> -> memref<184x640xf32, #tpu.memory_space<hbm>>
      %dma_wait3A_13 = arith.constant 0 : i32
      %dma_wait3A_14 = tpu.memref_slice %arg4[%mul3A_2, %dma_wait3A_13] : memref<5888x640xf32, #tpu.memory_space<hbm>> -> memref<184x640xf32, #tpu.memory_space<hbm>>
      tpu.wait_dma2 semaphore(%run_scoped3A : memref<!tpu.dma_semaphore, #tpu.memory_space<semaphore_mem>>) src(%arg6 : memref<184x640xf32, #tpu.memory_space<vmem>>) dst(%dma_wait3A_14 : memref<184x640xf32, #tpu.memory_space<hbm>>)
      tpu.yield
    }) : () -> ()
    return
  }
}

#map = affine_map<(d0, d1) -> (0, 0)>
#map1 = affine_map<(d0, d1) -> (0)>
module attributes {stable_mosaic.version = 14 : i64} {
  func.func @_gathery_body(%arg0: i32, %arg1: i32, %arg2: memref<5888x640xf32, #tpu.memory_space<hbm>>, %arg3: memref<2048xi32, #tpu.memory_space<hbm>>, %arg4: memref<2048xi32, #tpu.memory_space<hbm>>, %arg5: memref<2048x640xf32, #tpu.memory_space<hbm>>, %arg6: memref<2048x640xf32, #tpu.memory_space<hbm>>, %arg7: memref<64xi32, #tpu.memory_space<vmem>>, %arg8: memref<64xi32, #tpu.memory_space<vmem>>, %arg9: memref<64x640xf32, #tpu.memory_space<vmem>>, %arg10: memref<64x640xf32, #tpu.memory_space<vmem>>, %arg11: memref<!tpu.dma_semaphore, #tpu.memory_space<semaphore_mem>>) attributes {dimension_semantics = [#tpu.dimension_semantics<core_parallel>, #tpu.dimension_semantics<subcore_parallel>], iteration_bounds = array<i64: 2, 16>, scalar_prefetch = 0 : i64, scratch_operands = 5 : i64, tpu.core_type = #tpu.core_type<sc_vector_subcore>, window_params = [{transform_indices = #map}, {transform_indices = #map1}, {transform_indices = #map1}, {transform_indices = #map}, {transform_indices = #map}]} {
    %mul3A = arith.constant 2 : i32
    %mul3A_0 = arith.muli %arg1, %mul3A : i32
    %add3A = arith.addi %mul3A_0, %arg0 : i32
    %mul3A_1 = arith.constant 64 : i32
    %mul3A_2 = arith.muli %add3A, %mul3A_1 : i32
    "tpu.region"() ({
      %run_scoped3A = tpu.sem_alloc : memref<!tpu.dma_semaphore, #tpu.memory_space<semaphore_mem>>
      %dma_start3A_13 = tpu.memref_slice %arg3[%mul3A_2] : memref<2048xi32, #tpu.memory_space<hbm>> -> memref<64xi32, #tpu.memory_space<hbm>>
      %dma_start3A_14 = tpu.memref_slice %arg3[%mul3A_2] : memref<2048xi32, #tpu.memory_space<hbm>> -> memref<64xi32, #tpu.memory_space<hbm>>
      tpu.enqueue_dma source(%dma_start3A_14 : memref<64xi32, #tpu.memory_space<hbm>>) target(%arg7 : memref<64xi32, #tpu.memory_space<vmem>>) target_semaphore(%run_scoped3A : memref<!tpu.dma_semaphore, #tpu.memory_space<semaphore_mem>>)
      %dma_wait3A_15 = tpu.memref_slice %arg3[%mul3A_2] : memref<2048xi32, #tpu.memory_space<hbm>> -> memref<64xi32, #tpu.memory_space<hbm>>
      %dma_wait3A_16 = tpu.memref_slice %arg3[%mul3A_2] : memref<2048xi32, #tpu.memory_space<hbm>> -> memref<64xi32, #tpu.memory_space<hbm>>
      tpu.wait_dma2 semaphore(%run_scoped3A : memref<!tpu.dma_semaphore, #tpu.memory_space<semaphore_mem>>) src(%dma_wait3A_16 : memref<64xi32, #tpu.memory_space<hbm>>) dst(%arg7 : memref<64xi32, #tpu.memory_space<vmem>>)
      tpu.yield
    }) : () -> ()
    "tpu.region"() ({
      %run_scoped3A = tpu.sem_alloc : memref<!tpu.dma_semaphore, #tpu.memory_space<semaphore_mem>>
      %dma_start3A_13 = tpu.memref_slice %arg4[%mul3A_2] : memref<2048xi32, #tpu.memory_space<hbm>> -> memref<64xi32, #tpu.memory_space<hbm>>
      %dma_start3A_14 = tpu.memref_slice %arg4[%mul3A_2] : memref<2048xi32, #tpu.memory_space<hbm>> -> memref<64xi32, #tpu.memory_space<hbm>>
      tpu.enqueue_dma source(%dma_start3A_14 : memref<64xi32, #tpu.memory_space<hbm>>) target(%arg8 : memref<64xi32, #tpu.memory_space<vmem>>) target_semaphore(%run_scoped3A : memref<!tpu.dma_semaphore, #tpu.memory_space<semaphore_mem>>)
      %dma_wait3A_15 = tpu.memref_slice %arg4[%mul3A_2] : memref<2048xi32, #tpu.memory_space<hbm>> -> memref<64xi32, #tpu.memory_space<hbm>>
      %dma_wait3A_16 = tpu.memref_slice %arg4[%mul3A_2] : memref<2048xi32, #tpu.memory_space<hbm>> -> memref<64xi32, #tpu.memory_space<hbm>>
      tpu.wait_dma2 semaphore(%run_scoped3A : memref<!tpu.dma_semaphore, #tpu.memory_space<semaphore_mem>>) src(%dma_wait3A_16 : memref<64xi32, #tpu.memory_space<hbm>>) dst(%arg8 : memref<64xi32, #tpu.memory_space<vmem>>)
      tpu.yield
    }) : () -> ()
    %dma_start3A = arith.constant 0 : i32
    %dma_start3A_3 = arith.constant 0 : i32
    %dma_start3A_4 = tpu.memref_slice %arg2[%dma_start3A, %dma_start3A_3] : memref<5888x640xf32, #tpu.memory_space<hbm>> -> memref<5888x640xf32, #tpu.memory_space<hbm>>
    tpu.enqueue_indirect_dma source(%dma_start3A_4 : memref<5888x640xf32, #tpu.memory_space<hbm>>) target(%arg9 : memref<64x640xf32, #tpu.memory_space<vmem>>) offsets(%arg7 : memref<64xi32, #tpu.memory_space<vmem>>) semaphore(%arg11 : memref<!tpu.dma_semaphore, #tpu.memory_space<semaphore_mem>>)
    %dma_start3A_5 = arith.constant 0 : i32
    %dma_start3A_6 = arith.constant 0 : i32
    %dma_start3A_7 = tpu.memref_slice %arg2[%dma_start3A_5, %dma_start3A_6] : memref<5888x640xf32, #tpu.memory_space<hbm>> -> memref<5888x640xf32, #tpu.memory_space<hbm>>
    tpu.enqueue_indirect_dma source(%dma_start3A_7 : memref<5888x640xf32, #tpu.memory_space<hbm>>) target(%arg10 : memref<64x640xf32, #tpu.memory_space<vmem>>) offsets(%arg8 : memref<64xi32, #tpu.memory_space<vmem>>) semaphore(%arg11 : memref<!tpu.dma_semaphore, #tpu.memory_space<semaphore_mem>>)
    %dma_wait3A = arith.constant 0 : i32
    %dma_wait3A_8 = arith.constant 0 : i32
    %dma_wait3A_9 = tpu.memref_slice %arg2[%dma_wait3A, %dma_wait3A_8] : memref<5888x640xf32, #tpu.memory_space<hbm>> -> memref<5888x640xf32, #tpu.memory_space<hbm>>
    tpu.wait_indirect_dma semaphore(%arg11 : memref<!tpu.dma_semaphore, #tpu.memory_space<semaphore_mem>>) src(%dma_wait3A_9 : memref<5888x640xf32, #tpu.memory_space<hbm>>) dst(%arg9 : memref<64x640xf32, #tpu.memory_space<vmem>>)
    %dma_wait3A_10 = arith.constant 0 : i32
    %dma_wait3A_11 = arith.constant 0 : i32
    %dma_wait3A_12 = tpu.memref_slice %arg2[%dma_wait3A_10, %dma_wait3A_11] : memref<5888x640xf32, #tpu.memory_space<hbm>> -> memref<5888x640xf32, #tpu.memory_space<hbm>>
    tpu.wait_indirect_dma semaphore(%arg11 : memref<!tpu.dma_semaphore, #tpu.memory_space<semaphore_mem>>) src(%dma_wait3A_12 : memref<5888x640xf32, #tpu.memory_space<hbm>>) dst(%arg10 : memref<64x640xf32, #tpu.memory_space<vmem>>)
    "tpu.region"() ({
      %run_scoped3A = tpu.sem_alloc : memref<!tpu.dma_semaphore, #tpu.memory_space<semaphore_mem>>
      %dma_start3A_13 = arith.constant 0 : i32
      %dma_start3A_14 = tpu.memref_slice %arg5[%mul3A_2, %dma_start3A_13] : memref<2048x640xf32, #tpu.memory_space<hbm>> -> memref<64x640xf32, #tpu.memory_space<hbm>>
      %dma_start3A_15 = arith.constant 0 : i32
      %dma_start3A_16 = tpu.memref_slice %arg5[%mul3A_2, %dma_start3A_15] : memref<2048x640xf32, #tpu.memory_space<hbm>> -> memref<64x640xf32, #tpu.memory_space<hbm>>
      tpu.enqueue_dma source(%arg9 : memref<64x640xf32, #tpu.memory_space<vmem>>) target(%dma_start3A_16 : memref<64x640xf32, #tpu.memory_space<hbm>>) target_semaphore(%run_scoped3A : memref<!tpu.dma_semaphore, #tpu.memory_space<semaphore_mem>>)
      %dma_wait3A_17 = arith.constant 0 : i32
      %dma_wait3A_18 = tpu.memref_slice %arg5[%mul3A_2, %dma_wait3A_17] : memref<2048x640xf32, #tpu.memory_space<hbm>> -> memref<64x640xf32, #tpu.memory_space<hbm>>
      %dma_wait3A_19 = arith.constant 0 : i32
      %dma_wait3A_20 = tpu.memref_slice %arg5[%mul3A_2, %dma_wait3A_19] : memref<2048x640xf32, #tpu.memory_space<hbm>> -> memref<64x640xf32, #tpu.memory_space<hbm>>
      tpu.wait_dma2 semaphore(%run_scoped3A : memref<!tpu.dma_semaphore, #tpu.memory_space<semaphore_mem>>) src(%arg9 : memref<64x640xf32, #tpu.memory_space<vmem>>) dst(%dma_wait3A_20 : memref<64x640xf32, #tpu.memory_space<hbm>>)
      tpu.yield
    }) : () -> ()
    "tpu.region"() ({
      %run_scoped3A = tpu.sem_alloc : memref<!tpu.dma_semaphore, #tpu.memory_space<semaphore_mem>>
      %dma_start3A_13 = arith.constant 0 : i32
      %dma_start3A_14 = tpu.memref_slice %arg6[%mul3A_2, %dma_start3A_13] : memref<2048x640xf32, #tpu.memory_space<hbm>> -> memref<64x640xf32, #tpu.memory_space<hbm>>
      %dma_start3A_15 = arith.constant 0 : i32
      %dma_start3A_16 = tpu.memref_slice %arg6[%mul3A_2, %dma_start3A_15] : memref<2048x640xf32, #tpu.memory_space<hbm>> -> memref<64x640xf32, #tpu.memory_space<hbm>>
      tpu.enqueue_dma source(%arg10 : memref<64x640xf32, #tpu.memory_space<vmem>>) target(%dma_start3A_16 : memref<64x640xf32, #tpu.memory_space<hbm>>) target_semaphore(%run_scoped3A : memref<!tpu.dma_semaphore, #tpu.memory_space<semaphore_mem>>)
      %dma_wait3A_17 = arith.constant 0 : i32
      %dma_wait3A_18 = tpu.memref_slice %arg6[%mul3A_2, %dma_wait3A_17] : memref<2048x640xf32, #tpu.memory_space<hbm>> -> memref<64x640xf32, #tpu.memory_space<hbm>>
      %dma_wait3A_19 = arith.constant 0 : i32
      %dma_wait3A_20 = tpu.memref_slice %arg6[%mul3A_2, %dma_wait3A_19] : memref<2048x640xf32, #tpu.memory_space<hbm>> -> memref<64x640xf32, #tpu.memory_space<hbm>>
      tpu.wait_dma2 semaphore(%run_scoped3A : memref<!tpu.dma_semaphore, #tpu.memory_space<semaphore_mem>>) src(%arg10 : memref<64x640xf32, #tpu.memory_space<vmem>>) dst(%dma_wait3A_20 : memref<64x640xf32, #tpu.memory_space<hbm>>)
      tpu.yield
    }) : () -> ()
    return
  }
}

module attributes {stable_mosaic.version = 14 : i64} {
  func.func @_qkv_body(%arg0: i32, %arg1: memref<512x576xf32, #tpu.memory_space<vmem>>, %arg2: memref<1x576xf32, #tpu.memory_space<vmem>>, %arg3: memref<576x144xf32, #tpu.memory_space<vmem>>, %arg4: memref<144x576xf32, #tpu.memory_space<vmem>>, %arg5: memref<576x144xf32, #tpu.memory_space<vmem>>, %arg6: memref<144x576xf32, #tpu.memory_space<vmem>>, %arg7: memref<144x576xf32, #tpu.memory_space<vmem>>, %arg8: memref<512x576xbf16, #tpu.memory_space<vmem>>, %arg9: memref<512x576xbf16, #tpu.memory_space<vmem>>, %arg10: memref<512x576xbf16, #tpu.memory_space<vmem>>) attributes {dimension_semantics = [#tpu.dimension_semantics<arbitrary>], iteration_bounds = array<i64: 4>, scalar_prefetch = 0 : i64, scratch_operands = 0 : i64, tpu.core_type = #tpu.core_type<tc>, window_params = [{transform_indices = @transform_0, window_bounds = array<i64: 512, 576>}, {pipeline_mode = #tpu.pipeline_mode<synchronous>, transform_indices = @transform_1, window_bounds = array<i64: 1, 576>}, {pipeline_mode = #tpu.pipeline_mode<synchronous>, transform_indices = @transform_2, window_bounds = array<i64: 576, 144>}, {pipeline_mode = #tpu.pipeline_mode<synchronous>, transform_indices = @transform_3, window_bounds = array<i64: 144, 576>}, {pipeline_mode = #tpu.pipeline_mode<synchronous>, transform_indices = @transform_4, window_bounds = array<i64: 576, 144>}, {pipeline_mode = #tpu.pipeline_mode<synchronous>, transform_indices = @transform_5, window_bounds = array<i64: 144, 576>}, {pipeline_mode = #tpu.pipeline_mode<synchronous>, transform_indices = @transform_6, window_bounds = array<i64: 144, 576>}, {transform_indices = @transform_7, window_bounds = array<i64: 512, 576>}, {transform_indices = @transform_8, window_bounds = array<i64: 512, 576>}, {transform_indices = @transform_9, window_bounds = array<i64: 512, 576>}]} {
    %get3A = arith.constant 0 : index
    %get3A_0 = arith.constant 0 : index
    %get3A_1 = vector.load %arg1[%get3A, %get3A_0] : memref<512x576xf32, #tpu.memory_space<vmem>>, vector<512x576xf32>
    %mul3A = arith.mulf %get3A_1, %get3A_1 : vector<512x576xf32>
    %reduce_sum3A = arith.constant dense<0.000000e+00> : vector<512xf32>
    %reduce_sum3A_2 = vector.multi_reduction <add>, %mul3A, %reduce_sum3A [1] : vector<512x576xf32> to vector<512xf32>
    %broadcast_in_dim3A = vector.shape_cast %reduce_sum3A_2 : vector<512xf32> to vector<512x1xf32>
    %div3A = arith.constant 5.760000e+02 : f32
    %div3A_3 = vector.broadcast %div3A : f32 to vector<512x1xf32>
    %div3A_4 = arith.divf %broadcast_in_dim3A, %div3A_3 : vector<512x1xf32>
    %add3A = arith.constant 9.99999974E-6 : f32
    %add3A_5 = vector.broadcast %add3A : f32 to vector<512x1xf32>
    %add3A_6 = arith.addf %div3A_4, %add3A_5 : vector<512x1xf32>
    %rsqrt3A = math.rsqrt %add3A_6 : vector<512x1xf32>
    %mul3A_7 = vector.broadcast %rsqrt3A : vector<512x1xf32> to vector<512x576xf32>
    %mul3A_8 = arith.mulf %get3A_1, %mul3A_7 : vector<512x576xf32>
    %get3A_9 = arith.constant 0 : index
    %get3A_10 = arith.constant 0 : index
    %get3A_11 = vector.load %arg2[%get3A_9, %get3A_10] : memref<1x576xf32, #tpu.memory_space<vmem>>, vector<1x576xf32>
    %mul3A_12 = vector.broadcast %get3A_11 : vector<1x576xf32> to vector<512x576xf32>
    %mul3A_13 = arith.mulf %mul3A_8, %mul3A_12 : vector<512x576xf32>
    %get3A_14 = arith.constant 0 : index
    %get3A_15 = arith.constant 0 : index
    %get3A_16 = vector.load %arg3[%get3A_14, %get3A_15] : memref<576x144xf32, #tpu.memory_space<vmem>>, vector<576x144xf32>
    %dot_general3A = arith.constant dense<0.000000e+00> : vector<512x144xf32>
    %dot_general3A_17 = tpu.matmul %mul3A_13, %get3A_16, %dot_general3A {dimension_numbers = #tpu.dot_dimension_numbers<[1], [0], [0], [1], [0, 0, 1, 1], [], []>, transpose_lhs_hint = false} : vector<512x576xf32>, vector<576x144xf32>, vector<512x144xf32> -> vector<512x144xf32>
    %get3A_18 = arith.constant 0 : index
    %get3A_19 = arith.constant 0 : index
    %get3A_20 = vector.load %arg4[%get3A_18, %get3A_19] : memref<144x576xf32, #tpu.memory_space<vmem>>, vector<144x576xf32>
    %dot_general3A_21 = arith.constant dense<0.000000e+00> : vector<512x576xf32>
    %dot_general3A_22 = tpu.matmul %dot_general3A_17, %get3A_20, %dot_general3A_21 {dimension_numbers = #tpu.dot_dimension_numbers<[1], [0], [0], [1], [0, 0, 1, 1], [], []>, transpose_lhs_hint = false} : vector<512x144xf32>, vector<144x576xf32>, vector<512x576xf32> -> vector<512x576xf32>
    %get3A_23 = arith.constant 0 : index
    %get3A_24 = arith.constant 0 : index
    %get3A_25 = vector.load %arg5[%get3A_23, %get3A_24] : memref<576x144xf32, #tpu.memory_space<vmem>>, vector<576x144xf32>
    %dot_general3A_26 = arith.constant dense<0.000000e+00> : vector<512x144xf32>
    %dot_general3A_27 = tpu.matmul %mul3A_13, %get3A_25, %dot_general3A_26 {dimension_numbers = #tpu.dot_dimension_numbers<[1], [0], [0], [1], [0, 0, 1, 1], [], []>, transpose_lhs_hint = false} : vector<512x576xf32>, vector<576x144xf32>, vector<512x144xf32> -> vector<512x144xf32>
    %get3A_28 = arith.constant 0 : index
    %get3A_29 = arith.constant 0 : index
    %get3A_30 = vector.load %arg6[%get3A_28, %get3A_29] : memref<144x576xf32, #tpu.memory_space<vmem>>, vector<144x576xf32>
    %dot_general3A_31 = arith.constant dense<0.000000e+00> : vector<512x576xf32>
    %dot_general3A_32 = tpu.matmul %dot_general3A_27, %get3A_30, %dot_general3A_31 {dimension_numbers = #tpu.dot_dimension_numbers<[1], [0], [0], [1], [0, 0, 1, 1], [], []>, transpose_lhs_hint = false} : vector<512x144xf32>, vector<144x576xf32>, vector<512x576xf32> -> vector<512x576xf32>
    %get3A_33 = arith.constant 0 : index
    %get3A_34 = arith.constant 0 : index
    %get3A_35 = vector.load %arg7[%get3A_33, %get3A_34] : memref<144x576xf32, #tpu.memory_space<vmem>>, vector<144x576xf32>
    %dot_general3A_36 = arith.constant dense<0.000000e+00> : vector<512x576xf32>
    %dot_general3A_37 = tpu.matmul %dot_general3A_27, %get3A_35, %dot_general3A_36 {dimension_numbers = #tpu.dot_dimension_numbers<[1], [0], [0], [1], [0, 0, 1, 1], [], []>, transpose_lhs_hint = false} : vector<512x144xf32>, vector<144x576xf32>, vector<512x576xf32> -> vector<512x576xf32>
    %mul3A_38 = arith.constant 512 : i32
    %mul3A_39 = arith.muli %arg0, %mul3A_38 : i32
    %iota3A = tpu.iota {dimensions = array<i32: 0>} : vector<512x64xi32>
    %add3A_40 = vector.broadcast %mul3A_39 : i32 to vector<512x64xi32>
    %add3A_41 = arith.addi %add3A_40, %iota3A : vector<512x64xi32>
    %convert_element_type3A = arith.sitofp %add3A_41 : vector<512x64xi32> to vector<512x64xf32>
    %iota3A_42 = tpu.iota {dimensions = array<i32: 1>} : vector<512x64xi32>
    %lt3A = arith.constant 32 : i32
    %lt3A_43 = vector.broadcast %lt3A : i32 to vector<512x64xi32>
    %lt3A_44 = arith.cmpi slt, %iota3A_42, %lt3A_43 : vector<512x64xi32>
    %sub3A = arith.constant 32 : i32
    %sub3A_45 = vector.broadcast %sub3A : i32 to vector<512x64xi32>
    %sub3A_46 = arith.subi %iota3A_42, %sub3A_45 : vector<512x64xi32>
    %select_n3A = arith.select %lt3A_44, %iota3A_42, %sub3A_46 : vector<512x64xi1>, vector<512x64xi32>
    %convert_element_type3A_47 = arith.sitofp %select_n3A : vector<512x64xi32> to vector<512x64xf32>
    %log3A = arith.constant 1.000000e+04 : f32
    %log3A_48 = math.log %log3A : f32
    %mul3A_49 = arith.constant -2.000000e+00 : f32
    %mul3A_50 = arith.mulf %mul3A_49, %log3A_48 : f32
    %div3A_51 = arith.constant 6.400000e+01 : f32
    %div3A_52 = arith.divf %mul3A_50, %div3A_51 : f32
    %mul3A_53 = vector.broadcast %div3A_52 : f32 to vector<512x64xf32>
    %mul3A_54 = arith.mulf %convert_element_type3A_47, %mul3A_53 : vector<512x64xf32>
    %exp3A = math.exp %mul3A_54 : vector<512x64xf32>
    %mul3A_55 = arith.mulf %convert_element_type3A, %exp3A : vector<512x64xf32>
    %cos3A = math.cos %mul3A_55 : vector<512x64xf32>
    %sin3A = math.sin %mul3A_55 : vector<512x64xf32>
    %slice3A = vector.extract_strided_slice %dot_general3A_22 {offsets = [0, 0], sizes = [512, 64], strides = [1, 1]} : vector<512x576xf32> to vector<512x64xf32>
    %slice3A_56 = vector.extract_strided_slice %slice3A {offsets = [0, 32], sizes = [512, 32], strides = [1, 1]} : vector<512x64xf32> to vector<512x32xf32>
    %neg3A = arith.constant 0.000000e+00 : f32
    %neg3A_57 = vector.broadcast %neg3A : f32 to vector<512x32xf32>
    %neg3A_58 = arith.subf %neg3A_57, %slice3A_56 : vector<512x32xf32>
    %slice3A_59 = vector.extract_strided_slice %slice3A {offsets = [0, 0], sizes = [512, 32], strides = [1, 1]} : vector<512x64xf32> to vector<512x32xf32>
    %concatenate3A = tpu.concatenate %neg3A_58, %slice3A_59 in 1 : vector<512x32xf32>, vector<512x32xf32> -> vector<512x64xf32>
    %mul3A_60 = arith.mulf %slice3A, %cos3A : vector<512x64xf32>
    %mul3A_61 = arith.mulf %concatenate3A, %sin3A : vector<512x64xf32>
    %add3A_62 = arith.addf %mul3A_60, %mul3A_61 : vector<512x64xf32>
    %slice3A_63 = vector.extract_strided_slice %dot_general3A_22 {offsets = [0, 64], sizes = [512, 64], strides = [1, 1]} : vector<512x576xf32> to vector<512x64xf32>
    %slice3A_64 = vector.extract_strided_slice %slice3A_63 {offsets = [0, 32], sizes = [512, 32], strides = [1, 1]} : vector<512x64xf32> to vector<512x32xf32>
    %neg3A_65 = arith.constant 0.000000e+00 : f32
    %neg3A_66 = vector.broadcast %neg3A_65 : f32 to vector<512x32xf32>
    %neg3A_67 = arith.subf %neg3A_66, %slice3A_64 : vector<512x32xf32>
    %slice3A_68 = vector.extract_strided_slice %slice3A_63 {offsets = [0, 0], sizes = [512, 32], strides = [1, 1]} : vector<512x64xf32> to vector<512x32xf32>
    %concatenate3A_69 = tpu.concatenate %neg3A_67, %slice3A_68 in 1 : vector<512x32xf32>, vector<512x32xf32> -> vector<512x64xf32>
    %mul3A_70 = arith.mulf %slice3A_63, %cos3A : vector<512x64xf32>
    %mul3A_71 = arith.mulf %concatenate3A_69, %sin3A : vector<512x64xf32>
    %add3A_72 = arith.addf %mul3A_70, %mul3A_71 : vector<512x64xf32>
    %slice3A_73 = vector.extract_strided_slice %dot_general3A_22 {offsets = [0, 128], sizes = [512, 64], strides = [1, 1]} : vector<512x576xf32> to vector<512x64xf32>
    %slice3A_74 = vector.extract_strided_slice %slice3A_73 {offsets = [0, 32], sizes = [512, 32], strides = [1, 1]} : vector<512x64xf32> to vector<512x32xf32>
    %neg3A_75 = arith.constant 0.000000e+00 : f32
    %neg3A_76 = vector.broadcast %neg3A_75 : f32 to vector<512x32xf32>
    %neg3A_77 = arith.subf %neg3A_76, %slice3A_74 : vector<512x32xf32>
    %slice3A_78 = vector.extract_strided_slice %slice3A_73 {offsets = [0, 0], sizes = [512, 32], strides = [1, 1]} : vector<512x64xf32> to vector<512x32xf32>
    %concatenate3A_79 = tpu.concatenate %neg3A_77, %slice3A_78 in 1 : vector<512x32xf32>, vector<512x32xf32> -> vector<512x64xf32>
    %mul3A_80 = arith.mulf %slice3A_73, %cos3A : vector<512x64xf32>
    %mul3A_81 = arith.mulf %concatenate3A_79, %sin3A : vector<512x64xf32>
    %add3A_82 = arith.addf %mul3A_80, %mul3A_81 : vector<512x64xf32>
    %slice3A_83 = vector.extract_strided_slice %dot_general3A_22 {offsets = [0, 192], sizes = [512, 64], strides = [1, 1]} : vector<512x576xf32> to vector<512x64xf32>
    %slice3A_84 = vector.extract_strided_slice %slice3A_83 {offsets = [0, 32], sizes = [512, 32], strides = [1, 1]} : vector<512x64xf32> to vector<512x32xf32>
    %neg3A_85 = arith.constant 0.000000e+00 : f32
    %neg3A_86 = vector.broadcast %neg3A_85 : f32 to vector<512x32xf32>
    %neg3A_87 = arith.subf %neg3A_86, %slice3A_84 : vector<512x32xf32>
    %slice3A_88 = vector.extract_strided_slice %slice3A_83 {offsets = [0, 0], sizes = [512, 32], strides = [1, 1]} : vector<512x64xf32> to vector<512x32xf32>
    %concatenate3A_89 = tpu.concatenate %neg3A_87, %slice3A_88 in 1 : vector<512x32xf32>, vector<512x32xf32> -> vector<512x64xf32>
    %mul3A_90 = arith.mulf %slice3A_83, %cos3A : vector<512x64xf32>
    %mul3A_91 = arith.mulf %concatenate3A_89, %sin3A : vector<512x64xf32>
    %add3A_92 = arith.addf %mul3A_90, %mul3A_91 : vector<512x64xf32>
    %slice3A_93 = vector.extract_strided_slice %dot_general3A_22 {offsets = [0, 256], sizes = [512, 64], strides = [1, 1]} : vector<512x576xf32> to vector<512x64xf32>
    %slice3A_94 = vector.extract_strided_slice %slice3A_93 {offsets = [0, 32], sizes = [512, 32], strides = [1, 1]} : vector<512x64xf32> to vector<512x32xf32>
    %neg3A_95 = arith.constant 0.000000e+00 : f32
    %neg3A_96 = vector.broadcast %neg3A_95 : f32 to vector<512x32xf32>
    %neg3A_97 = arith.subf %neg3A_96, %slice3A_94 : vector<512x32xf32>
    %slice3A_98 = vector.extract_strided_slice %slice3A_93 {offsets = [0, 0], sizes = [512, 32], strides = [1, 1]} : vector<512x64xf32> to vector<512x32xf32>
    %concatenate3A_99 = tpu.concatenate %neg3A_97, %slice3A_98 in 1 : vector<512x32xf32>, vector<512x32xf32> -> vector<512x64xf32>
    %mul3A_100 = arith.mulf %slice3A_93, %cos3A : vector<512x64xf32>
    %mul3A_101 = arith.mulf %concatenate3A_99, %sin3A : vector<512x64xf32>
    %add3A_102 = arith.addf %mul3A_100, %mul3A_101 : vector<512x64xf32>
    %slice3A_103 = vector.extract_strided_slice %dot_general3A_22 {offsets = [0, 320], sizes = [512, 64], strides = [1, 1]} : vector<512x576xf32> to vector<512x64xf32>
    %slice3A_104 = vector.extract_strided_slice %slice3A_103 {offsets = [0, 32], sizes = [512, 32], strides = [1, 1]} : vector<512x64xf32> to vector<512x32xf32>
    %neg3A_105 = arith.constant 0.000000e+00 : f32
    %neg3A_106 = vector.broadcast %neg3A_105 : f32 to vector<512x32xf32>
    %neg3A_107 = arith.subf %neg3A_106, %slice3A_104 : vector<512x32xf32>
    %slice3A_108 = vector.extract_strided_slice %slice3A_103 {offsets = [0, 0], sizes = [512, 32], strides = [1, 1]} : vector<512x64xf32> to vector<512x32xf32>
    %concatenate3A_109 = tpu.concatenate %neg3A_107, %slice3A_108 in 1 : vector<512x32xf32>, vector<512x32xf32> -> vector<512x64xf32>
    %mul3A_110 = arith.mulf %slice3A_103, %cos3A : vector<512x64xf32>
    %mul3A_111 = arith.mulf %concatenate3A_109, %sin3A : vector<512x64xf32>
    %add3A_112 = arith.addf %mul3A_110, %mul3A_111 : vector<512x64xf32>
    %slice3A_113 = vector.extract_strided_slice %dot_general3A_22 {offsets = [0, 384], sizes = [512, 64], strides = [1, 1]} : vector<512x576xf32> to vector<512x64xf32>
    %slice3A_114 = vector.extract_strided_slice %slice3A_113 {offsets = [0, 32], sizes = [512, 32], strides = [1, 1]} : vector<512x64xf32> to vector<512x32xf32>
    %neg3A_115 = arith.constant 0.000000e+00 : f32
    %neg3A_116 = vector.broadcast %neg3A_115 : f32 to vector<512x32xf32>
    %neg3A_117 = arith.subf %neg3A_116, %slice3A_114 : vector<512x32xf32>
    %slice3A_118 = vector.extract_strided_slice %slice3A_113 {offsets = [0, 0], sizes = [512, 32], strides = [1, 1]} : vector<512x64xf32> to vector<512x32xf32>
    %concatenate3A_119 = tpu.concatenate %neg3A_117, %slice3A_118 in 1 : vector<512x32xf32>, vector<512x32xf32> -> vector<512x64xf32>
    %mul3A_120 = arith.mulf %slice3A_113, %cos3A : vector<512x64xf32>
    %mul3A_121 = arith.mulf %concatenate3A_119, %sin3A : vector<512x64xf32>
    %add3A_122 = arith.addf %mul3A_120, %mul3A_121 : vector<512x64xf32>
    %slice3A_123 = vector.extract_strided_slice %dot_general3A_22 {offsets = [0, 448], sizes = [512, 64], strides = [1, 1]} : vector<512x576xf32> to vector<512x64xf32>
    %slice3A_124 = vector.extract_strided_slice %slice3A_123 {offsets = [0, 32], sizes = [512, 32], strides = [1, 1]} : vector<512x64xf32> to vector<512x32xf32>
    %neg3A_125 = arith.constant 0.000000e+00 : f32
    %neg3A_126 = vector.broadcast %neg3A_125 : f32 to vector<512x32xf32>
    %neg3A_127 = arith.subf %neg3A_126, %slice3A_124 : vector<512x32xf32>
    %slice3A_128 = vector.extract_strided_slice %slice3A_123 {offsets = [0, 0], sizes = [512, 32], strides = [1, 1]} : vector<512x64xf32> to vector<512x32xf32>
    %concatenate3A_129 = tpu.concatenate %neg3A_127, %slice3A_128 in 1 : vector<512x32xf32>, vector<512x32xf32> -> vector<512x64xf32>
    %mul3A_130 = arith.mulf %slice3A_123, %cos3A : vector<512x64xf32>
    %mul3A_131 = arith.mulf %concatenate3A_129, %sin3A : vector<512x64xf32>
    %add3A_132 = arith.addf %mul3A_130, %mul3A_131 : vector<512x64xf32>
    %slice3A_133 = vector.extract_strided_slice %dot_general3A_22 {offsets = [0, 512], sizes = [512, 64], strides = [1, 1]} : vector<512x576xf32> to vector<512x64xf32>
    %slice3A_134 = vector.extract_strided_slice %slice3A_133 {offsets = [0, 32], sizes = [512, 32], strides = [1, 1]} : vector<512x64xf32> to vector<512x32xf32>
    %neg3A_135 = arith.constant 0.000000e+00 : f32
    %neg3A_136 = vector.broadcast %neg3A_135 : f32 to vector<512x32xf32>
    %neg3A_137 = arith.subf %neg3A_136, %slice3A_134 : vector<512x32xf32>
    %slice3A_138 = vector.extract_strided_slice %slice3A_133 {offsets = [0, 0], sizes = [512, 32], strides = [1, 1]} : vector<512x64xf32> to vector<512x32xf32>
    %concatenate3A_139 = tpu.concatenate %neg3A_137, %slice3A_138 in 1 : vector<512x32xf32>, vector<512x32xf32> -> vector<512x64xf32>
    %mul3A_140 = arith.mulf %slice3A_133, %cos3A : vector<512x64xf32>
    %mul3A_141 = arith.mulf %concatenate3A_139, %sin3A : vector<512x64xf32>
    %add3A_142 = arith.addf %mul3A_140, %mul3A_141 : vector<512x64xf32>
    %concatenate3A_143 = tpu.concatenate %add3A_62, %add3A_72, %add3A_82, %add3A_92, %add3A_102, %add3A_112, %add3A_122, %add3A_132, %add3A_142 in 1 : vector<512x64xf32>, vector<512x64xf32>, vector<512x64xf32>, vector<512x64xf32>, vector<512x64xf32>, vector<512x64xf32>, vector<512x64xf32>, vector<512x64xf32>, vector<512x64xf32> -> vector<512x576xf32>
    %convert_element_type3A_144 = arith.truncf %concatenate3A_143 : vector<512x576xf32> to vector<512x576xbf16>
    %swap3A = arith.constant 0 : index
    %swap3A_145 = arith.constant 0 : index
    %swap3A_146 = vector.load %arg8[%swap3A, %swap3A_145] : memref<512x576xbf16, #tpu.memory_space<vmem>>, vector<512x576xbf16>
    tpu.vector_store %arg8[%swap3A, %swap3A_145], %convert_element_type3A_144 {strides = array<i32>} : memref<512x576xbf16, #tpu.memory_space<vmem>>, vector<512x576xbf16>,
    %slice3A_147 = vector.extract_strided_slice %dot_general3A_32 {offsets = [0, 0], sizes = [512, 64], strides = [1, 1]} : vector<512x576xf32> to vector<512x64xf32>
    %slice3A_148 = vector.extract_strided_slice %slice3A_147 {offsets = [0, 32], sizes = [512, 32], strides = [1, 1]} : vector<512x64xf32> to vector<512x32xf32>
    %neg3A_149 = arith.constant 0.000000e+00 : f32
    %neg3A_150 = vector.broadcast %neg3A_149 : f32 to vector<512x32xf32>
    %neg3A_151 = arith.subf %neg3A_150, %slice3A_148 : vector<512x32xf32>
    %slice3A_152 = vector.extract_strided_slice %slice3A_147 {offsets = [0, 0], sizes = [512, 32], strides = [1, 1]} : vector<512x64xf32> to vector<512x32xf32>
    %concatenate3A_153 = tpu.concatenate %neg3A_151, %slice3A_152 in 1 : vector<512x32xf32>, vector<512x32xf32> -> vector<512x64xf32>
    %mul3A_154 = arith.mulf %slice3A_147, %cos3A : vector<512x64xf32>
    %mul3A_155 = arith.mulf %concatenate3A_153, %sin3A : vector<512x64xf32>
    %add3A_156 = arith.addf %mul3A_154, %mul3A_155 : vector<512x64xf32>
    %slice3A_157 = vector.extract_strided_slice %dot_general3A_32 {offsets = [0, 64], sizes = [512, 64], strides = [1, 1]} : vector<512x576xf32> to vector<512x64xf32>
    %slice3A_158 = vector.extract_strided_slice %slice3A_157 {offsets = [0, 32], sizes = [512, 32], strides = [1, 1]} : vector<512x64xf32> to vector<512x32xf32>
    %neg3A_159 = arith.constant 0.000000e+00 : f32
    %neg3A_160 = vector.broadcast %neg3A_159 : f32 to vector<512x32xf32>
    %neg3A_161 = arith.subf %neg3A_160, %slice3A_158 : vector<512x32xf32>
    %slice3A_162 = vector.extract_strided_slice %slice3A_157 {offsets = [0, 0], sizes = [512, 32], strides = [1, 1]} : vector<512x64xf32> to vector<512x32xf32>
    %concatenate3A_163 = tpu.concatenate %neg3A_161, %slice3A_162 in 1 : vector<512x32xf32>, vector<512x32xf32> -> vector<512x64xf32>
    %mul3A_164 = arith.mulf %slice3A_157, %cos3A : vector<512x64xf32>
    %mul3A_165 = arith.mulf %concatenate3A_163, %sin3A : vector<512x64xf32>
    %add3A_166 = arith.addf %mul3A_164, %mul3A_165 : vector<512x64xf32>
    %slice3A_167 = vector.extract_strided_slice %dot_general3A_32 {offsets = [0, 128], sizes = [512, 64], strides = [1, 1]} : vector<512x576xf32> to vector<512x64xf32>
    %slice3A_168 = vector.extract_strided_slice %slice3A_167 {offsets = [0, 32], sizes = [512, 32], strides = [1, 1]} : vector<512x64xf32> to vector<512x32xf32>
    %neg3A_169 = arith.constant 0.000000e+00 : f32
    %neg3A_170 = vector.broadcast %neg3A_169 : f32 to vector<512x32xf32>
    %neg3A_171 = arith.subf %neg3A_170, %slice3A_168 : vector<512x32xf32>
    %slice3A_172 = vector.extract_strided_slice %slice3A_167 {offsets = [0, 0], sizes = [512, 32], strides = [1, 1]} : vector<512x64xf32> to vector<512x32xf32>
    %concatenate3A_173 = tpu.concatenate %neg3A_171, %slice3A_172 in 1 : vector<512x32xf32>, vector<512x32xf32> -> vector<512x64xf32>
    %mul3A_174 = arith.mulf %slice3A_167, %cos3A : vector<512x64xf32>
    %mul3A_175 = arith.mulf %concatenate3A_173, %sin3A : vector<512x64xf32>
    %add3A_176 = arith.addf %mul3A_174, %mul3A_175 : vector<512x64xf32>
    %slice3A_177 = vector.extract_strided_slice %dot_general3A_32 {offsets = [0, 192], sizes = [512, 64], strides = [1, 1]} : vector<512x576xf32> to vector<512x64xf32>
    %slice3A_178 = vector.extract_strided_slice %slice3A_177 {offsets = [0, 32], sizes = [512, 32], strides = [1, 1]} : vector<512x64xf32> to vector<512x32xf32>
    %neg3A_179 = arith.constant 0.000000e+00 : f32
    %neg3A_180 = vector.broadcast %neg3A_179 : f32 to vector<512x32xf32>
    %neg3A_181 = arith.subf %neg3A_180, %slice3A_178 : vector<512x32xf32>
    %slice3A_182 = vector.extract_strided_slice %slice3A_177 {offsets = [0, 0], sizes = [512, 32], strides = [1, 1]} : vector<512x64xf32> to vector<512x32xf32>
    %concatenate3A_183 = tpu.concatenate %neg3A_181, %slice3A_182 in 1 : vector<512x32xf32>, vector<512x32xf32> -> vector<512x64xf32>
    %mul3A_184 = arith.mulf %slice3A_177, %cos3A : vector<512x64xf32>
    %mul3A_185 = arith.mulf %concatenate3A_183, %sin3A : vector<512x64xf32>
    %add3A_186 = arith.addf %mul3A_184, %mul3A_185 : vector<512x64xf32>
    %slice3A_187 = vector.extract_strided_slice %dot_general3A_32 {offsets = [0, 256], sizes = [512, 64], strides = [1, 1]} : vector<512x576xf32> to vector<512x64xf32>
    %slice3A_188 = vector.extract_strided_slice %slice3A_187 {offsets = [0, 32], sizes = [512, 32], strides = [1, 1]} : vector<512x64xf32> to vector<512x32xf32>
    %neg3A_189 = arith.constant 0.000000e+00 : f32
    %neg3A_190 = vector.broadcast %neg3A_189 : f32 to vector<512x32xf32>
    %neg3A_191 = arith.subf %neg3A_190, %slice3A_188 : vector<512x32xf32>
    %slice3A_192 = vector.extract_strided_slice %slice3A_187 {offsets = [0, 0], sizes = [512, 32], strides = [1, 1]} : vector<512x64xf32> to vector<512x32xf32>
    %concatenate3A_193 = tpu.concatenate %neg3A_191, %slice3A_192 in 1 : vector<512x32xf32>, vector<512x32xf32> -> vector<512x64xf32>
    %mul3A_194 = arith.mulf %slice3A_187, %cos3A : vector<512x64xf32>
    %mul3A_195 = arith.mulf %concatenate3A_193, %sin3A : vector<512x64xf32>
    %add3A_196 = arith.addf %mul3A_194, %mul3A_195 : vector<512x64xf32>
    %slice3A_197 = vector.extract_strided_slice %dot_general3A_32 {offsets = [0, 320], sizes = [512, 64], strides = [1, 1]} : vector<512x576xf32> to vector<512x64xf32>
    %slice3A_198 = vector.extract_strided_slice %slice3A_197 {offsets = [0, 32], sizes = [512, 32], strides = [1, 1]} : vector<512x64xf32> to vector<512x32xf32>
    %neg3A_199 = arith.constant 0.000000e+00 : f32
    %neg3A_200 = vector.broadcast %neg3A_199 : f32 to vector<512x32xf32>
    %neg3A_201 = arith.subf %neg3A_200, %slice3A_198 : vector<512x32xf32>
    %slice3A_202 = vector.extract_strided_slice %slice3A_197 {offsets = [0, 0], sizes = [512, 32], strides = [1, 1]} : vector<512x64xf32> to vector<512x32xf32>
    %concatenate3A_203 = tpu.concatenate %neg3A_201, %slice3A_202 in 1 : vector<512x32xf32>, vector<512x32xf32> -> vector<512x64xf32>
    %mul3A_204 = arith.mulf %slice3A_197, %cos3A : vector<512x64xf32>
    %mul3A_205 = arith.mulf %concatenate3A_203, %sin3A : vector<512x64xf32>
    %add3A_206 = arith.addf %mul3A_204, %mul3A_205 : vector<512x64xf32>
    %slice3A_207 = vector.extract_strided_slice %dot_general3A_32 {offsets = [0, 384], sizes = [512, 64], strides = [1, 1]} : vector<512x576xf32> to vector<512x64xf32>
    %slice3A_208 = vector.extract_strided_slice %slice3A_207 {offsets = [0, 32], sizes = [512, 32], strides = [1, 1]} : vector<512x64xf32> to vector<512x32xf32>
    %neg3A_209 = arith.constant 0.000000e+00 : f32
    %neg3A_210 = vector.broadcast %neg3A_209 : f32 to vector<512x32xf32>
    %neg3A_211 = arith.subf %neg3A_210, %slice3A_208 : vector<512x32xf32>
    %slice3A_212 = vector.extract_strided_slice %slice3A_207 {offsets = [0, 0], sizes = [512, 32], strides = [1, 1]} : vector<512x64xf32> to vector<512x32xf32>
    %concatenate3A_213 = tpu.concatenate %neg3A_211, %slice3A_212 in 1 : vector<512x32xf32>, vector<512x32xf32> -> vector<512x64xf32>
    %mul3A_214 = arith.mulf %slice3A_207, %cos3A : vector<512x64xf32>
    %mul3A_215 = arith.mulf %concatenate3A_213, %sin3A : vector<512x64xf32>
    %add3A_216 = arith.addf %mul3A_214, %mul3A_215 : vector<512x64xf32>
    %slice3A_217 = vector.extract_strided_slice %dot_general3A_32 {offsets = [0, 448], sizes = [512, 64], strides = [1, 1]} : vector<512x576xf32> to vector<512x64xf32>
    %slice3A_218 = vector.extract_strided_slice %slice3A_217 {offsets = [0, 32], sizes = [512, 32], strides = [1, 1]} : vector<512x64xf32> to vector<512x32xf32>
    %neg3A_219 = arith.constant 0.000000e+00 : f32
    %neg3A_220 = vector.broadcast %neg3A_219 : f32 to vector<512x32xf32>
    %neg3A_221 = arith.subf %neg3A_220, %slice3A_218 : vector<512x32xf32>
    %slice3A_222 = vector.extract_strided_slice %slice3A_217 {offsets = [0, 0], sizes = [512, 32], strides = [1, 1]} : vector<512x64xf32> to vector<512x32xf32>
    %concatenate3A_223 = tpu.concatenate %neg3A_221, %slice3A_222 in 1 : vector<512x32xf32>, vector<512x32xf32> -> vector<512x64xf32>
    %mul3A_224 = arith.mulf %slice3A_217, %cos3A : vector<512x64xf32>
    %mul3A_225 = arith.mulf %concatenate3A_223, %sin3A : vector<512x64xf32>
    %add3A_226 = arith.addf %mul3A_224, %mul3A_225 : vector<512x64xf32>
    %slice3A_227 = vector.extract_strided_slice %dot_general3A_32 {offsets = [0, 512], sizes = [512, 64], strides = [1, 1]} : vector<512x576xf32> to vector<512x64xf32>
    %slice3A_228 = vector.extract_strided_slice %slice3A_227 {offsets = [0, 32], sizes = [512, 32], strides = [1, 1]} : vector<512x64xf32> to vector<512x32xf32>
    %neg3A_229 = arith.constant 0.000000e+00 : f32
    %neg3A_230 = vector.broadcast %neg3A_229 : f32 to vector<512x32xf32>
    %neg3A_231 = arith.subf %neg3A_230, %slice3A_228 : vector<512x32xf32>
    %slice3A_232 = vector.extract_strided_slice %slice3A_227 {offsets = [0, 0], sizes = [512, 32], strides = [1, 1]} : vector<512x64xf32> to vector<512x32xf32>
    %concatenate3A_233 = tpu.concatenate %neg3A_231, %slice3A_232 in 1 : vector<512x32xf32>, vector<512x32xf32> -> vector<512x64xf32>
    %mul3A_234 = arith.mulf %slice3A_227, %cos3A : vector<512x64xf32>
    %mul3A_235 = arith.mulf %concatenate3A_233, %sin3A : vector<512x64xf32>
    %add3A_236 = arith.addf %mul3A_234, %mul3A_235 : vector<512x64xf32>
    %concatenate3A_237 = tpu.concatenate %add3A_156, %add3A_166, %add3A_176, %add3A_186, %add3A_196, %add3A_206, %add3A_216, %add3A_226, %add3A_236 in 1 : vector<512x64xf32>, vector<512x64xf32>, vector<512x64xf32>, vector<512x64xf32>, vector<512x64xf32>, vector<512x64xf32>, vector<512x64xf32>, vector<512x64xf32>, vector<512x64xf32> -> vector<512x576xf32>
    %convert_element_type3A_238 = arith.truncf %concatenate3A_237 : vector<512x576xf32> to vector<512x576xbf16>
    %swap3A_239 = arith.constant 0 : index
    %swap3A_240 = arith.constant 0 : index
    %swap3A_241 = vector.load %arg9[%swap3A_239, %swap3A_240] : memref<512x576xbf16, #tpu.memory_space<vmem>>, vector<512x576xbf16>
    tpu.vector_store %arg9[%swap3A_239, %swap3A_240], %convert_element_type3A_238 {strides = array<i32>} : memref<512x576xbf16, #tpu.memory_space<vmem>>, vector<512x576xbf16>,
    %convert_element_type3A_242 = arith.truncf %dot_general3A_37 : vector<512x576xf32> to vector<512x576xbf16>
    %swap3A_243 = arith.constant 0 : index
    %swap3A_244 = arith.constant 0 : index
    %swap3A_245 = vector.load %arg10[%swap3A_243, %swap3A_244] : memref<512x576xbf16, #tpu.memory_space<vmem>>, vector<512x576xbf16>
    tpu.vector_store %arg10[%swap3A_243, %swap3A_244], %convert_element_type3A_242 {strides = array<i32>} : memref<512x576xbf16, #tpu.memory_space<vmem>>, vector<512x576xbf16>,
    return
  }
  func.func @transform_0(%arg0: i32) -> (i32, i32) {
    %c0_i32 = arith.constant 0 : i32
    %c0_i32_0 = arith.constant 0 : i32
    return %arg0, %c0_i32 : i32, i32
  }
  func.func @transform_1(%arg0: i32) -> (i32, i32) {
    %c0_i32 = arith.constant 0 : i32
    %c0_i32_0 = arith.constant 0 : i32
    %c0_i32_1 = arith.constant 0 : i32
    return %c0_i32, %c0_i32_0 : i32, i32
  }
  func.func @transform_2(%arg0: i32) -> (i32, i32) {
    %c0_i32 = arith.constant 0 : i32
    %c0_i32_0 = arith.constant 0 : i32
    %c0_i32_1 = arith.constant 0 : i32
    return %c0_i32, %c0_i32_0 : i32, i32
  }
  func.func @transform_3(%arg0: i32) -> (i32, i32) {
    %c0_i32 = arith.constant 0 : i32
    %c0_i32_0 = arith.constant 0 : i32
    %c0_i32_1 = arith.constant 0 : i32
    return %c0_i32, %c0_i32_0 : i32, i32
  }
  func.func @transform_4(%arg0: i32) -> (i32, i32) {
    %c0_i32 = arith.constant 0 : i32
    %c0_i32_0 = arith.constant 0 : i32
    %c0_i32_1 = arith.constant 0 : i32
    return %c0_i32, %c0_i32_0 : i32, i32
  }
  func.func @transform_5(%arg0: i32) -> (i32, i32) {
    %c0_i32 = arith.constant 0 : i32
    %c0_i32_0 = arith.constant 0 : i32
    %c0_i32_1 = arith.constant 0 : i32
    return %c0_i32, %c0_i32_0 : i32, i32
  }
  func.func @transform_6(%arg0: i32) -> (i32, i32) {
    %c0_i32 = arith.constant 0 : i32
    %c0_i32_0 = arith.constant 0 : i32
    %c0_i32_1 = arith.constant 0 : i32
    return %c0_i32, %c0_i32_0 : i32, i32
  }
  func.func @transform_7(%arg0: i32) -> (i32, i32) {
    %c0_i32 = arith.constant 0 : i32
    %c0_i32_0 = arith.constant 0 : i32
    return %arg0, %c0_i32 : i32, i32
  }
  func.func @transform_8(%arg0: i32) -> (i32, i32) {
    %c0_i32 = arith.constant 0 : i32
    %c0_i32_0 = arith.constant 0 : i32
    return %arg0, %c0_i32 : i32, i32
  }
  func.func @transform_9(%arg0: i32) -> (i32, i32) {
    %c0_i32 = arith.constant 0 : i32
    %c0_i32_0 = arith.constant 0 : i32
    return %arg0, %c0_i32 : i32, i32
  }
}

module attributes {stable_mosaic.version = 14 : i64} {
  func.func @_attn_body(%arg0: i32, %arg1: memref<512x576xbf16, #tpu.memory_space<vmem>>, %arg2: memref<2048x576xbf16, #tpu.memory_space<vmem>>, %arg3: memref<2048x576xbf16, #tpu.memory_space<vmem>>, %arg4: memref<512x576xbf16, #tpu.memory_space<vmem>>) attributes {dimension_semantics = [#tpu.dimension_semantics<arbitrary>], iteration_bounds = array<i64: 4>, scalar_prefetch = 0 : i64, scratch_operands = 0 : i64, tpu.core_type = #tpu.core_type<tc>, window_params = [{transform_indices = @transform_0, window_bounds = array<i64: 512, 576>}, {pipeline_mode = #tpu.pipeline_mode<synchronous>, transform_indices = @transform_1, window_bounds = array<i64: 2048, 576>}, {pipeline_mode = #tpu.pipeline_mode<synchronous>, transform_indices = @transform_2, window_bounds = array<i64: 2048, 576>}, {transform_indices = @transform_3, window_bounds = array<i64: 512, 576>}]} {
    %iota3A = tpu.iota {dimensions = array<i32: 0>} : vector<512x512xi32>
    %iota3A_0 = tpu.iota {dimensions = array<i32: 1>} : vector<512x512xi32>
    %get3A = arith.constant 0 : index
    %get3A_1 = arith.constant 0 : index
    %get3A_2 = vector.load %arg1[%get3A, %get3A_1] : memref<512x576xbf16, #tpu.memory_space<vmem>>, vector<512x64xbf16>
    %broadcast_in_dim3A = arith.constant -1.000000e+30 : f32
    %broadcast_in_dim3A_3 = vector.broadcast %broadcast_in_dim3A : f32 to vector<512x1xf32>
    %broadcast_in_dim3A_4 = arith.constant 0.000000e+00 : f32
    %broadcast_in_dim3A_5 = vector.broadcast %broadcast_in_dim3A_4 : f32 to vector<512x1xf32>
    %broadcast_in_dim3A_6 = arith.constant 0.000000e+00 : f32
    %broadcast_in_dim3A_7 = vector.broadcast %broadcast_in_dim3A_6 : f32 to vector<512x64xf32>
    %add3A = arith.constant 1 : i32
    %add3A_8 = arith.addi %arg0, %add3A : i32
    %while3A = arith.constant 0 : i32
    %while3A_9 = arith.subi %add3A_8, %while3A : i32
    %while3A_10 = arith.addi %while3A, %while3A_9 : i32
    %while3A_11 = arith.constant 1 : i32
    %while3A_12 = arith.divsi %while3A_9, %while3A_11 : i32
    %while3A_13 = arith.muli %while3A_12, %while3A_11 : i32
    %while3A_14 = arith.addi %while3A, %while3A_13 : i32
    %while3A_15 = arith.constant 1 : i32
    %while3A_16:3 = scf.for %while3A_246 = %while3A to %while3A_14 step %while3A_15 iter_args(%while3A_247 = %broadcast_in_dim3A_3, %while3A_248 = %broadcast_in_dim3A_5, %while3A_249 = %broadcast_in_dim3A_7) -> (vector<512x1xf32>, vector<512x1xf32>, vector<512x64xf32>)  : i32 {
      %mul3A = arith.constant 512 : i32
      %mul3A_250 = arith.muli %while3A_246, %mul3A : i32
      %get3A_251 = arith.index_cast %mul3A_250 : i32 to index
      %get3A_252 = arith.constant 0 : index
      %get3A_253 = vector.load %arg2[%get3A_251, %get3A_252] : memref<2048x576xbf16, #tpu.memory_space<vmem>>, vector<512x64xbf16>
      %dot_general3A = arith.constant dense<0.000000e+00> : vector<512x512xf32>
      %dot_general3A_254 = tpu.matmul %get3A_2, %get3A_253, %dot_general3A {dimension_numbers = #tpu.dot_dimension_numbers<[1], [1], [0], [0], [0, 0, 1, 0], [], []>, transpose_lhs_hint = false} : vector<512x64xbf16>, vector<512x64xbf16>, vector<512x512xf32> -> vector<512x512xf32>
      %mul3A_255 = arith.constant 1.250000e-01 : f32
      %mul3A_256 = vector.broadcast %mul3A_255 : f32 to vector<512x512xf32>
      %mul3A_257 = arith.mulf %dot_general3A_254, %mul3A_256 : vector<512x512xf32>
      %mul3A_258 = arith.constant 512 : i32
      %mul3A_259 = arith.muli %arg0, %mul3A_258 : i32
      %add3A_260 = vector.broadcast %mul3A_259 : i32 to vector<512x512xi32>
      %add3A_261 = arith.addi %add3A_260, %iota3A : vector<512x512xi32>
      %mul3A_262 = arith.constant 512 : i32
      %mul3A_263 = arith.muli %while3A_246, %mul3A_262 : i32
      %add3A_264 = vector.broadcast %mul3A_263 : i32 to vector<512x512xi32>
      %add3A_265 = arith.addi %add3A_264, %iota3A_0 : vector<512x512xi32>
      %ge3A = arith.cmpi sge, %add3A_261, %add3A_265 : vector<512x512xi32>
      %jit3A = arith.constant -1.000000e+30 : f32
      %broadcast_in_dim3A_266 = vector.broadcast %jit3A : f32 to vector<512x512xf32>
      %select_n3A = arith.select %ge3A, %mul3A_257, %broadcast_in_dim3A_266 : vector<512x512xi1>, vector<512x512xf32>
      %reduce_max3A = arith.constant dense<0xFF800000> : vector<512xf32>
      %reduce_max3A_267 = vector.multi_reduction <maximumf>, %select_n3A, %reduce_max3A [1] : vector<512x512xf32> to vector<512xf32>
      %broadcast_in_dim3A_268 = vector.shape_cast %reduce_max3A_267 : vector<512xf32> to vector<512x1xf32>
      %max3A = arith.maximumf %while3A_247, %broadcast_in_dim3A_268 : vector<512x1xf32>
      %sub3A = vector.broadcast %max3A : vector<512x1xf32> to vector<512x512xf32>
      %sub3A_269 = arith.subf %select_n3A, %sub3A : vector<512x512xf32>
      %exp3A = math.exp %sub3A_269 : vector<512x512xf32>
      %sub3A_270 = arith.subf %while3A_247, %max3A : vector<512x1xf32>
      %exp3A_271 = math.exp %sub3A_270 : vector<512x1xf32>
      %mul3A_272 = arith.mulf %while3A_248, %exp3A_271 : vector<512x1xf32>
      %reduce_sum3A = arith.constant dense<0.000000e+00> : vector<512xf32>
      %reduce_sum3A_273 = vector.multi_reduction <add>, %exp3A, %reduce_sum3A [1] : vector<512x512xf32> to vector<512xf32>
      %broadcast_in_dim3A_274 = vector.shape_cast %reduce_sum3A_273 : vector<512xf32> to vector<512x1xf32>
      %add3A_275 = arith.addf %mul3A_272, %broadcast_in_dim3A_274 : vector<512x1xf32>
      %mul3A_276 = vector.broadcast %exp3A_271 : vector<512x1xf32> to vector<512x64xf32>
      %mul3A_277 = arith.mulf %while3A_249, %mul3A_276 : vector<512x64xf32>
      %convert_element_type3A_278 = arith.truncf %exp3A : vector<512x512xf32> to vector<512x512xbf16>
      %mul3A_279 = arith.constant 512 : i32
      %mul3A_280 = arith.muli %while3A_246, %mul3A_279 : i32
      %get3A_281 = arith.index_cast %mul3A_280 : i32 to index
      %get3A_282 = arith.constant 0 : index
      %get3A_283 = vector.load %arg3[%get3A_281, %get3A_282] : memref<2048x576xbf16, #tpu.memory_space<vmem>>, vector<512x64xbf16>
      %dot_general3A_284 = arith.constant dense<0.000000e+00> : vector<512x64xf32>
      %dot_general3A_285 = tpu.matmul %convert_element_type3A_278, %get3A_283, %dot_general3A_284 {dimension_numbers = #tpu.dot_dimension_numbers<[1], [0], [0], [1], [0, 0, 1, 1], [], []>, transpose_lhs_hint = false} : vector<512x512xbf16>, vector<512x64xbf16>, vector<512x64xf32> -> vector<512x64xf32>
      %add3A_286 = arith.addf %mul3A_277, %dot_general3A_285 : vector<512x64xf32>
      scf.yield %max3A, %add3A_275, %add3A_286 : vector<512x1xf32>, vector<512x1xf32>, vector<512x64xf32>
    }
    %while3A_17 = arith.constant 1 : i32
    %while3A_18:3 = scf.for %while3A_246 = %while3A_14 to %while3A_10 step %while3A_17 iter_args(%while3A_247 = %while3A_16#0, %while3A_248 = %while3A_16#1, %while3A_249 = %while3A_16#2) -> (vector<512x1xf32>, vector<512x1xf32>, vector<512x64xf32>)  : i32 {
      %mul3A = arith.constant 512 : i32
      %mul3A_250 = arith.muli %while3A_246, %mul3A : i32
      %get3A_251 = arith.index_cast %mul3A_250 : i32 to index
      %get3A_252 = arith.constant 0 : index
      %get3A_253 = vector.load %arg2[%get3A_251, %get3A_252] : memref<2048x576xbf16, #tpu.memory_space<vmem>>, vector<512x64xbf16>
      %dot_general3A = arith.constant dense<0.000000e+00> : vector<512x512xf32>
      %dot_general3A_254 = tpu.matmul %get3A_2, %get3A_253, %dot_general3A {dimension_numbers = #tpu.dot_dimension_numbers<[1], [1], [0], [0], [0, 0, 1, 0], [], []>, transpose_lhs_hint = false} : vector<512x64xbf16>, vector<512x64xbf16>, vector<512x512xf32> -> vector<512x512xf32>
      %mul3A_255 = arith.constant 1.250000e-01 : f32
      %mul3A_256 = vector.broadcast %mul3A_255 : f32 to vector<512x512xf32>
      %mul3A_257 = arith.mulf %dot_general3A_254, %mul3A_256 : vector<512x512xf32>
      %mul3A_258 = arith.constant 512 : i32
      %mul3A_259 = arith.muli %arg0, %mul3A_258 : i32
      %add3A_260 = vector.broadcast %mul3A_259 : i32 to vector<512x512xi32>
      %add3A_261 = arith.addi %add3A_260, %iota3A : vector<512x512xi32>
      %mul3A_262 = arith.constant 512 : i32
      %mul3A_263 = arith.muli %while3A_246, %mul3A_262 : i32
      %add3A_264 = vector.broadcast %mul3A_263 : i32 to vector<512x512xi32>
      %add3A_265 = arith.addi %add3A_264, %iota3A_0 : vector<512x512xi32>
      %ge3A = arith.cmpi sge, %add3A_261, %add3A_265 : vector<512x512xi32>
      %jit3A = arith.constant -1.000000e+30 : f32
      %broadcast_in_dim3A_266 = vector.broadcast %jit3A : f32 to vector<512x512xf32>
      %select_n3A = arith.select %ge3A, %mul3A_257, %broadcast_in_dim3A_266 : vector<512x512xi1>, vector<512x512xf32>
      %reduce_max3A = arith.constant dense<0xFF800000> : vector<512xf32>
      %reduce_max3A_267 = vector.multi_reduction <maximumf>, %select_n3A, %reduce_max3A [1] : vector<512x512xf32> to vector<512xf32>
      %broadcast_in_dim3A_268 = vector.shape_cast %reduce_max3A_267 : vector<512xf32> to vector<512x1xf32>
      %max3A = arith.maximumf %while3A_247, %broadcast_in_dim3A_268 : vector<512x1xf32>
      %sub3A = vector.broadcast %max3A : vector<512x1xf32> to vector<512x512xf32>
      %sub3A_269 = arith.subf %select_n3A, %sub3A : vector<512x512xf32>
      %exp3A = math.exp %sub3A_269 : vector<512x512xf32>
      %sub3A_270 = arith.subf %while3A_247, %max3A : vector<512x1xf32>
      %exp3A_271 = math.exp %sub3A_270 : vector<512x1xf32>
      %mul3A_272 = arith.mulf %while3A_248, %exp3A_271 : vector<512x1xf32>
      %reduce_sum3A = arith.constant dense<0.000000e+00> : vector<512xf32>
      %reduce_sum3A_273 = vector.multi_reduction <add>, %exp3A, %reduce_sum3A [1] : vector<512x512xf32> to vector<512xf32>
      %broadcast_in_dim3A_274 = vector.shape_cast %reduce_sum3A_273 : vector<512xf32> to vector<512x1xf32>
      %add3A_275 = arith.addf %mul3A_272, %broadcast_in_dim3A_274 : vector<512x1xf32>
      %mul3A_276 = vector.broadcast %exp3A_271 : vector<512x1xf32> to vector<512x64xf32>
      %mul3A_277 = arith.mulf %while3A_249, %mul3A_276 : vector<512x64xf32>
      %convert_element_type3A_278 = arith.truncf %exp3A : vector<512x512xf32> to vector<512x512xbf16>
      %mul3A_279 = arith.constant 512 : i32
      %mul3A_280 = arith.muli %while3A_246, %mul3A_279 : i32
      %get3A_281 = arith.index_cast %mul3A_280 : i32 to index
      %get3A_282 = arith.constant 0 : index
      %get3A_283 = vector.load %arg3[%get3A_281, %get3A_282] : memref<2048x576xbf16, #tpu.memory_space<vmem>>, vector<512x64xbf16>
      %dot_general3A_284 = arith.constant dense<0.000000e+00> : vector<512x64xf32>
      %dot_general3A_285 = tpu.matmul %convert_element_type3A_278, %get3A_283, %dot_general3A_284 {dimension_numbers = #tpu.dot_dimension_numbers<[1], [0], [0], [1], [0, 0, 1, 1], [], []>, transpose_lhs_hint = false} : vector<512x512xbf16>, vector<512x64xbf16>, vector<512x64xf32> -> vector<512x64xf32>
      %add3A_286 = arith.addf %mul3A_277, %dot_general3A_285 : vector<512x64xf32>
      scf.yield %max3A, %add3A_275, %add3A_286 : vector<512x1xf32>, vector<512x1xf32>, vector<512x64xf32>
    }
    %div3A = vector.broadcast %while3A_18#1 : vector<512x1xf32> to vector<512x64xf32>
    %div3A_19 = arith.divf %while3A_18#2, %div3A : vector<512x64xf32>
    %convert_element_type3A = arith.truncf %div3A_19 : vector<512x64xf32> to vector<512x64xbf16>
    %swap3A = arith.constant 0 : index
    %swap3A_20 = arith.constant 0 : index
    %swap3A_21 = vector.load %arg4[%swap3A, %swap3A_20] : memref<512x576xbf16, #tpu.memory_space<vmem>>, vector<512x64xbf16>
    tpu.vector_store %arg4[%swap3A, %swap3A_20], %convert_element_type3A {strides = array<i32>} : memref<512x576xbf16, #tpu.memory_space<vmem>>, vector<512x64xbf16>,
    %get3A_22 = arith.constant 0 : index
    %get3A_23 = arith.constant 64 : index
    %get3A_24 = vector.load %arg1[%get3A_22, %get3A_23] : memref<512x576xbf16, #tpu.memory_space<vmem>>, vector<512x64xbf16>
    %broadcast_in_dim3A_25 = arith.constant -1.000000e+30 : f32
    %broadcast_in_dim3A_26 = vector.broadcast %broadcast_in_dim3A_25 : f32 to vector<512x1xf32>
    %broadcast_in_dim3A_27 = arith.constant 0.000000e+00 : f32
    %broadcast_in_dim3A_28 = vector.broadcast %broadcast_in_dim3A_27 : f32 to vector<512x1xf32>
    %broadcast_in_dim3A_29 = arith.constant 0.000000e+00 : f32
    %broadcast_in_dim3A_30 = vector.broadcast %broadcast_in_dim3A_29 : f32 to vector<512x64xf32>
    %add3A_31 = arith.constant 1 : i32
    %add3A_32 = arith.addi %arg0, %add3A_31 : i32
    %while3A_33 = arith.constant 0 : i32
    %while3A_34 = arith.subi %add3A_32, %while3A_33 : i32
    %while3A_35 = arith.addi %while3A_33, %while3A_34 : i32
    %while3A_36 = arith.constant 1 : i32
    %while3A_37 = arith.divsi %while3A_34, %while3A_36 : i32
    %while3A_38 = arith.muli %while3A_37, %while3A_36 : i32
    %while3A_39 = arith.addi %while3A_33, %while3A_38 : i32
    %while3A_40 = arith.constant 1 : i32
    %while3A_41:3 = scf.for %while3A_246 = %while3A_33 to %while3A_39 step %while3A_40 iter_args(%while3A_247 = %broadcast_in_dim3A_26, %while3A_248 = %broadcast_in_dim3A_28, %while3A_249 = %broadcast_in_dim3A_30) -> (vector<512x1xf32>, vector<512x1xf32>, vector<512x64xf32>)  : i32 {
      %mul3A = arith.constant 512 : i32
      %mul3A_250 = arith.muli %while3A_246, %mul3A : i32
      %get3A_251 = arith.index_cast %mul3A_250 : i32 to index
      %get3A_252 = arith.constant 64 : index
      %get3A_253 = vector.load %arg2[%get3A_251, %get3A_252] : memref<2048x576xbf16, #tpu.memory_space<vmem>>, vector<512x64xbf16>
      %dot_general3A = arith.constant dense<0.000000e+00> : vector<512x512xf32>
      %dot_general3A_254 = tpu.matmul %get3A_24, %get3A_253, %dot_general3A {dimension_numbers = #tpu.dot_dimension_numbers<[1], [1], [0], [0], [0, 0, 1, 0], [], []>, transpose_lhs_hint = false} : vector<512x64xbf16>, vector<512x64xbf16>, vector<512x512xf32> -> vector<512x512xf32>
      %mul3A_255 = arith.constant 1.250000e-01 : f32
      %mul3A_256 = vector.broadcast %mul3A_255 : f32 to vector<512x512xf32>
      %mul3A_257 = arith.mulf %dot_general3A_254, %mul3A_256 : vector<512x512xf32>
      %mul3A_258 = arith.constant 512 : i32
      %mul3A_259 = arith.muli %arg0, %mul3A_258 : i32
      %add3A_260 = vector.broadcast %mul3A_259 : i32 to vector<512x512xi32>
      %add3A_261 = arith.addi %add3A_260, %iota3A : vector<512x512xi32>
      %mul3A_262 = arith.constant 512 : i32
      %mul3A_263 = arith.muli %while3A_246, %mul3A_262 : i32
      %add3A_264 = vector.broadcast %mul3A_263 : i32 to vector<512x512xi32>
      %add3A_265 = arith.addi %add3A_264, %iota3A_0 : vector<512x512xi32>
      %ge3A = arith.cmpi sge, %add3A_261, %add3A_265 : vector<512x512xi32>
      %jit3A = arith.constant -1.000000e+30 : f32
      %broadcast_in_dim3A_266 = vector.broadcast %jit3A : f32 to vector<512x512xf32>
      %select_n3A = arith.select %ge3A, %mul3A_257, %broadcast_in_dim3A_266 : vector<512x512xi1>, vector<512x512xf32>
      %reduce_max3A = arith.constant dense<0xFF800000> : vector<512xf32>
      %reduce_max3A_267 = vector.multi_reduction <maximumf>, %select_n3A, %reduce_max3A [1] : vector<512x512xf32> to vector<512xf32>
      %broadcast_in_dim3A_268 = vector.shape_cast %reduce_max3A_267 : vector<512xf32> to vector<512x1xf32>
      %max3A = arith.maximumf %while3A_247, %broadcast_in_dim3A_268 : vector<512x1xf32>
      %sub3A = vector.broadcast %max3A : vector<512x1xf32> to vector<512x512xf32>
      %sub3A_269 = arith.subf %select_n3A, %sub3A : vector<512x512xf32>
      %exp3A = math.exp %sub3A_269 : vector<512x512xf32>
      %sub3A_270 = arith.subf %while3A_247, %max3A : vector<512x1xf32>
      %exp3A_271 = math.exp %sub3A_270 : vector<512x1xf32>
      %mul3A_272 = arith.mulf %while3A_248, %exp3A_271 : vector<512x1xf32>
      %reduce_sum3A = arith.constant dense<0.000000e+00> : vector<512xf32>
      %reduce_sum3A_273 = vector.multi_reduction <add>, %exp3A, %reduce_sum3A [1] : vector<512x512xf32> to vector<512xf32>
      %broadcast_in_dim3A_274 = vector.shape_cast %reduce_sum3A_273 : vector<512xf32> to vector<512x1xf32>
      %add3A_275 = arith.addf %mul3A_272, %broadcast_in_dim3A_274 : vector<512x1xf32>
      %mul3A_276 = vector.broadcast %exp3A_271 : vector<512x1xf32> to vector<512x64xf32>
      %mul3A_277 = arith.mulf %while3A_249, %mul3A_276 : vector<512x64xf32>
      %convert_element_type3A_278 = arith.truncf %exp3A : vector<512x512xf32> to vector<512x512xbf16>
      %mul3A_279 = arith.constant 512 : i32
      %mul3A_280 = arith.muli %while3A_246, %mul3A_279 : i32
      %get3A_281 = arith.index_cast %mul3A_280 : i32 to index
      %get3A_282 = arith.constant 64 : index
      %get3A_283 = vector.load %arg3[%get3A_281, %get3A_282] : memref<2048x576xbf16, #tpu.memory_space<vmem>>, vector<512x64xbf16>
      %dot_general3A_284 = arith.constant dense<0.000000e+00> : vector<512x64xf32>
      %dot_general3A_285 = tpu.matmul %convert_element_type3A_278, %get3A_283, %dot_general3A_284 {dimension_numbers = #tpu.dot_dimension_numbers<[1], [0], [0], [1], [0, 0, 1, 1], [], []>, transpose_lhs_hint = false} : vector<512x512xbf16>, vector<512x64xbf16>, vector<512x64xf32> -> vector<512x64xf32>
      %add3A_286 = arith.addf %mul3A_277, %dot_general3A_285 : vector<512x64xf32>
      scf.yield %max3A, %add3A_275, %add3A_286 : vector<512x1xf32>, vector<512x1xf32>, vector<512x64xf32>
    }
    %while3A_42 = arith.constant 1 : i32
    %while3A_43:3 = scf.for %while3A_246 = %while3A_39 to %while3A_35 step %while3A_42 iter_args(%while3A_247 = %while3A_41#0, %while3A_248 = %while3A_41#1, %while3A_249 = %while3A_41#2) -> (vector<512x1xf32>, vector<512x1xf32>, vector<512x64xf32>)  : i32 {
      %mul3A = arith.constant 512 : i32
      %mul3A_250 = arith.muli %while3A_246, %mul3A : i32
      %get3A_251 = arith.index_cast %mul3A_250 : i32 to index
      %get3A_252 = arith.constant 64 : index
      %get3A_253 = vector.load %arg2[%get3A_251, %get3A_252] : memref<2048x576xbf16, #tpu.memory_space<vmem>>, vector<512x64xbf16>
      %dot_general3A = arith.constant dense<0.000000e+00> : vector<512x512xf32>
      %dot_general3A_254 = tpu.matmul %get3A_24, %get3A_253, %dot_general3A {dimension_numbers = #tpu.dot_dimension_numbers<[1], [1], [0], [0], [0, 0, 1, 0], [], []>, transpose_lhs_hint = false} : vector<512x64xbf16>, vector<512x64xbf16>, vector<512x512xf32> -> vector<512x512xf32>
      %mul3A_255 = arith.constant 1.250000e-01 : f32
      %mul3A_256 = vector.broadcast %mul3A_255 : f32 to vector<512x512xf32>
      %mul3A_257 = arith.mulf %dot_general3A_254, %mul3A_256 : vector<512x512xf32>
      %mul3A_258 = arith.constant 512 : i32
      %mul3A_259 = arith.muli %arg0, %mul3A_258 : i32
      %add3A_260 = vector.broadcast %mul3A_259 : i32 to vector<512x512xi32>
      %add3A_261 = arith.addi %add3A_260, %iota3A : vector<512x512xi32>
      %mul3A_262 = arith.constant 512 : i32
      %mul3A_263 = arith.muli %while3A_246, %mul3A_262 : i32
      %add3A_264 = vector.broadcast %mul3A_263 : i32 to vector<512x512xi32>
      %add3A_265 = arith.addi %add3A_264, %iota3A_0 : vector<512x512xi32>
      %ge3A = arith.cmpi sge, %add3A_261, %add3A_265 : vector<512x512xi32>
      %jit3A = arith.constant -1.000000e+30 : f32
      %broadcast_in_dim3A_266 = vector.broadcast %jit3A : f32 to vector<512x512xf32>
      %select_n3A = arith.select %ge3A, %mul3A_257, %broadcast_in_dim3A_266 : vector<512x512xi1>, vector<512x512xf32>
      %reduce_max3A = arith.constant dense<0xFF800000> : vector<512xf32>
      %reduce_max3A_267 = vector.multi_reduction <maximumf>, %select_n3A, %reduce_max3A [1] : vector<512x512xf32> to vector<512xf32>
      %broadcast_in_dim3A_268 = vector.shape_cast %reduce_max3A_267 : vector<512xf32> to vector<512x1xf32>
      %max3A = arith.maximumf %while3A_247, %broadcast_in_dim3A_268 : vector<512x1xf32>
      %sub3A = vector.broadcast %max3A : vector<512x1xf32> to vector<512x512xf32>
      %sub3A_269 = arith.subf %select_n3A, %sub3A : vector<512x512xf32>
      %exp3A = math.exp %sub3A_269 : vector<512x512xf32>
      %sub3A_270 = arith.subf %while3A_247, %max3A : vector<512x1xf32>
      %exp3A_271 = math.exp %sub3A_270 : vector<512x1xf32>
      %mul3A_272 = arith.mulf %while3A_248, %exp3A_271 : vector<512x1xf32>
      %reduce_sum3A = arith.constant dense<0.000000e+00> : vector<512xf32>
      %reduce_sum3A_273 = vector.multi_reduction <add>, %exp3A, %reduce_sum3A [1] : vector<512x512xf32> to vector<512xf32>
      %broadcast_in_dim3A_274 = vector.shape_cast %reduce_sum3A_273 : vector<512xf32> to vector<512x1xf32>
      %add3A_275 = arith.addf %mul3A_272, %broadcast_in_dim3A_274 : vector<512x1xf32>
      %mul3A_276 = vector.broadcast %exp3A_271 : vector<512x1xf32> to vector<512x64xf32>
      %mul3A_277 = arith.mulf %while3A_249, %mul3A_276 : vector<512x64xf32>
      %convert_element_type3A_278 = arith.truncf %exp3A : vector<512x512xf32> to vector<512x512xbf16>
      %mul3A_279 = arith.constant 512 : i32
      %mul3A_280 = arith.muli %while3A_246, %mul3A_279 : i32
      %get3A_281 = arith.index_cast %mul3A_280 : i32 to index
      %get3A_282 = arith.constant 64 : index
      %get3A_283 = vector.load %arg3[%get3A_281, %get3A_282] : memref<2048x576xbf16, #tpu.memory_space<vmem>>, vector<512x64xbf16>
      %dot_general3A_284 = arith.constant dense<0.000000e+00> : vector<512x64xf32>
      %dot_general3A_285 = tpu.matmul %convert_element_type3A_278, %get3A_283, %dot_general3A_284 {dimension_numbers = #tpu.dot_dimension_numbers<[1], [0], [0], [1], [0, 0, 1, 1], [], []>, transpose_lhs_hint = false} : vector<512x512xbf16>, vector<512x64xbf16>, vector<512x64xf32> -> vector<512x64xf32>
      %add3A_286 = arith.addf %mul3A_277, %dot_general3A_285 : vector<512x64xf32>
      scf.yield %max3A, %add3A_275, %add3A_286 : vector<512x1xf32>, vector<512x1xf32>, vector<512x64xf32>
    }
    %div3A_44 = vector.broadcast %while3A_43#1 : vector<512x1xf32> to vector<512x64xf32>
    %div3A_45 = arith.divf %while3A_43#2, %div3A_44 : vector<512x64xf32>
    %convert_element_type3A_46 = arith.truncf %div3A_45 : vector<512x64xf32> to vector<512x64xbf16>
    %swap3A_47 = arith.constant 0 : index
    %swap3A_48 = arith.constant 64 : index
    %swap3A_49 = vector.load %arg4[%swap3A_47, %swap3A_48] : memref<512x576xbf16, #tpu.memory_space<vmem>>, vector<512x64xbf16>
    tpu.vector_store %arg4[%swap3A_47, %swap3A_48], %convert_element_type3A_46 {strides = array<i32>} : memref<512x576xbf16, #tpu.memory_space<vmem>>, vector<512x64xbf16>,
    %get3A_50 = arith.constant 0 : index
    %get3A_51 = arith.constant 128 : index
    %get3A_52 = vector.load %arg1[%get3A_50, %get3A_51] : memref<512x576xbf16, #tpu.memory_space<vmem>>, vector<512x64xbf16>
    %broadcast_in_dim3A_53 = arith.constant -1.000000e+30 : f32
    %broadcast_in_dim3A_54 = vector.broadcast %broadcast_in_dim3A_53 : f32 to vector<512x1xf32>
    %broadcast_in_dim3A_55 = arith.constant 0.000000e+00 : f32
    %broadcast_in_dim3A_56 = vector.broadcast %broadcast_in_dim3A_55 : f32 to vector<512x1xf32>
    %broadcast_in_dim3A_57 = arith.constant 0.000000e+00 : f32
    %broadcast_in_dim3A_58 = vector.broadcast %broadcast_in_dim3A_57 : f32 to vector<512x64xf32>
    %add3A_59 = arith.constant 1 : i32
    %add3A_60 = arith.addi %arg0, %add3A_59 : i32
    %while3A_61 = arith.constant 0 : i32
    %while3A_62 = arith.subi %add3A_60, %while3A_61 : i32
    %while3A_63 = arith.addi %while3A_61, %while3A_62 : i32
    %while3A_64 = arith.constant 1 : i32
    %while3A_65 = arith.divsi %while3A_62, %while3A_64 : i32
    %while3A_66 = arith.muli %while3A_65, %while3A_64 : i32
    %while3A_67 = arith.addi %while3A_61, %while3A_66 : i32
    %while3A_68 = arith.constant 1 : i32
    %while3A_69:3 = scf.for %while3A_246 = %while3A_61 to %while3A_67 step %while3A_68 iter_args(%while3A_247 = %broadcast_in_dim3A_54, %while3A_248 = %broadcast_in_dim3A_56, %while3A_249 = %broadcast_in_dim3A_58) -> (vector<512x1xf32>, vector<512x1xf32>, vector<512x64xf32>)  : i32 {
      %mul3A = arith.constant 512 : i32
      %mul3A_250 = arith.muli %while3A_246, %mul3A : i32
      %get3A_251 = arith.index_cast %mul3A_250 : i32 to index
      %get3A_252 = arith.constant 128 : index
      %get3A_253 = vector.load %arg2[%get3A_251, %get3A_252] : memref<2048x576xbf16, #tpu.memory_space<vmem>>, vector<512x64xbf16>
      %dot_general3A = arith.constant dense<0.000000e+00> : vector<512x512xf32>
      %dot_general3A_254 = tpu.matmul %get3A_52, %get3A_253, %dot_general3A {dimension_numbers = #tpu.dot_dimension_numbers<[1], [1], [0], [0], [0, 0, 1, 0], [], []>, transpose_lhs_hint = false} : vector<512x64xbf16>, vector<512x64xbf16>, vector<512x512xf32> -> vector<512x512xf32>
      %mul3A_255 = arith.constant 1.250000e-01 : f32
      %mul3A_256 = vector.broadcast %mul3A_255 : f32 to vector<512x512xf32>
      %mul3A_257 = arith.mulf %dot_general3A_254, %mul3A_256 : vector<512x512xf32>
      %mul3A_258 = arith.constant 512 : i32
      %mul3A_259 = arith.muli %arg0, %mul3A_258 : i32
      %add3A_260 = vector.broadcast %mul3A_259 : i32 to vector<512x512xi32>
      %add3A_261 = arith.addi %add3A_260, %iota3A : vector<512x512xi32>
      %mul3A_262 = arith.constant 512 : i32
      %mul3A_263 = arith.muli %while3A_246, %mul3A_262 : i32
      %add3A_264 = vector.broadcast %mul3A_263 : i32 to vector<512x512xi32>
      %add3A_265 = arith.addi %add3A_264, %iota3A_0 : vector<512x512xi32>
      %ge3A = arith.cmpi sge, %add3A_261, %add3A_265 : vector<512x512xi32>
      %jit3A = arith.constant -1.000000e+30 : f32
      %broadcast_in_dim3A_266 = vector.broadcast %jit3A : f32 to vector<512x512xf32>
      %select_n3A = arith.select %ge3A, %mul3A_257, %broadcast_in_dim3A_266 : vector<512x512xi1>, vector<512x512xf32>
      %reduce_max3A = arith.constant dense<0xFF800000> : vector<512xf32>
      %reduce_max3A_267 = vector.multi_reduction <maximumf>, %select_n3A, %reduce_max3A [1] : vector<512x512xf32> to vector<512xf32>
      %broadcast_in_dim3A_268 = vector.shape_cast %reduce_max3A_267 : vector<512xf32> to vector<512x1xf32>
      %max3A = arith.maximumf %while3A_247, %broadcast_in_dim3A_268 : vector<512x1xf32>
      %sub3A = vector.broadcast %max3A : vector<512x1xf32> to vector<512x512xf32>
      %sub3A_269 = arith.subf %select_n3A, %sub3A : vector<512x512xf32>
      %exp3A = math.exp %sub3A_269 : vector<512x512xf32>
      %sub3A_270 = arith.subf %while3A_247, %max3A : vector<512x1xf32>
      %exp3A_271 = math.exp %sub3A_270 : vector<512x1xf32>
      %mul3A_272 = arith.mulf %while3A_248, %exp3A_271 : vector<512x1xf32>
      %reduce_sum3A = arith.constant dense<0.000000e+00> : vector<512xf32>
      %reduce_sum3A_273 = vector.multi_reduction <add>, %exp3A, %reduce_sum3A [1] : vector<512x512xf32> to vector<512xf32>
      %broadcast_in_dim3A_274 = vector.shape_cast %reduce_sum3A_273 : vector<512xf32> to vector<512x1xf32>
      %add3A_275 = arith.addf %mul3A_272, %broadcast_in_dim3A_274 : vector<512x1xf32>
      %mul3A_276 = vector.broadcast %exp3A_271 : vector<512x1xf32> to vector<512x64xf32>
      %mul3A_277 = arith.mulf %while3A_249, %mul3A_276 : vector<512x64xf32>
      %convert_element_type3A_278 = arith.truncf %exp3A : vector<512x512xf32> to vector<512x512xbf16>
      %mul3A_279 = arith.constant 512 : i32
      %mul3A_280 = arith.muli %while3A_246, %mul3A_279 : i32
      %get3A_281 = arith.index_cast %mul3A_280 : i32 to index
      %get3A_282 = arith.constant 128 : index
      %get3A_283 = vector.load %arg3[%get3A_281, %get3A_282] : memref<2048x576xbf16, #tpu.memory_space<vmem>>, vector<512x64xbf16>
      %dot_general3A_284 = arith.constant dense<0.000000e+00> : vector<512x64xf32>
      %dot_general3A_285 = tpu.matmul %convert_element_type3A_278, %get3A_283, %dot_general3A_284 {dimension_numbers = #tpu.dot_dimension_numbers<[1], [0], [0], [1], [0, 0, 1, 1], [], []>, transpose_lhs_hint = false} : vector<512x512xbf16>, vector<512x64xbf16>, vector<512x64xf32> -> vector<512x64xf32>
      %add3A_286 = arith.addf %mul3A_277, %dot_general3A_285 : vector<512x64xf32>
      scf.yield %max3A, %add3A_275, %add3A_286 : vector<512x1xf32>, vector<512x1xf32>, vector<512x64xf32>
    }
    %while3A_70 = arith.constant 1 : i32
    %while3A_71:3 = scf.for %while3A_246 = %while3A_67 to %while3A_63 step %while3A_70 iter_args(%while3A_247 = %while3A_69#0, %while3A_248 = %while3A_69#1, %while3A_249 = %while3A_69#2) -> (vector<512x1xf32>, vector<512x1xf32>, vector<512x64xf32>)  : i32 {
      %mul3A = arith.constant 512 : i32
      %mul3A_250 = arith.muli %while3A_246, %mul3A : i32
      %get3A_251 = arith.index_cast %mul3A_250 : i32 to index
      %get3A_252 = arith.constant 128 : index
      %get3A_253 = vector.load %arg2[%get3A_251, %get3A_252] : memref<2048x576xbf16, #tpu.memory_space<vmem>>, vector<512x64xbf16>
      %dot_general3A = arith.constant dense<0.000000e+00> : vector<512x512xf32>
      %dot_general3A_254 = tpu.matmul %get3A_52, %get3A_253, %dot_general3A {dimension_numbers = #tpu.dot_dimension_numbers<[1], [1], [0], [0], [0, 0, 1, 0], [], []>, transpose_lhs_hint = false} : vector<512x64xbf16>, vector<512x64xbf16>, vector<512x512xf32> -> vector<512x512xf32>
      %mul3A_255 = arith.constant 1.250000e-01 : f32
      %mul3A_256 = vector.broadcast %mul3A_255 : f32 to vector<512x512xf32>
      %mul3A_257 = arith.mulf %dot_general3A_254, %mul3A_256 : vector<512x512xf32>
      %mul3A_258 = arith.constant 512 : i32
      %mul3A_259 = arith.muli %arg0, %mul3A_258 : i32
      %add3A_260 = vector.broadcast %mul3A_259 : i32 to vector<512x512xi32>
      %add3A_261 = arith.addi %add3A_260, %iota3A : vector<512x512xi32>
      %mul3A_262 = arith.constant 512 : i32
      %mul3A_263 = arith.muli %while3A_246, %mul3A_262 : i32
      %add3A_264 = vector.broadcast %mul3A_263 : i32 to vector<512x512xi32>
      %add3A_265 = arith.addi %add3A_264, %iota3A_0 : vector<512x512xi32>
      %ge3A = arith.cmpi sge, %add3A_261, %add3A_265 : vector<512x512xi32>
      %jit3A = arith.constant -1.000000e+30 : f32
      %broadcast_in_dim3A_266 = vector.broadcast %jit3A : f32 to vector<512x512xf32>
      %select_n3A = arith.select %ge3A, %mul3A_257, %broadcast_in_dim3A_266 : vector<512x512xi1>, vector<512x512xf32>
      %reduce_max3A = arith.constant dense<0xFF800000> : vector<512xf32>
      %reduce_max3A_267 = vector.multi_reduction <maximumf>, %select_n3A, %reduce_max3A [1] : vector<512x512xf32> to vector<512xf32>
      %broadcast_in_dim3A_268 = vector.shape_cast %reduce_max3A_267 : vector<512xf32> to vector<512x1xf32>
      %max3A = arith.maximumf %while3A_247, %broadcast_in_dim3A_268 : vector<512x1xf32>
      %sub3A = vector.broadcast %max3A : vector<512x1xf32> to vector<512x512xf32>
      %sub3A_269 = arith.subf %select_n3A, %sub3A : vector<512x512xf32>
      %exp3A = math.exp %sub3A_269 : vector<512x512xf32>
      %sub3A_270 = arith.subf %while3A_247, %max3A : vector<512x1xf32>
      %exp3A_271 = math.exp %sub3A_270 : vector<512x1xf32>
      %mul3A_272 = arith.mulf %while3A_248, %exp3A_271 : vector<512x1xf32>
      %reduce_sum3A = arith.constant dense<0.000000e+00> : vector<512xf32>
      %reduce_sum3A_273 = vector.multi_reduction <add>, %exp3A, %reduce_sum3A [1] : vector<512x512xf32> to vector<512xf32>
      %broadcast_in_dim3A_274 = vector.shape_cast %reduce_sum3A_273 : vector<512xf32> to vector<512x1xf32>
      %add3A_275 = arith.addf %mul3A_272, %broadcast_in_dim3A_274 : vector<512x1xf32>
      %mul3A_276 = vector.broadcast %exp3A_271 : vector<512x1xf32> to vector<512x64xf32>
      %mul3A_277 = arith.mulf %while3A_249, %mul3A_276 : vector<512x64xf32>
      %convert_element_type3A_278 = arith.truncf %exp3A : vector<512x512xf32> to vector<512x512xbf16>
      %mul3A_279 = arith.constant 512 : i32
      %mul3A_280 = arith.muli %while3A_246, %mul3A_279 : i32
      %get3A_281 = arith.index_cast %mul3A_280 : i32 to index
      %get3A_282 = arith.constant 128 : index
      %get3A_283 = vector.load %arg3[%get3A_281, %get3A_282] : memref<2048x576xbf16, #tpu.memory_space<vmem>>, vector<512x64xbf16>
      %dot_general3A_284 = arith.constant dense<0.000000e+00> : vector<512x64xf32>
      %dot_general3A_285 = tpu.matmul %convert_element_type3A_278, %get3A_283, %dot_general3A_284 {dimension_numbers = #tpu.dot_dimension_numbers<[1], [0], [0], [1], [0, 0, 1, 1], [], []>, transpose_lhs_hint = false} : vector<512x512xbf16>, vector<512x64xbf16>, vector<512x64xf32> -> vector<512x64xf32>
      %add3A_286 = arith.addf %mul3A_277, %dot_general3A_285 : vector<512x64xf32>
      scf.yield %max3A, %add3A_275, %add3A_286 : vector<512x1xf32>, vector<512x1xf32>, vector<512x64xf32>
    }
    %div3A_72 = vector.broadcast %while3A_71#1 : vector<512x1xf32> to vector<512x64xf32>
    %div3A_73 = arith.divf %while3A_71#2, %div3A_72 : vector<512x64xf32>
    %convert_element_type3A_74 = arith.truncf %div3A_73 : vector<512x64xf32> to vector<512x64xbf16>
    %swap3A_75 = arith.constant 0 : index
    %swap3A_76 = arith.constant 128 : index
    %swap3A_77 = vector.load %arg4[%swap3A_75, %swap3A_76] : memref<512x576xbf16, #tpu.memory_space<vmem>>, vector<512x64xbf16>
    tpu.vector_store %arg4[%swap3A_75, %swap3A_76], %convert_element_type3A_74 {strides = array<i32>} : memref<512x576xbf16, #tpu.memory_space<vmem>>, vector<512x64xbf16>,
    %get3A_78 = arith.constant 0 : index
    %get3A_79 = arith.constant 192 : index
    %get3A_80 = vector.load %arg1[%get3A_78, %get3A_79] : memref<512x576xbf16, #tpu.memory_space<vmem>>, vector<512x64xbf16>
    %broadcast_in_dim3A_81 = arith.constant -1.000000e+30 : f32
    %broadcast_in_dim3A_82 = vector.broadcast %broadcast_in_dim3A_81 : f32 to vector<512x1xf32>
    %broadcast_in_dim3A_83 = arith.constant 0.000000e+00 : f32
    %broadcast_in_dim3A_84 = vector.broadcast %broadcast_in_dim3A_83 : f32 to vector<512x1xf32>
    %broadcast_in_dim3A_85 = arith.constant 0.000000e+00 : f32
    %broadcast_in_dim3A_86 = vector.broadcast %broadcast_in_dim3A_85 : f32 to vector<512x64xf32>
    %add3A_87 = arith.constant 1 : i32
    %add3A_88 = arith.addi %arg0, %add3A_87 : i32
    %while3A_89 = arith.constant 0 : i32
    %while3A_90 = arith.subi %add3A_88, %while3A_89 : i32
    %while3A_91 = arith.addi %while3A_89, %while3A_90 : i32
    %while3A_92 = arith.constant 1 : i32
    %while3A_93 = arith.divsi %while3A_90, %while3A_92 : i32
    %while3A_94 = arith.muli %while3A_93, %while3A_92 : i32
    %while3A_95 = arith.addi %while3A_89, %while3A_94 : i32
    %while3A_96 = arith.constant 1 : i32
    %while3A_97:3 = scf.for %while3A_246 = %while3A_89 to %while3A_95 step %while3A_96 iter_args(%while3A_247 = %broadcast_in_dim3A_82, %while3A_248 = %broadcast_in_dim3A_84, %while3A_249 = %broadcast_in_dim3A_86) -> (vector<512x1xf32>, vector<512x1xf32>, vector<512x64xf32>)  : i32 {
      %mul3A = arith.constant 512 : i32
      %mul3A_250 = arith.muli %while3A_246, %mul3A : i32
      %get3A_251 = arith.index_cast %mul3A_250 : i32 to index
      %get3A_252 = arith.constant 192 : index
      %get3A_253 = vector.load %arg2[%get3A_251, %get3A_252] : memref<2048x576xbf16, #tpu.memory_space<vmem>>, vector<512x64xbf16>
      %dot_general3A = arith.constant dense<0.000000e+00> : vector<512x512xf32>
      %dot_general3A_254 = tpu.matmul %get3A_80, %get3A_253, %dot_general3A {dimension_numbers = #tpu.dot_dimension_numbers<[1], [1], [0], [0], [0, 0, 1, 0], [], []>, transpose_lhs_hint = false} : vector<512x64xbf16>, vector<512x64xbf16>, vector<512x512xf32> -> vector<512x512xf32>
      %mul3A_255 = arith.constant 1.250000e-01 : f32
      %mul3A_256 = vector.broadcast %mul3A_255 : f32 to vector<512x512xf32>
      %mul3A_257 = arith.mulf %dot_general3A_254, %mul3A_256 : vector<512x512xf32>
      %mul3A_258 = arith.constant 512 : i32
      %mul3A_259 = arith.muli %arg0, %mul3A_258 : i32
      %add3A_260 = vector.broadcast %mul3A_259 : i32 to vector<512x512xi32>
      %add3A_261 = arith.addi %add3A_260, %iota3A : vector<512x512xi32>
      %mul3A_262 = arith.constant 512 : i32
      %mul3A_263 = arith.muli %while3A_246, %mul3A_262 : i32
      %add3A_264 = vector.broadcast %mul3A_263 : i32 to vector<512x512xi32>
      %add3A_265 = arith.addi %add3A_264, %iota3A_0 : vector<512x512xi32>
      %ge3A = arith.cmpi sge, %add3A_261, %add3A_265 : vector<512x512xi32>
      %jit3A = arith.constant -1.000000e+30 : f32
      %broadcast_in_dim3A_266 = vector.broadcast %jit3A : f32 to vector<512x512xf32>
      %select_n3A = arith.select %ge3A, %mul3A_257, %broadcast_in_dim3A_266 : vector<512x512xi1>, vector<512x512xf32>
      %reduce_max3A = arith.constant dense<0xFF800000> : vector<512xf32>
      %reduce_max3A_267 = vector.multi_reduction <maximumf>, %select_n3A, %reduce_max3A [1] : vector<512x512xf32> to vector<512xf32>
      %broadcast_in_dim3A_268 = vector.shape_cast %reduce_max3A_267 : vector<512xf32> to vector<512x1xf32>
      %max3A = arith.maximumf %while3A_247, %broadcast_in_dim3A_268 : vector<512x1xf32>
      %sub3A = vector.broadcast %max3A : vector<512x1xf32> to vector<512x512xf32>
      %sub3A_269 = arith.subf %select_n3A, %sub3A : vector<512x512xf32>
      %exp3A = math.exp %sub3A_269 : vector<512x512xf32>
      %sub3A_270 = arith.subf %while3A_247, %max3A : vector<512x1xf32>
      %exp3A_271 = math.exp %sub3A_270 : vector<512x1xf32>
      %mul3A_272 = arith.mulf %while3A_248, %exp3A_271 : vector<512x1xf32>
      %reduce_sum3A = arith.constant dense<0.000000e+00> : vector<512xf32>
      %reduce_sum3A_273 = vector.multi_reduction <add>, %exp3A, %reduce_sum3A [1] : vector<512x512xf32> to vector<512xf32>
      %broadcast_in_dim3A_274 = vector.shape_cast %reduce_sum3A_273 : vector<512xf32> to vector<512x1xf32>
      %add3A_275 = arith.addf %mul3A_272, %broadcast_in_dim3A_274 : vector<512x1xf32>
      %mul3A_276 = vector.broadcast %exp3A_271 : vector<512x1xf32> to vector<512x64xf32>
      %mul3A_277 = arith.mulf %while3A_249, %mul3A_276 : vector<512x64xf32>
      %convert_element_type3A_278 = arith.truncf %exp3A : vector<512x512xf32> to vector<512x512xbf16>
      %mul3A_279 = arith.constant 512 : i32
      %mul3A_280 = arith.muli %while3A_246, %mul3A_279 : i32
      %get3A_281 = arith.index_cast %mul3A_280 : i32 to index
      %get3A_282 = arith.constant 192 : index
      %get3A_283 = vector.load %arg3[%get3A_281, %get3A_282] : memref<2048x576xbf16, #tpu.memory_space<vmem>>, vector<512x64xbf16>
      %dot_general3A_284 = arith.constant dense<0.000000e+00> : vector<512x64xf32>
      %dot_general3A_285 = tpu.matmul %convert_element_type3A_278, %get3A_283, %dot_general3A_284 {dimension_numbers = #tpu.dot_dimension_numbers<[1], [0], [0], [1], [0, 0, 1, 1], [], []>, transpose_lhs_hint = false} : vector<512x512xbf16>, vector<512x64xbf16>, vector<512x64xf32> -> vector<512x64xf32>
      %add3A_286 = arith.addf %mul3A_277, %dot_general3A_285 : vector<512x64xf32>
      scf.yield %max3A, %add3A_275, %add3A_286 : vector<512x1xf32>, vector<512x1xf32>, vector<512x64xf32>
    }
    %while3A_98 = arith.constant 1 : i32
    %while3A_99:3 = scf.for %while3A_246 = %while3A_95 to %while3A_91 step %while3A_98 iter_args(%while3A_247 = %while3A_97#0, %while3A_248 = %while3A_97#1, %while3A_249 = %while3A_97#2) -> (vector<512x1xf32>, vector<512x1xf32>, vector<512x64xf32>)  : i32 {
      %mul3A = arith.constant 512 : i32
      %mul3A_250 = arith.muli %while3A_246, %mul3A : i32
      %get3A_251 = arith.index_cast %mul3A_250 : i32 to index
      %get3A_252 = arith.constant 192 : index
      %get3A_253 = vector.load %arg2[%get3A_251, %get3A_252] : memref<2048x576xbf16, #tpu.memory_space<vmem>>, vector<512x64xbf16>
      %dot_general3A = arith.constant dense<0.000000e+00> : vector<512x512xf32>
      %dot_general3A_254 = tpu.matmul %get3A_80, %get3A_253, %dot_general3A {dimension_numbers = #tpu.dot_dimension_numbers<[1], [1], [0], [0], [0, 0, 1, 0], [], []>, transpose_lhs_hint = false} : vector<512x64xbf16>, vector<512x64xbf16>, vector<512x512xf32> -> vector<512x512xf32>
      %mul3A_255 = arith.constant 1.250000e-01 : f32
      %mul3A_256 = vector.broadcast %mul3A_255 : f32 to vector<512x512xf32>
      %mul3A_257 = arith.mulf %dot_general3A_254, %mul3A_256 : vector<512x512xf32>
      %mul3A_258 = arith.constant 512 : i32
      %mul3A_259 = arith.muli %arg0, %mul3A_258 : i32
      %add3A_260 = vector.broadcast %mul3A_259 : i32 to vector<512x512xi32>
      %add3A_261 = arith.addi %add3A_260, %iota3A : vector<512x512xi32>
      %mul3A_262 = arith.constant 512 : i32
      %mul3A_263 = arith.muli %while3A_246, %mul3A_262 : i32
      %add3A_264 = vector.broadcast %mul3A_263 : i32 to vector<512x512xi32>
      %add3A_265 = arith.addi %add3A_264, %iota3A_0 : vector<512x512xi32>
      %ge3A = arith.cmpi sge, %add3A_261, %add3A_265 : vector<512x512xi32>
      %jit3A = arith.constant -1.000000e+30 : f32
      %broadcast_in_dim3A_266 = vector.broadcast %jit3A : f32 to vector<512x512xf32>
      %select_n3A = arith.select %ge3A, %mul3A_257, %broadcast_in_dim3A_266 : vector<512x512xi1>, vector<512x512xf32>
      %reduce_max3A = arith.constant dense<0xFF800000> : vector<512xf32>
      %reduce_max3A_267 = vector.multi_reduction <maximumf>, %select_n3A, %reduce_max3A [1] : vector<512x512xf32> to vector<512xf32>
      %broadcast_in_dim3A_268 = vector.shape_cast %reduce_max3A_267 : vector<512xf32> to vector<512x1xf32>
      %max3A = arith.maximumf %while3A_247, %broadcast_in_dim3A_268 : vector<512x1xf32>
      %sub3A = vector.broadcast %max3A : vector<512x1xf32> to vector<512x512xf32>
      %sub3A_269 = arith.subf %select_n3A, %sub3A : vector<512x512xf32>
      %exp3A = math.exp %sub3A_269 : vector<512x512xf32>
      %sub3A_270 = arith.subf %while3A_247, %max3A : vector<512x1xf32>
      %exp3A_271 = math.exp %sub3A_270 : vector<512x1xf32>
      %mul3A_272 = arith.mulf %while3A_248, %exp3A_271 : vector<512x1xf32>
      %reduce_sum3A = arith.constant dense<0.000000e+00> : vector<512xf32>
      %reduce_sum3A_273 = vector.multi_reduction <add>, %exp3A, %reduce_sum3A [1] : vector<512x512xf32> to vector<512xf32>
      %broadcast_in_dim3A_274 = vector.shape_cast %reduce_sum3A_273 : vector<512xf32> to vector<512x1xf32>
      %add3A_275 = arith.addf %mul3A_272, %broadcast_in_dim3A_274 : vector<512x1xf32>
      %mul3A_276 = vector.broadcast %exp3A_271 : vector<512x1xf32> to vector<512x64xf32>
      %mul3A_277 = arith.mulf %while3A_249, %mul3A_276 : vector<512x64xf32>
      %convert_element_type3A_278 = arith.truncf %exp3A : vector<512x512xf32> to vector<512x512xbf16>
      %mul3A_279 = arith.constant 512 : i32
      %mul3A_280 = arith.muli %while3A_246, %mul3A_279 : i32
      %get3A_281 = arith.index_cast %mul3A_280 : i32 to index
      %get3A_282 = arith.constant 192 : index
      %get3A_283 = vector.load %arg3[%get3A_281, %get3A_282] : memref<2048x576xbf16, #tpu.memory_space<vmem>>, vector<512x64xbf16>
      %dot_general3A_284 = arith.constant dense<0.000000e+00> : vector<512x64xf32>
      %dot_general3A_285 = tpu.matmul %convert_element_type3A_278, %get3A_283, %dot_general3A_284 {dimension_numbers = #tpu.dot_dimension_numbers<[1], [0], [0], [1], [0, 0, 1, 1], [], []>, transpose_lhs_hint = false} : vector<512x512xbf16>, vector<512x64xbf16>, vector<512x64xf32> -> vector<512x64xf32>
      %add3A_286 = arith.addf %mul3A_277, %dot_general3A_285 : vector<512x64xf32>
      scf.yield %max3A, %add3A_275, %add3A_286 : vector<512x1xf32>, vector<512x1xf32>, vector<512x64xf32>
    }
    %div3A_100 = vector.broadcast %while3A_99#1 : vector<512x1xf32> to vector<512x64xf32>
    %div3A_101 = arith.divf %while3A_99#2, %div3A_100 : vector<512x64xf32>
    %convert_element_type3A_102 = arith.truncf %div3A_101 : vector<512x64xf32> to vector<512x64xbf16>
    %swap3A_103 = arith.constant 0 : index
    %swap3A_104 = arith.constant 192 : index
    %swap3A_105 = vector.load %arg4[%swap3A_103, %swap3A_104] : memref<512x576xbf16, #tpu.memory_space<vmem>>, vector<512x64xbf16>
    tpu.vector_store %arg4[%swap3A_103, %swap3A_104], %convert_element_type3A_102 {strides = array<i32>} : memref<512x576xbf16, #tpu.memory_space<vmem>>, vector<512x64xbf16>,
    %get3A_106 = arith.constant 0 : index
    %get3A_107 = arith.constant 256 : index
    %get3A_108 = vector.load %arg1[%get3A_106, %get3A_107] : memref<512x576xbf16, #tpu.memory_space<vmem>>, vector<512x64xbf16>
    %broadcast_in_dim3A_109 = arith.constant -1.000000e+30 : f32
    %broadcast_in_dim3A_110 = vector.broadcast %broadcast_in_dim3A_109 : f32 to vector<512x1xf32>
    %broadcast_in_dim3A_111 = arith.constant 0.000000e+00 : f32
    %broadcast_in_dim3A_112 = vector.broadcast %broadcast_in_dim3A_111 : f32 to vector<512x1xf32>
    %broadcast_in_dim3A_113 = arith.constant 0.000000e+00 : f32
    %broadcast_in_dim3A_114 = vector.broadcast %broadcast_in_dim3A_113 : f32 to vector<512x64xf32>
    %add3A_115 = arith.constant 1 : i32
    %add3A_116 = arith.addi %arg0, %add3A_115 : i32
    %while3A_117 = arith.constant 0 : i32
    %while3A_118 = arith.subi %add3A_116, %while3A_117 : i32
    %while3A_119 = arith.addi %while3A_117, %while3A_118 : i32
    %while3A_120 = arith.constant 1 : i32
    %while3A_121 = arith.divsi %while3A_118, %while3A_120 : i32
    %while3A_122 = arith.muli %while3A_121, %while3A_120 : i32
    %while3A_123 = arith.addi %while3A_117, %while3A_122 : i32
    %while3A_124 = arith.constant 1 : i32
    %while3A_125:3 = scf.for %while3A_246 = %while3A_117 to %while3A_123 step %while3A_124 iter_args(%while3A_247 = %broadcast_in_dim3A_110, %while3A_248 = %broadcast_in_dim3A_112, %while3A_249 = %broadcast_in_dim3A_114) -> (vector<512x1xf32>, vector<512x1xf32>, vector<512x64xf32>)  : i32 {
      %mul3A = arith.constant 512 : i32
      %mul3A_250 = arith.muli %while3A_246, %mul3A : i32
      %get3A_251 = arith.index_cast %mul3A_250 : i32 to index
      %get3A_252 = arith.constant 256 : index
      %get3A_253 = vector.load %arg2[%get3A_251, %get3A_252] : memref<2048x576xbf16, #tpu.memory_space<vmem>>, vector<512x64xbf16>
      %dot_general3A = arith.constant dense<0.000000e+00> : vector<512x512xf32>
      %dot_general3A_254 = tpu.matmul %get3A_108, %get3A_253, %dot_general3A {dimension_numbers = #tpu.dot_dimension_numbers<[1], [1], [0], [0], [0, 0, 1, 0], [], []>, transpose_lhs_hint = false} : vector<512x64xbf16>, vector<512x64xbf16>, vector<512x512xf32> -> vector<512x512xf32>
      %mul3A_255 = arith.constant 1.250000e-01 : f32
      %mul3A_256 = vector.broadcast %mul3A_255 : f32 to vector<512x512xf32>
      %mul3A_257 = arith.mulf %dot_general3A_254, %mul3A_256 : vector<512x512xf32>
      %mul3A_258 = arith.constant 512 : i32
      %mul3A_259 = arith.muli %arg0, %mul3A_258 : i32
      %add3A_260 = vector.broadcast %mul3A_259 : i32 to vector<512x512xi32>
      %add3A_261 = arith.addi %add3A_260, %iota3A : vector<512x512xi32>
      %mul3A_262 = arith.constant 512 : i32
      %mul3A_263 = arith.muli %while3A_246, %mul3A_262 : i32
      %add3A_264 = vector.broadcast %mul3A_263 : i32 to vector<512x512xi32>
      %add3A_265 = arith.addi %add3A_264, %iota3A_0 : vector<512x512xi32>
      %ge3A = arith.cmpi sge, %add3A_261, %add3A_265 : vector<512x512xi32>
      %jit3A = arith.constant -1.000000e+30 : f32
      %broadcast_in_dim3A_266 = vector.broadcast %jit3A : f32 to vector<512x512xf32>
      %select_n3A = arith.select %ge3A, %mul3A_257, %broadcast_in_dim3A_266 : vector<512x512xi1>, vector<512x512xf32>
      %reduce_max3A = arith.constant dense<0xFF800000> : vector<512xf32>
      %reduce_max3A_267 = vector.multi_reduction <maximumf>, %select_n3A, %reduce_max3A [1] : vector<512x512xf32> to vector<512xf32>
      %broadcast_in_dim3A_268 = vector.shape_cast %reduce_max3A_267 : vector<512xf32> to vector<512x1xf32>
      %max3A = arith.maximumf %while3A_247, %broadcast_in_dim3A_268 : vector<512x1xf32>
      %sub3A = vector.broadcast %max3A : vector<512x1xf32> to vector<512x512xf32>
      %sub3A_269 = arith.subf %select_n3A, %sub3A : vector<512x512xf32>
      %exp3A = math.exp %sub3A_269 : vector<512x512xf32>
      %sub3A_270 = arith.subf %while3A_247, %max3A : vector<512x1xf32>
      %exp3A_271 = math.exp %sub3A_270 : vector<512x1xf32>
      %mul3A_272 = arith.mulf %while3A_248, %exp3A_271 : vector<512x1xf32>
      %reduce_sum3A = arith.constant dense<0.000000e+00> : vector<512xf32>
      %reduce_sum3A_273 = vector.multi_reduction <add>, %exp3A, %reduce_sum3A [1] : vector<512x512xf32> to vector<512xf32>
      %broadcast_in_dim3A_274 = vector.shape_cast %reduce_sum3A_273 : vector<512xf32> to vector<512x1xf32>
      %add3A_275 = arith.addf %mul3A_272, %broadcast_in_dim3A_274 : vector<512x1xf32>
      %mul3A_276 = vector.broadcast %exp3A_271 : vector<512x1xf32> to vector<512x64xf32>
      %mul3A_277 = arith.mulf %while3A_249, %mul3A_276 : vector<512x64xf32>
      %convert_element_type3A_278 = arith.truncf %exp3A : vector<512x512xf32> to vector<512x512xbf16>
      %mul3A_279 = arith.constant 512 : i32
      %mul3A_280 = arith.muli %while3A_246, %mul3A_279 : i32
      %get3A_281 = arith.index_cast %mul3A_280 : i32 to index
      %get3A_282 = arith.constant 256 : index
      %get3A_283 = vector.load %arg3[%get3A_281, %get3A_282] : memref<2048x576xbf16, #tpu.memory_space<vmem>>, vector<512x64xbf16>
      %dot_general3A_284 = arith.constant dense<0.000000e+00> : vector<512x64xf32>
      %dot_general3A_285 = tpu.matmul %convert_element_type3A_278, %get3A_283, %dot_general3A_284 {dimension_numbers = #tpu.dot_dimension_numbers<[1], [0], [0], [1], [0, 0, 1, 1], [], []>, transpose_lhs_hint = false} : vector<512x512xbf16>, vector<512x64xbf16>, vector<512x64xf32> -> vector<512x64xf32>
      %add3A_286 = arith.addf %mul3A_277, %dot_general3A_285 : vector<512x64xf32>
      scf.yield %max3A, %add3A_275, %add3A_286 : vector<512x1xf32>, vector<512x1xf32>, vector<512x64xf32>
    }
    %while3A_126 = arith.constant 1 : i32
    %while3A_127:3 = scf.for %while3A_246 = %while3A_123 to %while3A_119 step %while3A_126 iter_args(%while3A_247 = %while3A_125#0, %while3A_248 = %while3A_125#1, %while3A_249 = %while3A_125#2) -> (vector<512x1xf32>, vector<512x1xf32>, vector<512x64xf32>)  : i32 {
      %mul3A = arith.constant 512 : i32
      %mul3A_250 = arith.muli %while3A_246, %mul3A : i32
      %get3A_251 = arith.index_cast %mul3A_250 : i32 to index
      %get3A_252 = arith.constant 256 : index
      %get3A_253 = vector.load %arg2[%get3A_251, %get3A_252] : memref<2048x576xbf16, #tpu.memory_space<vmem>>, vector<512x64xbf16>
      %dot_general3A = arith.constant dense<0.000000e+00> : vector<512x512xf32>
      %dot_general3A_254 = tpu.matmul %get3A_108, %get3A_253, %dot_general3A {dimension_numbers = #tpu.dot_dimension_numbers<[1], [1], [0], [0], [0, 0, 1, 0], [], []>, transpose_lhs_hint = false} : vector<512x64xbf16>, vector<512x64xbf16>, vector<512x512xf32> -> vector<512x512xf32>
      %mul3A_255 = arith.constant 1.250000e-01 : f32
      %mul3A_256 = vector.broadcast %mul3A_255 : f32 to vector<512x512xf32>
      %mul3A_257 = arith.mulf %dot_general3A_254, %mul3A_256 : vector<512x512xf32>
      %mul3A_258 = arith.constant 512 : i32
      %mul3A_259 = arith.muli %arg0, %mul3A_258 : i32
      %add3A_260 = vector.broadcast %mul3A_259 : i32 to vector<512x512xi32>
      %add3A_261 = arith.addi %add3A_260, %iota3A : vector<512x512xi32>
      %mul3A_262 = arith.constant 512 : i32
      %mul3A_263 = arith.muli %while3A_246, %mul3A_262 : i32
      %add3A_264 = vector.broadcast %mul3A_263 : i32 to vector<512x512xi32>
      %add3A_265 = arith.addi %add3A_264, %iota3A_0 : vector<512x512xi32>
      %ge3A = arith.cmpi sge, %add3A_261, %add3A_265 : vector<512x512xi32>
      %jit3A = arith.constant -1.000000e+30 : f32
      %broadcast_in_dim3A_266 = vector.broadcast %jit3A : f32 to vector<512x512xf32>
      %select_n3A = arith.select %ge3A, %mul3A_257, %broadcast_in_dim3A_266 : vector<512x512xi1>, vector<512x512xf32>
      %reduce_max3A = arith.constant dense<0xFF800000> : vector<512xf32>
      %reduce_max3A_267 = vector.multi_reduction <maximumf>, %select_n3A, %reduce_max3A [1] : vector<512x512xf32> to vector<512xf32>
      %broadcast_in_dim3A_268 = vector.shape_cast %reduce_max3A_267 : vector<512xf32> to vector<512x1xf32>
      %max3A = arith.maximumf %while3A_247, %broadcast_in_dim3A_268 : vector<512x1xf32>
      %sub3A = vector.broadcast %max3A : vector<512x1xf32> to vector<512x512xf32>
      %sub3A_269 = arith.subf %select_n3A, %sub3A : vector<512x512xf32>
      %exp3A = math.exp %sub3A_269 : vector<512x512xf32>
      %sub3A_270 = arith.subf %while3A_247, %max3A : vector<512x1xf32>
      %exp3A_271 = math.exp %sub3A_270 : vector<512x1xf32>
      %mul3A_272 = arith.mulf %while3A_248, %exp3A_271 : vector<512x1xf32>
      %reduce_sum3A = arith.constant dense<0.000000e+00> : vector<512xf32>
      %reduce_sum3A_273 = vector.multi_reduction <add>, %exp3A, %reduce_sum3A [1] : vector<512x512xf32> to vector<512xf32>
      %broadcast_in_dim3A_274 = vector.shape_cast %reduce_sum3A_273 : vector<512xf32> to vector<512x1xf32>
      %add3A_275 = arith.addf %mul3A_272, %broadcast_in_dim3A_274 : vector<512x1xf32>
      %mul3A_276 = vector.broadcast %exp3A_271 : vector<512x1xf32> to vector<512x64xf32>
      %mul3A_277 = arith.mulf %while3A_249, %mul3A_276 : vector<512x64xf32>
      %convert_element_type3A_278 = arith.truncf %exp3A : vector<512x512xf32> to vector<512x512xbf16>
      %mul3A_279 = arith.constant 512 : i32
      %mul3A_280 = arith.muli %while3A_246, %mul3A_279 : i32
      %get3A_281 = arith.index_cast %mul3A_280 : i32 to index
      %get3A_282 = arith.constant 256 : index
      %get3A_283 = vector.load %arg3[%get3A_281, %get3A_282] : memref<2048x576xbf16, #tpu.memory_space<vmem>>, vector<512x64xbf16>
      %dot_general3A_284 = arith.constant dense<0.000000e+00> : vector<512x64xf32>
      %dot_general3A_285 = tpu.matmul %convert_element_type3A_278, %get3A_283, %dot_general3A_284 {dimension_numbers = #tpu.dot_dimension_numbers<[1], [0], [0], [1], [0, 0, 1, 1], [], []>, transpose_lhs_hint = false} : vector<512x512xbf16>, vector<512x64xbf16>, vector<512x64xf32> -> vector<512x64xf32>
      %add3A_286 = arith.addf %mul3A_277, %dot_general3A_285 : vector<512x64xf32>
      scf.yield %max3A, %add3A_275, %add3A_286 : vector<512x1xf32>, vector<512x1xf32>, vector<512x64xf32>
    }
    %div3A_128 = vector.broadcast %while3A_127#1 : vector<512x1xf32> to vector<512x64xf32>
    %div3A_129 = arith.divf %while3A_127#2, %div3A_128 : vector<512x64xf32>
    %convert_element_type3A_130 = arith.truncf %div3A_129 : vector<512x64xf32> to vector<512x64xbf16>
    %swap3A_131 = arith.constant 0 : index
    %swap3A_132 = arith.constant 256 : index
    %swap3A_133 = vector.load %arg4[%swap3A_131, %swap3A_132] : memref<512x576xbf16, #tpu.memory_space<vmem>>, vector<512x64xbf16>
    tpu.vector_store %arg4[%swap3A_131, %swap3A_132], %convert_element_type3A_130 {strides = array<i32>} : memref<512x576xbf16, #tpu.memory_space<vmem>>, vector<512x64xbf16>,
    %get3A_134 = arith.constant 0 : index
    %get3A_135 = arith.constant 320 : index
    %get3A_136 = vector.load %arg1[%get3A_134, %get3A_135] : memref<512x576xbf16, #tpu.memory_space<vmem>>, vector<512x64xbf16>
    %broadcast_in_dim3A_137 = arith.constant -1.000000e+30 : f32
    %broadcast_in_dim3A_138 = vector.broadcast %broadcast_in_dim3A_137 : f32 to vector<512x1xf32>
    %broadcast_in_dim3A_139 = arith.constant 0.000000e+00 : f32
    %broadcast_in_dim3A_140 = vector.broadcast %broadcast_in_dim3A_139 : f32 to vector<512x1xf32>
    %broadcast_in_dim3A_141 = arith.constant 0.000000e+00 : f32
    %broadcast_in_dim3A_142 = vector.broadcast %broadcast_in_dim3A_141 : f32 to vector<512x64xf32>
    %add3A_143 = arith.constant 1 : i32
    %add3A_144 = arith.addi %arg0, %add3A_143 : i32
    %while3A_145 = arith.constant 0 : i32
    %while3A_146 = arith.subi %add3A_144, %while3A_145 : i32
    %while3A_147 = arith.addi %while3A_145, %while3A_146 : i32
    %while3A_148 = arith.constant 1 : i32
    %while3A_149 = arith.divsi %while3A_146, %while3A_148 : i32
    %while3A_150 = arith.muli %while3A_149, %while3A_148 : i32
    %while3A_151 = arith.addi %while3A_145, %while3A_150 : i32
    %while3A_152 = arith.constant 1 : i32
    %while3A_153:3 = scf.for %while3A_246 = %while3A_145 to %while3A_151 step %while3A_152 iter_args(%while3A_247 = %broadcast_in_dim3A_138, %while3A_248 = %broadcast_in_dim3A_140, %while3A_249 = %broadcast_in_dim3A_142) -> (vector<512x1xf32>, vector<512x1xf32>, vector<512x64xf32>)  : i32 {
      %mul3A = arith.constant 512 : i32
      %mul3A_250 = arith.muli %while3A_246, %mul3A : i32
      %get3A_251 = arith.index_cast %mul3A_250 : i32 to index
      %get3A_252 = arith.constant 320 : index
      %get3A_253 = vector.load %arg2[%get3A_251, %get3A_252] : memref<2048x576xbf16, #tpu.memory_space<vmem>>, vector<512x64xbf16>
      %dot_general3A = arith.constant dense<0.000000e+00> : vector<512x512xf32>
      %dot_general3A_254 = tpu.matmul %get3A_136, %get3A_253, %dot_general3A {dimension_numbers = #tpu.dot_dimension_numbers<[1], [1], [0], [0], [0, 0, 1, 0], [], []>, transpose_lhs_hint = false} : vector<512x64xbf16>, vector<512x64xbf16>, vector<512x512xf32> -> vector<512x512xf32>
      %mul3A_255 = arith.constant 1.250000e-01 : f32
      %mul3A_256 = vector.broadcast %mul3A_255 : f32 to vector<512x512xf32>
      %mul3A_257 = arith.mulf %dot_general3A_254, %mul3A_256 : vector<512x512xf32>
      %mul3A_258 = arith.constant 512 : i32
      %mul3A_259 = arith.muli %arg0, %mul3A_258 : i32
      %add3A_260 = vector.broadcast %mul3A_259 : i32 to vector<512x512xi32>
      %add3A_261 = arith.addi %add3A_260, %iota3A : vector<512x512xi32>
      %mul3A_262 = arith.constant 512 : i32
      %mul3A_263 = arith.muli %while3A_246, %mul3A_262 : i32
      %add3A_264 = vector.broadcast %mul3A_263 : i32 to vector<512x512xi32>
      %add3A_265 = arith.addi %add3A_264, %iota3A_0 : vector<512x512xi32>
      %ge3A = arith.cmpi sge, %add3A_261, %add3A_265 : vector<512x512xi32>
      %jit3A = arith.constant -1.000000e+30 : f32
      %broadcast_in_dim3A_266 = vector.broadcast %jit3A : f32 to vector<512x512xf32>
      %select_n3A = arith.select %ge3A, %mul3A_257, %broadcast_in_dim3A_266 : vector<512x512xi1>, vector<512x512xf32>
      %reduce_max3A = arith.constant dense<0xFF800000> : vector<512xf32>
      %reduce_max3A_267 = vector.multi_reduction <maximumf>, %select_n3A, %reduce_max3A [1] : vector<512x512xf32> to vector<512xf32>
      %broadcast_in_dim3A_268 = vector.shape_cast %reduce_max3A_267 : vector<512xf32> to vector<512x1xf32>
      %max3A = arith.maximumf %while3A_247, %broadcast_in_dim3A_268 : vector<512x1xf32>
      %sub3A = vector.broadcast %max3A : vector<512x1xf32> to vector<512x512xf32>
      %sub3A_269 = arith.subf %select_n3A, %sub3A : vector<512x512xf32>
      %exp3A = math.exp %sub3A_269 : vector<512x512xf32>
      %sub3A_270 = arith.subf %while3A_247, %max3A : vector<512x1xf32>
      %exp3A_271 = math.exp %sub3A_270 : vector<512x1xf32>
      %mul3A_272 = arith.mulf %while3A_248, %exp3A_271 : vector<512x1xf32>
      %reduce_sum3A = arith.constant dense<0.000000e+00> : vector<512xf32>
      %reduce_sum3A_273 = vector.multi_reduction <add>, %exp3A, %reduce_sum3A [1] : vector<512x512xf32> to vector<512xf32>
      %broadcast_in_dim3A_274 = vector.shape_cast %reduce_sum3A_273 : vector<512xf32> to vector<512x1xf32>
      %add3A_275 = arith.addf %mul3A_272, %broadcast_in_dim3A_274 : vector<512x1xf32>
      %mul3A_276 = vector.broadcast %exp3A_271 : vector<512x1xf32> to vector<512x64xf32>
      %mul3A_277 = arith.mulf %while3A_249, %mul3A_276 : vector<512x64xf32>
      %convert_element_type3A_278 = arith.truncf %exp3A : vector<512x512xf32> to vector<512x512xbf16>
      %mul3A_279 = arith.constant 512 : i32
      %mul3A_280 = arith.muli %while3A_246, %mul3A_279 : i32
      %get3A_281 = arith.index_cast %mul3A_280 : i32 to index
      %get3A_282 = arith.constant 320 : index
      %get3A_283 = vector.load %arg3[%get3A_281, %get3A_282] : memref<2048x576xbf16, #tpu.memory_space<vmem>>, vector<512x64xbf16>
      %dot_general3A_284 = arith.constant dense<0.000000e+00> : vector<512x64xf32>
      %dot_general3A_285 = tpu.matmul %convert_element_type3A_278, %get3A_283, %dot_general3A_284 {dimension_numbers = #tpu.dot_dimension_numbers<[1], [0], [0], [1], [0, 0, 1, 1], [], []>, transpose_lhs_hint = false} : vector<512x512xbf16>, vector<512x64xbf16>, vector<512x64xf32> -> vector<512x64xf32>
      %add3A_286 = arith.addf %mul3A_277, %dot_general3A_285 : vector<512x64xf32>
      scf.yield %max3A, %add3A_275, %add3A_286 : vector<512x1xf32>, vector<512x1xf32>, vector<512x64xf32>
    }
    %while3A_154 = arith.constant 1 : i32
    %while3A_155:3 = scf.for %while3A_246 = %while3A_151 to %while3A_147 step %while3A_154 iter_args(%while3A_247 = %while3A_153#0, %while3A_248 = %while3A_153#1, %while3A_249 = %while3A_153#2) -> (vector<512x1xf32>, vector<512x1xf32>, vector<512x64xf32>)  : i32 {
      %mul3A = arith.constant 512 : i32
      %mul3A_250 = arith.muli %while3A_246, %mul3A : i32
      %get3A_251 = arith.index_cast %mul3A_250 : i32 to index
      %get3A_252 = arith.constant 320 : index
      %get3A_253 = vector.load %arg2[%get3A_251, %get3A_252] : memref<2048x576xbf16, #tpu.memory_space<vmem>>, vector<512x64xbf16>
      %dot_general3A = arith.constant dense<0.000000e+00> : vector<512x512xf32>
      %dot_general3A_254 = tpu.matmul %get3A_136, %get3A_253, %dot_general3A {dimension_numbers = #tpu.dot_dimension_numbers<[1], [1], [0], [0], [0, 0, 1, 0], [], []>, transpose_lhs_hint = false} : vector<512x64xbf16>, vector<512x64xbf16>, vector<512x512xf32> -> vector<512x512xf32>
      %mul3A_255 = arith.constant 1.250000e-01 : f32
      %mul3A_256 = vector.broadcast %mul3A_255 : f32 to vector<512x512xf32>
      %mul3A_257 = arith.mulf %dot_general3A_254, %mul3A_256 : vector<512x512xf32>
      %mul3A_258 = arith.constant 512 : i32
      %mul3A_259 = arith.muli %arg0, %mul3A_258 : i32
      %add3A_260 = vector.broadcast %mul3A_259 : i32 to vector<512x512xi32>
      %add3A_261 = arith.addi %add3A_260, %iota3A : vector<512x512xi32>
      %mul3A_262 = arith.constant 512 : i32
      %mul3A_263 = arith.muli %while3A_246, %mul3A_262 : i32
      %add3A_264 = vector.broadcast %mul3A_263 : i32 to vector<512x512xi32>
      %add3A_265 = arith.addi %add3A_264, %iota3A_0 : vector<512x512xi32>
      %ge3A = arith.cmpi sge, %add3A_261, %add3A_265 : vector<512x512xi32>
      %jit3A = arith.constant -1.000000e+30 : f32
      %broadcast_in_dim3A_266 = vector.broadcast %jit3A : f32 to vector<512x512xf32>
      %select_n3A = arith.select %ge3A, %mul3A_257, %broadcast_in_dim3A_266 : vector<512x512xi1>, vector<512x512xf32>
      %reduce_max3A = arith.constant dense<0xFF800000> : vector<512xf32>
      %reduce_max3A_267 = vector.multi_reduction <maximumf>, %select_n3A, %reduce_max3A [1] : vector<512x512xf32> to vector<512xf32>
      %broadcast_in_dim3A_268 = vector.shape_cast %reduce_max3A_267 : vector<512xf32> to vector<512x1xf32>
      %max3A = arith.maximumf %while3A_247, %broadcast_in_dim3A_268 : vector<512x1xf32>
      %sub3A = vector.broadcast %max3A : vector<512x1xf32> to vector<512x512xf32>
      %sub3A_269 = arith.subf %select_n3A, %sub3A : vector<512x512xf32>
      %exp3A = math.exp %sub3A_269 : vector<512x512xf32>
      %sub3A_270 = arith.subf %while3A_247, %max3A : vector<512x1xf32>
      %exp3A_271 = math.exp %sub3A_270 : vector<512x1xf32>
      %mul3A_272 = arith.mulf %while3A_248, %exp3A_271 : vector<512x1xf32>
      %reduce_sum3A = arith.constant dense<0.000000e+00> : vector<512xf32>
      %reduce_sum3A_273 = vector.multi_reduction <add>, %exp3A, %reduce_sum3A [1] : vector<512x512xf32> to vector<512xf32>
      %broadcast_in_dim3A_274 = vector.shape_cast %reduce_sum3A_273 : vector<512xf32> to vector<512x1xf32>
      %add3A_275 = arith.addf %mul3A_272, %broadcast_in_dim3A_274 : vector<512x1xf32>
      %mul3A_276 = vector.broadcast %exp3A_271 : vector<512x1xf32> to vector<512x64xf32>
      %mul3A_277 = arith.mulf %while3A_249, %mul3A_276 : vector<512x64xf32>
      %convert_element_type3A_278 = arith.truncf %exp3A : vector<512x512xf32> to vector<512x512xbf16>
      %mul3A_279 = arith.constant 512 : i32
      %mul3A_280 = arith.muli %while3A_246, %mul3A_279 : i32
      %get3A_281 = arith.index_cast %mul3A_280 : i32 to index
      %get3A_282 = arith.constant 320 : index
      %get3A_283 = vector.load %arg3[%get3A_281, %get3A_282] : memref<2048x576xbf16, #tpu.memory_space<vmem>>, vector<512x64xbf16>
      %dot_general3A_284 = arith.constant dense<0.000000e+00> : vector<512x64xf32>
      %dot_general3A_285 = tpu.matmul %convert_element_type3A_278, %get3A_283, %dot_general3A_284 {dimension_numbers = #tpu.dot_dimension_numbers<[1], [0], [0], [1], [0, 0, 1, 1], [], []>, transpose_lhs_hint = false} : vector<512x512xbf16>, vector<512x64xbf16>, vector<512x64xf32> -> vector<512x64xf32>
      %add3A_286 = arith.addf %mul3A_277, %dot_general3A_285 : vector<512x64xf32>
      scf.yield %max3A, %add3A_275, %add3A_286 : vector<512x1xf32>, vector<512x1xf32>, vector<512x64xf32>
    }
    %div3A_156 = vector.broadcast %while3A_155#1 : vector<512x1xf32> to vector<512x64xf32>
    %div3A_157 = arith.divf %while3A_155#2, %div3A_156 : vector<512x64xf32>
    %convert_element_type3A_158 = arith.truncf %div3A_157 : vector<512x64xf32> to vector<512x64xbf16>
    %swap3A_159 = arith.constant 0 : index
    %swap3A_160 = arith.constant 320 : index
    %swap3A_161 = vector.load %arg4[%swap3A_159, %swap3A_160] : memref<512x576xbf16, #tpu.memory_space<vmem>>, vector<512x64xbf16>
    tpu.vector_store %arg4[%swap3A_159, %swap3A_160], %convert_element_type3A_158 {strides = array<i32>} : memref<512x576xbf16, #tpu.memory_space<vmem>>, vector<512x64xbf16>,
    %get3A_162 = arith.constant 0 : index
    %get3A_163 = arith.constant 384 : index
    %get3A_164 = vector.load %arg1[%get3A_162, %get3A_163] : memref<512x576xbf16, #tpu.memory_space<vmem>>, vector<512x64xbf16>
    %broadcast_in_dim3A_165 = arith.constant -1.000000e+30 : f32
    %broadcast_in_dim3A_166 = vector.broadcast %broadcast_in_dim3A_165 : f32 to vector<512x1xf32>
    %broadcast_in_dim3A_167 = arith.constant 0.000000e+00 : f32
    %broadcast_in_dim3A_168 = vector.broadcast %broadcast_in_dim3A_167 : f32 to vector<512x1xf32>
    %broadcast_in_dim3A_169 = arith.constant 0.000000e+00 : f32
    %broadcast_in_dim3A_170 = vector.broadcast %broadcast_in_dim3A_169 : f32 to vector<512x64xf32>
    %add3A_171 = arith.constant 1 : i32
    %add3A_172 = arith.addi %arg0, %add3A_171 : i32
    %while3A_173 = arith.constant 0 : i32
    %while3A_174 = arith.subi %add3A_172, %while3A_173 : i32
    %while3A_175 = arith.addi %while3A_173, %while3A_174 : i32
    %while3A_176 = arith.constant 1 : i32
    %while3A_177 = arith.divsi %while3A_174, %while3A_176 : i32
    %while3A_178 = arith.muli %while3A_177, %while3A_176 : i32
    %while3A_179 = arith.addi %while3A_173, %while3A_178 : i32
    %while3A_180 = arith.constant 1 : i32
    %while3A_181:3 = scf.for %while3A_246 = %while3A_173 to %while3A_179 step %while3A_180 iter_args(%while3A_247 = %broadcast_in_dim3A_166, %while3A_248 = %broadcast_in_dim3A_168, %while3A_249 = %broadcast_in_dim3A_170) -> (vector<512x1xf32>, vector<512x1xf32>, vector<512x64xf32>)  : i32 {
      %mul3A = arith.constant 512 : i32
      %mul3A_250 = arith.muli %while3A_246, %mul3A : i32
      %get3A_251 = arith.index_cast %mul3A_250 : i32 to index
      %get3A_252 = arith.constant 384 : index
      %get3A_253 = vector.load %arg2[%get3A_251, %get3A_252] : memref<2048x576xbf16, #tpu.memory_space<vmem>>, vector<512x64xbf16>
      %dot_general3A = arith.constant dense<0.000000e+00> : vector<512x512xf32>
      %dot_general3A_254 = tpu.matmul %get3A_164, %get3A_253, %dot_general3A {dimension_numbers = #tpu.dot_dimension_numbers<[1], [1], [0], [0], [0, 0, 1, 0], [], []>, transpose_lhs_hint = false} : vector<512x64xbf16>, vector<512x64xbf16>, vector<512x512xf32> -> vector<512x512xf32>
      %mul3A_255 = arith.constant 1.250000e-01 : f32
      %mul3A_256 = vector.broadcast %mul3A_255 : f32 to vector<512x512xf32>
      %mul3A_257 = arith.mulf %dot_general3A_254, %mul3A_256 : vector<512x512xf32>
      %mul3A_258 = arith.constant 512 : i32
      %mul3A_259 = arith.muli %arg0, %mul3A_258 : i32
      %add3A_260 = vector.broadcast %mul3A_259 : i32 to vector<512x512xi32>
      %add3A_261 = arith.addi %add3A_260, %iota3A : vector<512x512xi32>
      %mul3A_262 = arith.constant 512 : i32
      %mul3A_263 = arith.muli %while3A_246, %mul3A_262 : i32
      %add3A_264 = vector.broadcast %mul3A_263 : i32 to vector<512x512xi32>
      %add3A_265 = arith.addi %add3A_264, %iota3A_0 : vector<512x512xi32>
      %ge3A = arith.cmpi sge, %add3A_261, %add3A_265 : vector<512x512xi32>
      %jit3A = arith.constant -1.000000e+30 : f32
      %broadcast_in_dim3A_266 = vector.broadcast %jit3A : f32 to vector<512x512xf32>
      %select_n3A = arith.select %ge3A, %mul3A_257, %broadcast_in_dim3A_266 : vector<512x512xi1>, vector<512x512xf32>
      %reduce_max3A = arith.constant dense<0xFF800000> : vector<512xf32>
      %reduce_max3A_267 = vector.multi_reduction <maximumf>, %select_n3A, %reduce_max3A [1] : vector<512x512xf32> to vector<512xf32>
      %broadcast_in_dim3A_268 = vector.shape_cast %reduce_max3A_267 : vector<512xf32> to vector<512x1xf32>
      %max3A = arith.maximumf %while3A_247, %broadcast_in_dim3A_268 : vector<512x1xf32>
      %sub3A = vector.broadcast %max3A : vector<512x1xf32> to vector<512x512xf32>
      %sub3A_269 = arith.subf %select_n3A, %sub3A : vector<512x512xf32>
      %exp3A = math.exp %sub3A_269 : vector<512x512xf32>
      %sub3A_270 = arith.subf %while3A_247, %max3A : vector<512x1xf32>
      %exp3A_271 = math.exp %sub3A_270 : vector<512x1xf32>
      %mul3A_272 = arith.mulf %while3A_248, %exp3A_271 : vector<512x1xf32>
      %reduce_sum3A = arith.constant dense<0.000000e+00> : vector<512xf32>
      %reduce_sum3A_273 = vector.multi_reduction <add>, %exp3A, %reduce_sum3A [1] : vector<512x512xf32> to vector<512xf32>
      %broadcast_in_dim3A_274 = vector.shape_cast %reduce_sum3A_273 : vector<512xf32> to vector<512x1xf32>
      %add3A_275 = arith.addf %mul3A_272, %broadcast_in_dim3A_274 : vector<512x1xf32>
      %mul3A_276 = vector.broadcast %exp3A_271 : vector<512x1xf32> to vector<512x64xf32>
      %mul3A_277 = arith.mulf %while3A_249, %mul3A_276 : vector<512x64xf32>
      %convert_element_type3A_278 = arith.truncf %exp3A : vector<512x512xf32> to vector<512x512xbf16>
      %mul3A_279 = arith.constant 512 : i32
      %mul3A_280 = arith.muli %while3A_246, %mul3A_279 : i32
      %get3A_281 = arith.index_cast %mul3A_280 : i32 to index
      %get3A_282 = arith.constant 384 : index
      %get3A_283 = vector.load %arg3[%get3A_281, %get3A_282] : memref<2048x576xbf16, #tpu.memory_space<vmem>>, vector<512x64xbf16>
      %dot_general3A_284 = arith.constant dense<0.000000e+00> : vector<512x64xf32>
      %dot_general3A_285 = tpu.matmul %convert_element_type3A_278, %get3A_283, %dot_general3A_284 {dimension_numbers = #tpu.dot_dimension_numbers<[1], [0], [0], [1], [0, 0, 1, 1], [], []>, transpose_lhs_hint = false} : vector<512x512xbf16>, vector<512x64xbf16>, vector<512x64xf32> -> vector<512x64xf32>
      %add3A_286 = arith.addf %mul3A_277, %dot_general3A_285 : vector<512x64xf32>
      scf.yield %max3A, %add3A_275, %add3A_286 : vector<512x1xf32>, vector<512x1xf32>, vector<512x64xf32>
    }
    %while3A_182 = arith.constant 1 : i32
    %while3A_183:3 = scf.for %while3A_246 = %while3A_179 to %while3A_175 step %while3A_182 iter_args(%while3A_247 = %while3A_181#0, %while3A_248 = %while3A_181#1, %while3A_249 = %while3A_181#2) -> (vector<512x1xf32>, vector<512x1xf32>, vector<512x64xf32>)  : i32 {
      %mul3A = arith.constant 512 : i32
      %mul3A_250 = arith.muli %while3A_246, %mul3A : i32
      %get3A_251 = arith.index_cast %mul3A_250 : i32 to index
      %get3A_252 = arith.constant 384 : index
      %get3A_253 = vector.load %arg2[%get3A_251, %get3A_252] : memref<2048x576xbf16, #tpu.memory_space<vmem>>, vector<512x64xbf16>
      %dot_general3A = arith.constant dense<0.000000e+00> : vector<512x512xf32>
      %dot_general3A_254 = tpu.matmul %get3A_164, %get3A_253, %dot_general3A {dimension_numbers = #tpu.dot_dimension_numbers<[1], [1], [0], [0], [0, 0, 1, 0], [], []>, transpose_lhs_hint = false} : vector<512x64xbf16>, vector<512x64xbf16>, vector<512x512xf32> -> vector<512x512xf32>
      %mul3A_255 = arith.constant 1.250000e-01 : f32
      %mul3A_256 = vector.broadcast %mul3A_255 : f32 to vector<512x512xf32>
      %mul3A_257 = arith.mulf %dot_general3A_254, %mul3A_256 : vector<512x512xf32>
      %mul3A_258 = arith.constant 512 : i32
      %mul3A_259 = arith.muli %arg0, %mul3A_258 : i32
      %add3A_260 = vector.broadcast %mul3A_259 : i32 to vector<512x512xi32>
      %add3A_261 = arith.addi %add3A_260, %iota3A : vector<512x512xi32>
      %mul3A_262 = arith.constant 512 : i32
      %mul3A_263 = arith.muli %while3A_246, %mul3A_262 : i32
      %add3A_264 = vector.broadcast %mul3A_263 : i32 to vector<512x512xi32>
      %add3A_265 = arith.addi %add3A_264, %iota3A_0 : vector<512x512xi32>
      %ge3A = arith.cmpi sge, %add3A_261, %add3A_265 : vector<512x512xi32>
      %jit3A = arith.constant -1.000000e+30 : f32
      %broadcast_in_dim3A_266 = vector.broadcast %jit3A : f32 to vector<512x512xf32>
      %select_n3A = arith.select %ge3A, %mul3A_257, %broadcast_in_dim3A_266 : vector<512x512xi1>, vector<512x512xf32>
      %reduce_max3A = arith.constant dense<0xFF800000> : vector<512xf32>
      %reduce_max3A_267 = vector.multi_reduction <maximumf>, %select_n3A, %reduce_max3A [1] : vector<512x512xf32> to vector<512xf32>
      %broadcast_in_dim3A_268 = vector.shape_cast %reduce_max3A_267 : vector<512xf32> to vector<512x1xf32>
      %max3A = arith.maximumf %while3A_247, %broadcast_in_dim3A_268 : vector<512x1xf32>
      %sub3A = vector.broadcast %max3A : vector<512x1xf32> to vector<512x512xf32>
      %sub3A_269 = arith.subf %select_n3A, %sub3A : vector<512x512xf32>
      %exp3A = math.exp %sub3A_269 : vector<512x512xf32>
      %sub3A_270 = arith.subf %while3A_247, %max3A : vector<512x1xf32>
      %exp3A_271 = math.exp %sub3A_270 : vector<512x1xf32>
      %mul3A_272 = arith.mulf %while3A_248, %exp3A_271 : vector<512x1xf32>
      %reduce_sum3A = arith.constant dense<0.000000e+00> : vector<512xf32>
      %reduce_sum3A_273 = vector.multi_reduction <add>, %exp3A, %reduce_sum3A [1] : vector<512x512xf32> to vector<512xf32>
      %broadcast_in_dim3A_274 = vector.shape_cast %reduce_sum3A_273 : vector<512xf32> to vector<512x1xf32>
      %add3A_275 = arith.addf %mul3A_272, %broadcast_in_dim3A_274 : vector<512x1xf32>
      %mul3A_276 = vector.broadcast %exp3A_271 : vector<512x1xf32> to vector<512x64xf32>
      %mul3A_277 = arith.mulf %while3A_249, %mul3A_276 : vector<512x64xf32>
      %convert_element_type3A_278 = arith.truncf %exp3A : vector<512x512xf32> to vector<512x512xbf16>
      %mul3A_279 = arith.constant 512 : i32
      %mul3A_280 = arith.muli %while3A_246, %mul3A_279 : i32
      %get3A_281 = arith.index_cast %mul3A_280 : i32 to index
      %get3A_282 = arith.constant 384 : index
      %get3A_283 = vector.load %arg3[%get3A_281, %get3A_282] : memref<2048x576xbf16, #tpu.memory_space<vmem>>, vector<512x64xbf16>
      %dot_general3A_284 = arith.constant dense<0.000000e+00> : vector<512x64xf32>
      %dot_general3A_285 = tpu.matmul %convert_element_type3A_278, %get3A_283, %dot_general3A_284 {dimension_numbers = #tpu.dot_dimension_numbers<[1], [0], [0], [1], [0, 0, 1, 1], [], []>, transpose_lhs_hint = false} : vector<512x512xbf16>, vector<512x64xbf16>, vector<512x64xf32> -> vector<512x64xf32>
      %add3A_286 = arith.addf %mul3A_277, %dot_general3A_285 : vector<512x64xf32>
      scf.yield %max3A, %add3A_275, %add3A_286 : vector<512x1xf32>, vector<512x1xf32>, vector<512x64xf32>
    }
    %div3A_184 = vector.broadcast %while3A_183#1 : vector<512x1xf32> to vector<512x64xf32>
    %div3A_185 = arith.divf %while3A_183#2, %div3A_184 : vector<512x64xf32>
    %convert_element_type3A_186 = arith.truncf %div3A_185 : vector<512x64xf32> to vector<512x64xbf16>
    %swap3A_187 = arith.constant 0 : index
    %swap3A_188 = arith.constant 384 : index
    %swap3A_189 = vector.load %arg4[%swap3A_187, %swap3A_188] : memref<512x576xbf16, #tpu.memory_space<vmem>>, vector<512x64xbf16>
    tpu.vector_store %arg4[%swap3A_187, %swap3A_188], %convert_element_type3A_186 {strides = array<i32>} : memref<512x576xbf16, #tpu.memory_space<vmem>>, vector<512x64xbf16>,
    %get3A_190 = arith.constant 0 : index
    %get3A_191 = arith.constant 448 : index
    %get3A_192 = vector.load %arg1[%get3A_190, %get3A_191] : memref<512x576xbf16, #tpu.memory_space<vmem>>, vector<512x64xbf16>
    %broadcast_in_dim3A_193 = arith.constant -1.000000e+30 : f32
    %broadcast_in_dim3A_194 = vector.broadcast %broadcast_in_dim3A_193 : f32 to vector<512x1xf32>
    %broadcast_in_dim3A_195 = arith.constant 0.000000e+00 : f32
    %broadcast_in_dim3A_196 = vector.broadcast %broadcast_in_dim3A_195 : f32 to vector<512x1xf32>
    %broadcast_in_dim3A_197 = arith.constant 0.000000e+00 : f32
    %broadcast_in_dim3A_198 = vector.broadcast %broadcast_in_dim3A_197 : f32 to vector<512x64xf32>
    %add3A_199 = arith.constant 1 : i32
    %add3A_200 = arith.addi %arg0, %add3A_199 : i32
    %while3A_201 = arith.constant 0 : i32
    %while3A_202 = arith.subi %add3A_200, %while3A_201 : i32
    %while3A_203 = arith.addi %while3A_201, %while3A_202 : i32
    %while3A_204 = arith.constant 1 : i32
    %while3A_205 = arith.divsi %while3A_202, %while3A_204 : i32
    %while3A_206 = arith.muli %while3A_205, %while3A_204 : i32
    %while3A_207 = arith.addi %while3A_201, %while3A_206 : i32
    %while3A_208 = arith.constant 1 : i32
    %while3A_209:3 = scf.for %while3A_246 = %while3A_201 to %while3A_207 step %while3A_208 iter_args(%while3A_247 = %broadcast_in_dim3A_194, %while3A_248 = %broadcast_in_dim3A_196, %while3A_249 = %broadcast_in_dim3A_198) -> (vector<512x1xf32>, vector<512x1xf32>, vector<512x64xf32>)  : i32 {
      %mul3A = arith.constant 512 : i32
      %mul3A_250 = arith.muli %while3A_246, %mul3A : i32
      %get3A_251 = arith.index_cast %mul3A_250 : i32 to index
      %get3A_252 = arith.constant 448 : index
      %get3A_253 = vector.load %arg2[%get3A_251, %get3A_252] : memref<2048x576xbf16, #tpu.memory_space<vmem>>, vector<512x64xbf16>
      %dot_general3A = arith.constant dense<0.000000e+00> : vector<512x512xf32>
      %dot_general3A_254 = tpu.matmul %get3A_192, %get3A_253, %dot_general3A {dimension_numbers = #tpu.dot_dimension_numbers<[1], [1], [0], [0], [0, 0, 1, 0], [], []>, transpose_lhs_hint = false} : vector<512x64xbf16>, vector<512x64xbf16>, vector<512x512xf32> -> vector<512x512xf32>
      %mul3A_255 = arith.constant 1.250000e-01 : f32
      %mul3A_256 = vector.broadcast %mul3A_255 : f32 to vector<512x512xf32>
      %mul3A_257 = arith.mulf %dot_general3A_254, %mul3A_256 : vector<512x512xf32>
      %mul3A_258 = arith.constant 512 : i32
      %mul3A_259 = arith.muli %arg0, %mul3A_258 : i32
      %add3A_260 = vector.broadcast %mul3A_259 : i32 to vector<512x512xi32>
      %add3A_261 = arith.addi %add3A_260, %iota3A : vector<512x512xi32>
      %mul3A_262 = arith.constant 512 : i32
      %mul3A_263 = arith.muli %while3A_246, %mul3A_262 : i32
      %add3A_264 = vector.broadcast %mul3A_263 : i32 to vector<512x512xi32>
      %add3A_265 = arith.addi %add3A_264, %iota3A_0 : vector<512x512xi32>
      %ge3A = arith.cmpi sge, %add3A_261, %add3A_265 : vector<512x512xi32>
      %jit3A = arith.constant -1.000000e+30 : f32
      %broadcast_in_dim3A_266 = vector.broadcast %jit3A : f32 to vector<512x512xf32>
      %select_n3A = arith.select %ge3A, %mul3A_257, %broadcast_in_dim3A_266 : vector<512x512xi1>, vector<512x512xf32>
      %reduce_max3A = arith.constant dense<0xFF800000> : vector<512xf32>
      %reduce_max3A_267 = vector.multi_reduction <maximumf>, %select_n3A, %reduce_max3A [1] : vector<512x512xf32> to vector<512xf32>
      %broadcast_in_dim3A_268 = vector.shape_cast %reduce_max3A_267 : vector<512xf32> to vector<512x1xf32>
      %max3A = arith.maximumf %while3A_247, %broadcast_in_dim3A_268 : vector<512x1xf32>
      %sub3A = vector.broadcast %max3A : vector<512x1xf32> to vector<512x512xf32>
      %sub3A_269 = arith.subf %select_n3A, %sub3A : vector<512x512xf32>
      %exp3A = math.exp %sub3A_269 : vector<512x512xf32>
      %sub3A_270 = arith.subf %while3A_247, %max3A : vector<512x1xf32>
      %exp3A_271 = math.exp %sub3A_270 : vector<512x1xf32>
      %mul3A_272 = arith.mulf %while3A_248, %exp3A_271 : vector<512x1xf32>
      %reduce_sum3A = arith.constant dense<0.000000e+00> : vector<512xf32>
      %reduce_sum3A_273 = vector.multi_reduction <add>, %exp3A, %reduce_sum3A [1] : vector<512x512xf32> to vector<512xf32>
      %broadcast_in_dim3A_274 = vector.shape_cast %reduce_sum3A_273 : vector<512xf32> to vector<512x1xf32>
      %add3A_275 = arith.addf %mul3A_272, %broadcast_in_dim3A_274 : vector<512x1xf32>
      %mul3A_276 = vector.broadcast %exp3A_271 : vector<512x1xf32> to vector<512x64xf32>
      %mul3A_277 = arith.mulf %while3A_249, %mul3A_276 : vector<512x64xf32>
      %convert_element_type3A_278 = arith.truncf %exp3A : vector<512x512xf32> to vector<512x512xbf16>
      %mul3A_279 = arith.constant 512 : i32
      %mul3A_280 = arith.muli %while3A_246, %mul3A_279 : i32
      %get3A_281 = arith.index_cast %mul3A_280 : i32 to index
      %get3A_282 = arith.constant 448 : index
      %get3A_283 = vector.load %arg3[%get3A_281, %get3A_282] : memref<2048x576xbf16, #tpu.memory_space<vmem>>, vector<512x64xbf16>
      %dot_general3A_284 = arith.constant dense<0.000000e+00> : vector<512x64xf32>
      %dot_general3A_285 = tpu.matmul %convert_element_type3A_278, %get3A_283, %dot_general3A_284 {dimension_numbers = #tpu.dot_dimension_numbers<[1], [0], [0], [1], [0, 0, 1, 1], [], []>, transpose_lhs_hint = false} : vector<512x512xbf16>, vector<512x64xbf16>, vector<512x64xf32> -> vector<512x64xf32>
      %add3A_286 = arith.addf %mul3A_277, %dot_general3A_285 : vector<512x64xf32>
      scf.yield %max3A, %add3A_275, %add3A_286 : vector<512x1xf32>, vector<512x1xf32>, vector<512x64xf32>
    }
    %while3A_210 = arith.constant 1 : i32
    %while3A_211:3 = scf.for %while3A_246 = %while3A_207 to %while3A_203 step %while3A_210 iter_args(%while3A_247 = %while3A_209#0, %while3A_248 = %while3A_209#1, %while3A_249 = %while3A_209#2) -> (vector<512x1xf32>, vector<512x1xf32>, vector<512x64xf32>)  : i32 {
      %mul3A = arith.constant 512 : i32
      %mul3A_250 = arith.muli %while3A_246, %mul3A : i32
      %get3A_251 = arith.index_cast %mul3A_250 : i32 to index
      %get3A_252 = arith.constant 448 : index
      %get3A_253 = vector.load %arg2[%get3A_251, %get3A_252] : memref<2048x576xbf16, #tpu.memory_space<vmem>>, vector<512x64xbf16>
      %dot_general3A = arith.constant dense<0.000000e+00> : vector<512x512xf32>
      %dot_general3A_254 = tpu.matmul %get3A_192, %get3A_253, %dot_general3A {dimension_numbers = #tpu.dot_dimension_numbers<[1], [1], [0], [0], [0, 0, 1, 0], [], []>, transpose_lhs_hint = false} : vector<512x64xbf16>, vector<512x64xbf16>, vector<512x512xf32> -> vector<512x512xf32>
      %mul3A_255 = arith.constant 1.250000e-01 : f32
      %mul3A_256 = vector.broadcast %mul3A_255 : f32 to vector<512x512xf32>
      %mul3A_257 = arith.mulf %dot_general3A_254, %mul3A_256 : vector<512x512xf32>
      %mul3A_258 = arith.constant 512 : i32
      %mul3A_259 = arith.muli %arg0, %mul3A_258 : i32
      %add3A_260 = vector.broadcast %mul3A_259 : i32 to vector<512x512xi32>
      %add3A_261 = arith.addi %add3A_260, %iota3A : vector<512x512xi32>
      %mul3A_262 = arith.constant 512 : i32
      %mul3A_263 = arith.muli %while3A_246, %mul3A_262 : i32
      %add3A_264 = vector.broadcast %mul3A_263 : i32 to vector<512x512xi32>
      %add3A_265 = arith.addi %add3A_264, %iota3A_0 : vector<512x512xi32>
      %ge3A = arith.cmpi sge, %add3A_261, %add3A_265 : vector<512x512xi32>
      %jit3A = arith.constant -1.000000e+30 : f32
      %broadcast_in_dim3A_266 = vector.broadcast %jit3A : f32 to vector<512x512xf32>
      %select_n3A = arith.select %ge3A, %mul3A_257, %broadcast_in_dim3A_266 : vector<512x512xi1>, vector<512x512xf32>
      %reduce_max3A = arith.constant dense<0xFF800000> : vector<512xf32>
      %reduce_max3A_267 = vector.multi_reduction <maximumf>, %select_n3A, %reduce_max3A [1] : vector<512x512xf32> to vector<512xf32>
      %broadcast_in_dim3A_268 = vector.shape_cast %reduce_max3A_267 : vector<512xf32> to vector<512x1xf32>
      %max3A = arith.maximumf %while3A_247, %broadcast_in_dim3A_268 : vector<512x1xf32>
      %sub3A = vector.broadcast %max3A : vector<512x1xf32> to vector<512x512xf32>
      %sub3A_269 = arith.subf %select_n3A, %sub3A : vector<512x512xf32>
      %exp3A = math.exp %sub3A_269 : vector<512x512xf32>
      %sub3A_270 = arith.subf %while3A_247, %max3A : vector<512x1xf32>
      %exp3A_271 = math.exp %sub3A_270 : vector<512x1xf32>
      %mul3A_272 = arith.mulf %while3A_248, %exp3A_271 : vector<512x1xf32>
      %reduce_sum3A = arith.constant dense<0.000000e+00> : vector<512xf32>
      %reduce_sum3A_273 = vector.multi_reduction <add>, %exp3A, %reduce_sum3A [1] : vector<512x512xf32> to vector<512xf32>
      %broadcast_in_dim3A_274 = vector.shape_cast %reduce_sum3A_273 : vector<512xf32> to vector<512x1xf32>
      %add3A_275 = arith.addf %mul3A_272, %broadcast_in_dim3A_274 : vector<512x1xf32>
      %mul3A_276 = vector.broadcast %exp3A_271 : vector<512x1xf32> to vector<512x64xf32>
      %mul3A_277 = arith.mulf %while3A_249, %mul3A_276 : vector<512x64xf32>
      %convert_element_type3A_278 = arith.truncf %exp3A : vector<512x512xf32> to vector<512x512xbf16>
      %mul3A_279 = arith.constant 512 : i32
      %mul3A_280 = arith.muli %while3A_246, %mul3A_279 : i32
      %get3A_281 = arith.index_cast %mul3A_280 : i32 to index
      %get3A_282 = arith.constant 448 : index
      %get3A_283 = vector.load %arg3[%get3A_281, %get3A_282] : memref<2048x576xbf16, #tpu.memory_space<vmem>>, vector<512x64xbf16>
      %dot_general3A_284 = arith.constant dense<0.000000e+00> : vector<512x64xf32>
      %dot_general3A_285 = tpu.matmul %convert_element_type3A_278, %get3A_283, %dot_general3A_284 {dimension_numbers = #tpu.dot_dimension_numbers<[1], [0], [0], [1], [0, 0, 1, 1], [], []>, transpose_lhs_hint = false} : vector<512x512xbf16>, vector<512x64xbf16>, vector<512x64xf32> -> vector<512x64xf32>
      %add3A_286 = arith.addf %mul3A_277, %dot_general3A_285 : vector<512x64xf32>
      scf.yield %max3A, %add3A_275, %add3A_286 : vector<512x1xf32>, vector<512x1xf32>, vector<512x64xf32>
    }
    %div3A_212 = vector.broadcast %while3A_211#1 : vector<512x1xf32> to vector<512x64xf32>
    %div3A_213 = arith.divf %while3A_211#2, %div3A_212 : vector<512x64xf32>
    %convert_element_type3A_214 = arith.truncf %div3A_213 : vector<512x64xf32> to vector<512x64xbf16>
    %swap3A_215 = arith.constant 0 : index
    %swap3A_216 = arith.constant 448 : index
    %swap3A_217 = vector.load %arg4[%swap3A_215, %swap3A_216] : memref<512x576xbf16, #tpu.memory_space<vmem>>, vector<512x64xbf16>
    tpu.vector_store %arg4[%swap3A_215, %swap3A_216], %convert_element_type3A_214 {strides = array<i32>} : memref<512x576xbf16, #tpu.memory_space<vmem>>, vector<512x64xbf16>,
    %get3A_218 = arith.constant 0 : index
    %get3A_219 = arith.constant 512 : index
    %get3A_220 = vector.load %arg1[%get3A_218, %get3A_219] : memref<512x576xbf16, #tpu.memory_space<vmem>>, vector<512x64xbf16>
    %broadcast_in_dim3A_221 = arith.constant -1.000000e+30 : f32
    %broadcast_in_dim3A_222 = vector.broadcast %broadcast_in_dim3A_221 : f32 to vector<512x1xf32>
    %broadcast_in_dim3A_223 = arith.constant 0.000000e+00 : f32
    %broadcast_in_dim3A_224 = vector.broadcast %broadcast_in_dim3A_223 : f32 to vector<512x1xf32>
    %broadcast_in_dim3A_225 = arith.constant 0.000000e+00 : f32
    %broadcast_in_dim3A_226 = vector.broadcast %broadcast_in_dim3A_225 : f32 to vector<512x64xf32>
    %add3A_227 = arith.constant 1 : i32
    %add3A_228 = arith.addi %arg0, %add3A_227 : i32
    %while3A_229 = arith.constant 0 : i32
    %while3A_230 = arith.subi %add3A_228, %while3A_229 : i32
    %while3A_231 = arith.addi %while3A_229, %while3A_230 : i32
    %while3A_232 = arith.constant 1 : i32
    %while3A_233 = arith.divsi %while3A_230, %while3A_232 : i32
    %while3A_234 = arith.muli %while3A_233, %while3A_232 : i32
    %while3A_235 = arith.addi %while3A_229, %while3A_234 : i32
    %while3A_236 = arith.constant 1 : i32
    %while3A_237:3 = scf.for %while3A_246 = %while3A_229 to %while3A_235 step %while3A_236 iter_args(%while3A_247 = %broadcast_in_dim3A_222, %while3A_248 = %broadcast_in_dim3A_224, %while3A_249 = %broadcast_in_dim3A_226) -> (vector<512x1xf32>, vector<512x1xf32>, vector<512x64xf32>)  : i32 {
      %mul3A = arith.constant 512 : i32
      %mul3A_250 = arith.muli %while3A_246, %mul3A : i32
      %get3A_251 = arith.index_cast %mul3A_250 : i32 to index
      %get3A_252 = arith.constant 512 : index
      %get3A_253 = vector.load %arg2[%get3A_251, %get3A_252] : memref<2048x576xbf16, #tpu.memory_space<vmem>>, vector<512x64xbf16>
      %dot_general3A = arith.constant dense<0.000000e+00> : vector<512x512xf32>
      %dot_general3A_254 = tpu.matmul %get3A_220, %get3A_253, %dot_general3A {dimension_numbers = #tpu.dot_dimension_numbers<[1], [1], [0], [0], [0, 0, 1, 0], [], []>, transpose_lhs_hint = false} : vector<512x64xbf16>, vector<512x64xbf16>, vector<512x512xf32> -> vector<512x512xf32>
      %mul3A_255 = arith.constant 1.250000e-01 : f32
      %mul3A_256 = vector.broadcast %mul3A_255 : f32 to vector<512x512xf32>
      %mul3A_257 = arith.mulf %dot_general3A_254, %mul3A_256 : vector<512x512xf32>
      %mul3A_258 = arith.constant 512 : i32
      %mul3A_259 = arith.muli %arg0, %mul3A_258 : i32
      %add3A_260 = vector.broadcast %mul3A_259 : i32 to vector<512x512xi32>
      %add3A_261 = arith.addi %add3A_260, %iota3A : vector<512x512xi32>
      %mul3A_262 = arith.constant 512 : i32
      %mul3A_263 = arith.muli %while3A_246, %mul3A_262 : i32
      %add3A_264 = vector.broadcast %mul3A_263 : i32 to vector<512x512xi32>
      %add3A_265 = arith.addi %add3A_264, %iota3A_0 : vector<512x512xi32>
      %ge3A = arith.cmpi sge, %add3A_261, %add3A_265 : vector<512x512xi32>
      %jit3A = arith.constant -1.000000e+30 : f32
      %broadcast_in_dim3A_266 = vector.broadcast %jit3A : f32 to vector<512x512xf32>
      %select_n3A = arith.select %ge3A, %mul3A_257, %broadcast_in_dim3A_266 : vector<512x512xi1>, vector<512x512xf32>
      %reduce_max3A = arith.constant dense<0xFF800000> : vector<512xf32>
      %reduce_max3A_267 = vector.multi_reduction <maximumf>, %select_n3A, %reduce_max3A [1] : vector<512x512xf32> to vector<512xf32>
      %broadcast_in_dim3A_268 = vector.shape_cast %reduce_max3A_267 : vector<512xf32> to vector<512x1xf32>
      %max3A = arith.maximumf %while3A_247, %broadcast_in_dim3A_268 : vector<512x1xf32>
      %sub3A = vector.broadcast %max3A : vector<512x1xf32> to vector<512x512xf32>
      %sub3A_269 = arith.subf %select_n3A, %sub3A : vector<512x512xf32>
      %exp3A = math.exp %sub3A_269 : vector<512x512xf32>
      %sub3A_270 = arith.subf %while3A_247, %max3A : vector<512x1xf32>
      %exp3A_271 = math.exp %sub3A_270 : vector<512x1xf32>
      %mul3A_272 = arith.mulf %while3A_248, %exp3A_271 : vector<512x1xf32>
      %reduce_sum3A = arith.constant dense<0.000000e+00> : vector<512xf32>
      %reduce_sum3A_273 = vector.multi_reduction <add>, %exp3A, %reduce_sum3A [1] : vector<512x512xf32> to vector<512xf32>
      %broadcast_in_dim3A_274 = vector.shape_cast %reduce_sum3A_273 : vector<512xf32> to vector<512x1xf32>
      %add3A_275 = arith.addf %mul3A_272, %broadcast_in_dim3A_274 : vector<512x1xf32>
      %mul3A_276 = vector.broadcast %exp3A_271 : vector<512x1xf32> to vector<512x64xf32>
      %mul3A_277 = arith.mulf %while3A_249, %mul3A_276 : vector<512x64xf32>
      %convert_element_type3A_278 = arith.truncf %exp3A : vector<512x512xf32> to vector<512x512xbf16>
      %mul3A_279 = arith.constant 512 : i32
      %mul3A_280 = arith.muli %while3A_246, %mul3A_279 : i32
      %get3A_281 = arith.index_cast %mul3A_280 : i32 to index
      %get3A_282 = arith.constant 512 : index
      %get3A_283 = vector.load %arg3[%get3A_281, %get3A_282] : memref<2048x576xbf16, #tpu.memory_space<vmem>>, vector<512x64xbf16>
      %dot_general3A_284 = arith.constant dense<0.000000e+00> : vector<512x64xf32>
      %dot_general3A_285 = tpu.matmul %convert_element_type3A_278, %get3A_283, %dot_general3A_284 {dimension_numbers = #tpu.dot_dimension_numbers<[1], [0], [0], [1], [0, 0, 1, 1], [], []>, transpose_lhs_hint = false} : vector<512x512xbf16>, vector<512x64xbf16>, vector<512x64xf32> -> vector<512x64xf32>
      %add3A_286 = arith.addf %mul3A_277, %dot_general3A_285 : vector<512x64xf32>
      scf.yield %max3A, %add3A_275, %add3A_286 : vector<512x1xf32>, vector<512x1xf32>, vector<512x64xf32>
    }
    %while3A_238 = arith.constant 1 : i32
    %while3A_239:3 = scf.for %while3A_246 = %while3A_235 to %while3A_231 step %while3A_238 iter_args(%while3A_247 = %while3A_237#0, %while3A_248 = %while3A_237#1, %while3A_249 = %while3A_237#2) -> (vector<512x1xf32>, vector<512x1xf32>, vector<512x64xf32>)  : i32 {
      %mul3A = arith.constant 512 : i32
      %mul3A_250 = arith.muli %while3A_246, %mul3A : i32
      %get3A_251 = arith.index_cast %mul3A_250 : i32 to index
      %get3A_252 = arith.constant 512 : index
      %get3A_253 = vector.load %arg2[%get3A_251, %get3A_252] : memref<2048x576xbf16, #tpu.memory_space<vmem>>, vector<512x64xbf16>
      %dot_general3A = arith.constant dense<0.000000e+00> : vector<512x512xf32>
      %dot_general3A_254 = tpu.matmul %get3A_220, %get3A_253, %dot_general3A {dimension_numbers = #tpu.dot_dimension_numbers<[1], [1], [0], [0], [0, 0, 1, 0], [], []>, transpose_lhs_hint = false} : vector<512x64xbf16>, vector<512x64xbf16>, vector<512x512xf32> -> vector<512x512xf32>
      %mul3A_255 = arith.constant 1.250000e-01 : f32
      %mul3A_256 = vector.broadcast %mul3A_255 : f32 to vector<512x512xf32>
      %mul3A_257 = arith.mulf %dot_general3A_254, %mul3A_256 : vector<512x512xf32>
      %mul3A_258 = arith.constant 512 : i32
      %mul3A_259 = arith.muli %arg0, %mul3A_258 : i32
      %add3A_260 = vector.broadcast %mul3A_259 : i32 to vector<512x512xi32>
      %add3A_261 = arith.addi %add3A_260, %iota3A : vector<512x512xi32>
      %mul3A_262 = arith.constant 512 : i32
      %mul3A_263 = arith.muli %while3A_246, %mul3A_262 : i32
      %add3A_264 = vector.broadcast %mul3A_263 : i32 to vector<512x512xi32>
      %add3A_265 = arith.addi %add3A_264, %iota3A_0 : vector<512x512xi32>
      %ge3A = arith.cmpi sge, %add3A_261, %add3A_265 : vector<512x512xi32>
      %jit3A = arith.constant -1.000000e+30 : f32
      %broadcast_in_dim3A_266 = vector.broadcast %jit3A : f32 to vector<512x512xf32>
      %select_n3A = arith.select %ge3A, %mul3A_257, %broadcast_in_dim3A_266 : vector<512x512xi1>, vector<512x512xf32>
      %reduce_max3A = arith.constant dense<0xFF800000> : vector<512xf32>
      %reduce_max3A_267 = vector.multi_reduction <maximumf>, %select_n3A, %reduce_max3A [1] : vector<512x512xf32> to vector<512xf32>
      %broadcast_in_dim3A_268 = vector.shape_cast %reduce_max3A_267 : vector<512xf32> to vector<512x1xf32>
      %max3A = arith.maximumf %while3A_247, %broadcast_in_dim3A_268 : vector<512x1xf32>
      %sub3A = vector.broadcast %max3A : vector<512x1xf32> to vector<512x512xf32>
      %sub3A_269 = arith.subf %select_n3A, %sub3A : vector<512x512xf32>
      %exp3A = math.exp %sub3A_269 : vector<512x512xf32>
      %sub3A_270 = arith.subf %while3A_247, %max3A : vector<512x1xf32>
      %exp3A_271 = math.exp %sub3A_270 : vector<512x1xf32>
      %mul3A_272 = arith.mulf %while3A_248, %exp3A_271 : vector<512x1xf32>
      %reduce_sum3A = arith.constant dense<0.000000e+00> : vector<512xf32>
      %reduce_sum3A_273 = vector.multi_reduction <add>, %exp3A, %reduce_sum3A [1] : vector<512x512xf32> to vector<512xf32>
      %broadcast_in_dim3A_274 = vector.shape_cast %reduce_sum3A_273 : vector<512xf32> to vector<512x1xf32>
      %add3A_275 = arith.addf %mul3A_272, %broadcast_in_dim3A_274 : vector<512x1xf32>
      %mul3A_276 = vector.broadcast %exp3A_271 : vector<512x1xf32> to vector<512x64xf32>
      %mul3A_277 = arith.mulf %while3A_249, %mul3A_276 : vector<512x64xf32>
      %convert_element_type3A_278 = arith.truncf %exp3A : vector<512x512xf32> to vector<512x512xbf16>
      %mul3A_279 = arith.constant 512 : i32
      %mul3A_280 = arith.muli %while3A_246, %mul3A_279 : i32
      %get3A_281 = arith.index_cast %mul3A_280 : i32 to index
      %get3A_282 = arith.constant 512 : index
      %get3A_283 = vector.load %arg3[%get3A_281, %get3A_282] : memref<2048x576xbf16, #tpu.memory_space<vmem>>, vector<512x64xbf16>
      %dot_general3A_284 = arith.constant dense<0.000000e+00> : vector<512x64xf32>
      %dot_general3A_285 = tpu.matmul %convert_element_type3A_278, %get3A_283, %dot_general3A_284 {dimension_numbers = #tpu.dot_dimension_numbers<[1], [0], [0], [1], [0, 0, 1, 1], [], []>, transpose_lhs_hint = false} : vector<512x512xbf16>, vector<512x64xbf16>, vector<512x64xf32> -> vector<512x64xf32>
      %add3A_286 = arith.addf %mul3A_277, %dot_general3A_285 : vector<512x64xf32>
      scf.yield %max3A, %add3A_275, %add3A_286 : vector<512x1xf32>, vector<512x1xf32>, vector<512x64xf32>
    }
    %div3A_240 = vector.broadcast %while3A_239#1 : vector<512x1xf32> to vector<512x64xf32>
    %div3A_241 = arith.divf %while3A_239#2, %div3A_240 : vector<512x64xf32>
    %convert_element_type3A_242 = arith.truncf %div3A_241 : vector<512x64xf32> to vector<512x64xbf16>
    %swap3A_243 = arith.constant 0 : index
    %swap3A_244 = arith.constant 512 : index
    %swap3A_245 = vector.load %arg4[%swap3A_243, %swap3A_244] : memref<512x576xbf16, #tpu.memory_space<vmem>>, vector<512x64xbf16>
    tpu.vector_store %arg4[%swap3A_243, %swap3A_244], %convert_element_type3A_242 {strides = array<i32>} : memref<512x576xbf16, #tpu.memory_space<vmem>>, vector<512x64xbf16>,
    return
  }
  func.func @transform_0(%arg0: i32) -> (i32, i32) {
    %c0_i32 = arith.constant 0 : i32
    %c0_i32_0 = arith.constant 0 : i32
    return %arg0, %c0_i32 : i32, i32
  }
  func.func @transform_1(%arg0: i32) -> (i32, i32) {
    %c0_i32 = arith.constant 0 : i32
    %c0_i32_0 = arith.constant 0 : i32
    %c0_i32_1 = arith.constant 0 : i32
    return %c0_i32, %c0_i32_0 : i32, i32
  }
  func.func @transform_2(%arg0: i32) -> (i32, i32) {
    %c0_i32 = arith.constant 0 : i32
    %c0_i32_0 = arith.constant 0 : i32
    %c0_i32_1 = arith.constant 0 : i32
    return %c0_i32, %c0_i32_0 : i32, i32
  }
  func.func @transform_3(%arg0: i32) -> (i32, i32) {
    %c0_i32 = arith.constant 0 : i32
    %c0_i32_0 = arith.constant 0 : i32
    return %arg0, %c0_i32 : i32, i32
  }
}

module attributes {stable_mosaic.version = 14 : i64} {
  func.func @_post_body(%arg0: i32, %arg1: memref<512x576xf32, #tpu.memory_space<vmem>>, %arg2: memref<512x576xbf16, #tpu.memory_space<vmem>>, %arg3: memref<576x576xf32, #tpu.memory_space<vmem>>, %arg4: memref<1x576xf32, #tpu.memory_space<vmem>>, %arg5: memref<576x1536xf32, #tpu.memory_space<vmem>>, %arg6: memref<576x1536xf32, #tpu.memory_space<vmem>>, %arg7: memref<1536x576xf32, #tpu.memory_space<vmem>>, %arg8: memref<576x8xf32, #tpu.memory_space<vmem>>, %arg9: memref<1x8xf32, #tpu.memory_space<vmem>>, %arg10: memref<512x576xf32, #tpu.memory_space<vmem>>, %arg11: memref<512x640xf32, #tpu.memory_space<vmem>>, %arg12: memref<512x8xf32, #tpu.memory_space<vmem>>, %arg13: memref<512x8xf32, #tpu.memory_space<vmem>>) attributes {dimension_semantics = [#tpu.dimension_semantics<arbitrary>], iteration_bounds = array<i64: 4>, scalar_prefetch = 0 : i64, scratch_operands = 0 : i64, tpu.core_type = #tpu.core_type<tc>, window_params = [{transform_indices = @transform_0, window_bounds = array<i64: 512, 576>}, {transform_indices = @transform_1, window_bounds = array<i64: 512, 576>}, {pipeline_mode = #tpu.pipeline_mode<synchronous>, transform_indices = @transform_2, window_bounds = array<i64: 576, 576>}, {pipeline_mode = #tpu.pipeline_mode<synchronous>, transform_indices = @transform_3, window_bounds = array<i64: 1, 576>}, {pipeline_mode = #tpu.pipeline_mode<synchronous>, transform_indices = @transform_4, window_bounds = array<i64: 576, 1536>}, {pipeline_mode = #tpu.pipeline_mode<synchronous>, transform_indices = @transform_5, window_bounds = array<i64: 576, 1536>}, {pipeline_mode = #tpu.pipeline_mode<synchronous>, transform_indices = @transform_6, window_bounds = array<i64: 1536, 576>}, {pipeline_mode = #tpu.pipeline_mode<synchronous>, transform_indices = @transform_7, window_bounds = array<i64: 576, 8>}, {pipeline_mode = #tpu.pipeline_mode<synchronous>, transform_indices = @transform_8, window_bounds = array<i64: 1, 8>}, {transform_indices = @transform_9, window_bounds = array<i64: 512, 576>}, {transform_indices = @transform_10, window_bounds = array<i64: 512, 640>}, {transform_indices = @transform_11, window_bounds = array<i64: 512, 8>}, {transform_indices = @transform_12, window_bounds = array<i64: 512, 8>}]} {
    %get3A = arith.constant 0 : index
    %get3A_0 = arith.constant 0 : index
    %get3A_1 = vector.load %arg1[%get3A, %get3A_0] : memref<512x576xf32, #tpu.memory_space<vmem>>, vector<512x576xf32>
    %get3A_2 = arith.constant 0 : index
    %get3A_3 = arith.constant 0 : index
    %get3A_4 = vector.load %arg2[%get3A_2, %get3A_3] : memref<512x576xbf16, #tpu.memory_space<vmem>>, vector<512x576xbf16>
    %get3A_5 = arith.constant 0 : index
    %get3A_6 = arith.constant 0 : index
    %get3A_7 = vector.load %arg3[%get3A_5, %get3A_6] : memref<576x576xf32, #tpu.memory_space<vmem>>, vector<576x576xf32>
    %convert_element_type3A = arith.truncf %get3A_7 : vector<576x576xf32> to vector<576x576xbf16>
    %dot_general3A = arith.constant dense<0.000000e+00> : vector<512x576xf32>
    %dot_general3A_8 = tpu.matmul %get3A_4, %convert_element_type3A, %dot_general3A {dimension_numbers = #tpu.dot_dimension_numbers<[1], [0], [0], [1], [0, 0, 1, 1], [], []>, transpose_lhs_hint = false} : vector<512x576xbf16>, vector<576x576xbf16>, vector<512x576xf32> -> vector<512x576xf32>
    %add3A = arith.addf %get3A_1, %dot_general3A_8 : vector<512x576xf32>
    %mul3A = arith.mulf %add3A, %add3A : vector<512x576xf32>
    %reduce_sum3A = arith.constant dense<0.000000e+00> : vector<512xf32>
    %reduce_sum3A_9 = vector.multi_reduction <add>, %mul3A, %reduce_sum3A [1] : vector<512x576xf32> to vector<512xf32>
    %broadcast_in_dim3A = vector.shape_cast %reduce_sum3A_9 : vector<512xf32> to vector<512x1xf32>
    %div3A = arith.constant 5.760000e+02 : f32
    %div3A_10 = vector.broadcast %div3A : f32 to vector<512x1xf32>
    %div3A_11 = arith.divf %broadcast_in_dim3A, %div3A_10 : vector<512x1xf32>
    %add3A_12 = arith.constant 9.99999974E-6 : f32
    %add3A_13 = vector.broadcast %add3A_12 : f32 to vector<512x1xf32>
    %add3A_14 = arith.addf %div3A_11, %add3A_13 : vector<512x1xf32>
    %rsqrt3A = math.rsqrt %add3A_14 : vector<512x1xf32>
    %mul3A_15 = vector.broadcast %rsqrt3A : vector<512x1xf32> to vector<512x576xf32>
    %mul3A_16 = arith.mulf %add3A, %mul3A_15 : vector<512x576xf32>
    %get3A_17 = arith.constant 0 : index
    %get3A_18 = arith.constant 0 : index
    %get3A_19 = vector.load %arg4[%get3A_17, %get3A_18] : memref<1x576xf32, #tpu.memory_space<vmem>>, vector<1x576xf32>
    %mul3A_20 = vector.broadcast %get3A_19 : vector<1x576xf32> to vector<512x576xf32>
    %mul3A_21 = arith.mulf %mul3A_16, %mul3A_20 : vector<512x576xf32>
    %convert_element_type3A_22 = arith.truncf %mul3A_21 : vector<512x576xf32> to vector<512x576xbf16>
    %get3A_23 = arith.constant 0 : index
    %get3A_24 = arith.constant 0 : index
    %get3A_25 = vector.load %arg5[%get3A_23, %get3A_24] : memref<576x1536xf32, #tpu.memory_space<vmem>>, vector<576x1536xf32>
    %convert_element_type3A_26 = arith.truncf %get3A_25 : vector<576x1536xf32> to vector<576x1536xbf16>
    %dot_general3A_27 = arith.constant dense<0.000000e+00> : vector<512x1536xf32>
    %dot_general3A_28 = tpu.matmul %convert_element_type3A_22, %convert_element_type3A_26, %dot_general3A_27 {dimension_numbers = #tpu.dot_dimension_numbers<[1], [0], [0], [1], [0, 0, 1, 1], [], []>, transpose_lhs_hint = false} : vector<512x576xbf16>, vector<576x1536xbf16>, vector<512x1536xf32> -> vector<512x1536xf32>
    %get3A_29 = arith.constant 0 : index
    %get3A_30 = arith.constant 0 : index
    %get3A_31 = vector.load %arg6[%get3A_29, %get3A_30] : memref<576x1536xf32, #tpu.memory_space<vmem>>, vector<576x1536xf32>
    %convert_element_type3A_32 = arith.truncf %get3A_31 : vector<576x1536xf32> to vector<576x1536xbf16>
    %dot_general3A_33 = arith.constant dense<0.000000e+00> : vector<512x1536xf32>
    %dot_general3A_34 = tpu.matmul %convert_element_type3A_22, %convert_element_type3A_32, %dot_general3A_33 {dimension_numbers = #tpu.dot_dimension_numbers<[1], [0], [0], [1], [0, 0, 1, 1], [], []>, transpose_lhs_hint = false} : vector<512x576xbf16>, vector<576x1536xbf16>, vector<512x1536xf32> -> vector<512x1536xf32>
    %logistic3A = arith.negf %dot_general3A_28 : vector<512x1536xf32>
    %logistic3A_35 = math.exp %logistic3A : vector<512x1536xf32>
    %logistic3A_36 = arith.constant 1.000000e+00 : f32
    %logistic3A_37 = vector.broadcast %logistic3A_36 : f32 to vector<512x1536xf32>
    %logistic3A_38 = arith.addf %logistic3A_37, %logistic3A_35 : vector<512x1536xf32>
    %logistic3A_39 = arith.divf %logistic3A_37, %logistic3A_38 : vector<512x1536xf32>
    %mul3A_40 = arith.mulf %dot_general3A_28, %logistic3A_39 : vector<512x1536xf32>
    %mul3A_41 = arith.mulf %mul3A_40, %dot_general3A_34 : vector<512x1536xf32>
    %convert_element_type3A_42 = arith.truncf %mul3A_41 : vector<512x1536xf32> to vector<512x1536xbf16>
    %get3A_43 = arith.constant 0 : index
    %get3A_44 = arith.constant 0 : index
    %get3A_45 = vector.load %arg7[%get3A_43, %get3A_44] : memref<1536x576xf32, #tpu.memory_space<vmem>>, vector<1536x576xf32>
    %convert_element_type3A_46 = arith.truncf %get3A_45 : vector<1536x576xf32> to vector<1536x576xbf16>
    %dot_general3A_47 = arith.constant dense<0.000000e+00> : vector<512x576xf32>
    %dot_general3A_48 = tpu.matmul %convert_element_type3A_42, %convert_element_type3A_46, %dot_general3A_47 {dimension_numbers = #tpu.dot_dimension_numbers<[1], [0], [0], [1], [0, 0, 1, 1], [], []>, transpose_lhs_hint = false} : vector<512x1536xbf16>, vector<1536x576xbf16>, vector<512x576xf32> -> vector<512x576xf32>
    %add3A_49 = arith.addf %add3A, %dot_general3A_48 : vector<512x576xf32>
    %swap3A = arith.constant 0 : index
    %swap3A_50 = arith.constant 0 : index
    %swap3A_51 = vector.load %arg10[%swap3A, %swap3A_50] : memref<512x576xf32, #tpu.memory_space<vmem>>, vector<512x576xf32>
    tpu.vector_store %arg10[%swap3A, %swap3A_50], %add3A_49 {strides = array<i32>} : memref<512x576xf32, #tpu.memory_space<vmem>>, vector<512x576xf32>,
    %broadcast_in_dim3A_52 = arith.constant 0.000000e+00 : f32
    %broadcast_in_dim3A_53 = vector.broadcast %broadcast_in_dim3A_52 : f32 to vector<512x64xf32>
    %concatenate3A = tpu.concatenate %mul3A_21, %broadcast_in_dim3A_53 in 1 : vector<512x576xf32>, vector<512x64xf32> -> vector<512x640xf32>
    %swap3A_54 = arith.constant 0 : index
    %swap3A_55 = arith.constant 0 : index
    %swap3A_56 = vector.load %arg11[%swap3A_54, %swap3A_55] : memref<512x640xf32, #tpu.memory_space<vmem>>, vector<512x640xf32>
    tpu.vector_store %arg11[%swap3A_54, %swap3A_55], %concatenate3A {strides = array<i32>} : memref<512x640xf32, #tpu.memory_space<vmem>>, vector<512x640xf32>,
    %get3A_57 = arith.constant 0 : index
    %get3A_58 = arith.constant 0 : index
    %get3A_59 = vector.load %arg8[%get3A_57, %get3A_58] : memref<576x8xf32, #tpu.memory_space<vmem>>, vector<576x8xf32>
    %dot_general3A_60 = arith.constant dense<0.000000e+00> : vector<512x8xf32>
    %dot_general3A_61 = tpu.matmul %mul3A_21, %get3A_59, %dot_general3A_60 {dimension_numbers = #tpu.dot_dimension_numbers<[1], [0], [0], [1], [0, 0, 1, 1], [], []>, transpose_lhs_hint = false} : vector<512x576xf32>, vector<576x8xf32>, vector<512x8xf32> -> vector<512x8xf32>
    %get3A_62 = arith.constant 0 : index
    %get3A_63 = arith.constant 0 : index
    %get3A_64 = vector.load %arg9[%get3A_62, %get3A_63] : memref<1x8xf32, #tpu.memory_space<vmem>>, vector<1x8xf32>
    %add3A_65 = vector.broadcast %get3A_64 : vector<1x8xf32> to vector<512x8xf32>
    %add3A_66 = arith.addf %dot_general3A_61, %add3A_65 : vector<512x8xf32>
    %logistic3A_67 = arith.negf %add3A_66 : vector<512x8xf32>
    %logistic3A_68 = math.exp %logistic3A_67 : vector<512x8xf32>
    %logistic3A_69 = arith.constant 1.000000e+00 : f32
    %logistic3A_70 = vector.broadcast %logistic3A_69 : f32 to vector<512x8xf32>
    %logistic3A_71 = arith.addf %logistic3A_70, %logistic3A_68 : vector<512x8xf32>
    %logistic3A_72 = arith.divf %logistic3A_70, %logistic3A_71 : vector<512x8xf32>
    %iota3A = tpu.iota {dimensions = array<i32: 1>} : vector<512x8xi32>
    %lt3A = arith.constant 7 : i32
    %lt3A_73 = vector.broadcast %lt3A : i32 to vector<512x8xi32>
    %lt3A_74 = arith.cmpi slt, %iota3A, %lt3A_73 : vector<512x8xi32>
    %jit3A = arith.constant -1.000000e+00 : f32
    %broadcast_in_dim3A_75 = vector.broadcast %jit3A : f32 to vector<512x8xf32>
    %select_n3A = arith.select %lt3A_74, %logistic3A_72, %broadcast_in_dim3A_75 : vector<512x8xi1>, vector<512x8xf32>
    %reduce_max3A = arith.constant dense<0xFF800000> : vector<512xf32>
    %reduce_max3A_76 = vector.multi_reduction <maximumf>, %select_n3A, %reduce_max3A [1] : vector<512x8xf32> to vector<512xf32>
    %broadcast_in_dim3A_77 = vector.shape_cast %reduce_max3A_76 : vector<512xf32> to vector<512x1xf32>
    %eq3A = vector.broadcast %broadcast_in_dim3A_77 : vector<512x1xf32> to vector<512x8xf32>
    %eq3A_78 = arith.cmpf oeq, %select_n3A, %eq3A : vector<512x8xf32>
    %jit3A_79 = arith.constant 127 : i32
    %broadcast_in_dim3A_80 = vector.broadcast %jit3A_79 : i32 to vector<512x8xi32>
    %select_n3A_81 = arith.select %eq3A_78, %iota3A, %broadcast_in_dim3A_80 : vector<512x8xi1>, vector<512x8xi32>
    %reduce_min3A = arith.constant dense<2147483647> : vector<512xi32>
    %reduce_min3A_82 = vector.multi_reduction <minsi>, %select_n3A_81, %reduce_min3A [1] : vector<512x8xi32> to vector<512xi32>
    %broadcast_in_dim3A_83 = vector.shape_cast %reduce_min3A_82 : vector<512xi32> to vector<512x1xi32>
    %eq3A_84 = vector.broadcast %broadcast_in_dim3A_83 : vector<512x1xi32> to vector<512x8xi32>
    %eq3A_85 = arith.cmpi eq, %iota3A, %eq3A_84 : vector<512x8xi32>
    %jit3A_86 = arith.constant -1.000000e+00 : f32
    %broadcast_in_dim3A_87 = vector.broadcast %jit3A_86 : f32 to vector<512x8xf32>
    %select_n3A_88 = arith.select %eq3A_85, %broadcast_in_dim3A_87, %select_n3A : vector<512x8xi1>, vector<512x8xf32>
    %reduce_max3A_89 = arith.constant dense<0xFF800000> : vector<512xf32>
    %reduce_max3A_90 = vector.multi_reduction <maximumf>, %select_n3A_88, %reduce_max3A_89 [1] : vector<512x8xf32> to vector<512xf32>
    %broadcast_in_dim3A_91 = vector.shape_cast %reduce_max3A_90 : vector<512xf32> to vector<512x1xf32>
    %eq3A_92 = vector.broadcast %broadcast_in_dim3A_91 : vector<512x1xf32> to vector<512x8xf32>
    %eq3A_93 = arith.cmpf oeq, %select_n3A_88, %eq3A_92 : vector<512x8xf32>
    %jit3A_94 = arith.constant 127 : i32
    %broadcast_in_dim3A_95 = vector.broadcast %jit3A_94 : i32 to vector<512x8xi32>
    %select_n3A_96 = arith.select %eq3A_93, %iota3A, %broadcast_in_dim3A_95 : vector<512x8xi1>, vector<512x8xi32>
    %reduce_min3A_97 = arith.constant dense<2147483647> : vector<512xi32>
    %reduce_min3A_98 = vector.multi_reduction <minsi>, %select_n3A_96, %reduce_min3A_97 [1] : vector<512x8xi32> to vector<512xi32>
    %broadcast_in_dim3A_99 = vector.shape_cast %reduce_min3A_98 : vector<512xi32> to vector<512x1xi32>
    %add3A_100 = arith.addf %broadcast_in_dim3A_77, %broadcast_in_dim3A_91 : vector<512x1xf32>
    %eq3A_101 = vector.broadcast %broadcast_in_dim3A_83 : vector<512x1xi32> to vector<512x8xi32>
    %eq3A_102 = arith.cmpi eq, %iota3A, %eq3A_101 : vector<512x8xi32>
    %jit3A_103 = arith.constant 0.000000e+00 : f32
    %broadcast_in_dim3A_104 = vector.shape_cast %broadcast_in_dim3A_77 : vector<512x1xf32> to vector<512x1xf32>
    %broadcast_in_dim3A_105 = vector.broadcast %broadcast_in_dim3A_104 : vector<512x1xf32> to vector<512x8xf32>
    %broadcast_in_dim3A_106 = vector.broadcast %jit3A_103 : f32 to vector<512x8xf32>
    %select_n3A_107 = arith.select %eq3A_102, %broadcast_in_dim3A_105, %broadcast_in_dim3A_106 : vector<512x8xi1>, vector<512x8xf32>
    %eq3A_108 = vector.broadcast %broadcast_in_dim3A_99 : vector<512x1xi32> to vector<512x8xi32>
    %eq3A_109 = arith.cmpi eq, %iota3A, %eq3A_108 : vector<512x8xi32>
    %jit3A_110 = arith.constant 0.000000e+00 : f32
    %broadcast_in_dim3A_111 = vector.shape_cast %broadcast_in_dim3A_91 : vector<512x1xf32> to vector<512x1xf32>
    %broadcast_in_dim3A_112 = vector.broadcast %broadcast_in_dim3A_111 : vector<512x1xf32> to vector<512x8xf32>
    %broadcast_in_dim3A_113 = vector.broadcast %jit3A_110 : f32 to vector<512x8xf32>
    %select_n3A_114 = arith.select %eq3A_109, %broadcast_in_dim3A_112, %broadcast_in_dim3A_113 : vector<512x8xi1>, vector<512x8xf32>
    %add3A_115 = arith.addf %select_n3A_107, %select_n3A_114 : vector<512x8xf32>
    %div3A_116 = vector.broadcast %add3A_100 : vector<512x1xf32> to vector<512x8xf32>
    %div3A_117 = arith.divf %add3A_115, %div3A_116 : vector<512x8xf32>
    %swap3A_118 = arith.constant 0 : index
    %swap3A_119 = arith.constant 0 : index
    %swap3A_120 = vector.load %arg12[%swap3A_118, %swap3A_119] : memref<512x8xf32, #tpu.memory_space<vmem>>, vector<512x8xf32>
    tpu.vector_store %arg12[%swap3A_118, %swap3A_119], %div3A_117 {strides = array<i32>} : memref<512x8xf32, #tpu.memory_space<vmem>>, vector<512x8xf32>,
    %eq3A_121 = vector.broadcast %broadcast_in_dim3A_83 : vector<512x1xi32> to vector<512x8xi32>
    %eq3A_122 = arith.cmpi eq, %iota3A, %eq3A_121 : vector<512x8xi32>
    %jit3A_123 = arith.constant 1.000000e+00 : f32
    %jit3A_124 = arith.constant 0.000000e+00 : f32
    %broadcast_in_dim3A_125 = vector.broadcast %jit3A_123 : f32 to vector<512x8xf32>
    %broadcast_in_dim3A_126 = vector.broadcast %jit3A_124 : f32 to vector<512x8xf32>
    %select_n3A_127 = arith.select %eq3A_122, %broadcast_in_dim3A_125, %broadcast_in_dim3A_126 : vector<512x8xi1>, vector<512x8xf32>
    %eq3A_128 = vector.broadcast %broadcast_in_dim3A_99 : vector<512x1xi32> to vector<512x8xi32>
    %eq3A_129 = arith.cmpi eq, %iota3A, %eq3A_128 : vector<512x8xi32>
    %jit3A_130 = arith.constant 1.000000e+00 : f32
    %jit3A_131 = arith.constant 0.000000e+00 : f32
    %broadcast_in_dim3A_132 = vector.broadcast %jit3A_130 : f32 to vector<512x8xf32>
    %broadcast_in_dim3A_133 = vector.broadcast %jit3A_131 : f32 to vector<512x8xf32>
    %select_n3A_134 = arith.select %eq3A_129, %broadcast_in_dim3A_132, %broadcast_in_dim3A_133 : vector<512x8xi1>, vector<512x8xf32>
    %add3A_135 = arith.addf %select_n3A_127, %select_n3A_134 : vector<512x8xf32>
    %swap3A_136 = arith.constant 0 : index
    %swap3A_137 = arith.constant 0 : index
    %swap3A_138 = vector.load %arg13[%swap3A_136, %swap3A_137] : memref<512x8xf32, #tpu.memory_space<vmem>>, vector<512x8xf32>
    tpu.vector_store %arg13[%swap3A_136, %swap3A_137], %add3A_135 {strides = array<i32>} : memref<512x8xf32, #tpu.memory_space<vmem>>, vector<512x8xf32>,
    return
  }
  func.func @transform_0(%arg0: i32) -> (i32, i32) {
    %c0_i32 = arith.constant 0 : i32
    %c0_i32_0 = arith.constant 0 : i32
    return %arg0, %c0_i32 : i32, i32
  }
  func.func @transform_1(%arg0: i32) -> (i32, i32) {
    %c0_i32 = arith.constant 0 : i32
    %c0_i32_0 = arith.constant 0 : i32
    return %arg0, %c0_i32 : i32, i32
  }
  func.func @transform_2(%arg0: i32) -> (i32, i32) {
    %c0_i32 = arith.constant 0 : i32
    %c0_i32_0 = arith.constant 0 : i32
    %c0_i32_1 = arith.constant 0 : i32
    return %c0_i32, %c0_i32_0 : i32, i32
  }
  func.func @transform_3(%arg0: i32) -> (i32, i32) {
    %c0_i32 = arith.constant 0 : i32
    %c0_i32_0 = arith.constant 0 : i32
    %c0_i32_1 = arith.constant 0 : i32
    return %c0_i32, %c0_i32_0 : i32, i32
  }
  func.func @transform_4(%arg0: i32) -> (i32, i32) {
    %c0_i32 = arith.constant 0 : i32
    %c0_i32_0 = arith.constant 0 : i32
    %c0_i32_1 = arith.constant 0 : i32
    return %c0_i32, %c0_i32_0 : i32, i32
  }
  func.func @transform_5(%arg0: i32) -> (i32, i32) {
    %c0_i32 = arith.constant 0 : i32
    %c0_i32_0 = arith.constant 0 : i32
    %c0_i32_1 = arith.constant 0 : i32
    return %c0_i32, %c0_i32_0 : i32, i32
  }
  func.func @transform_6(%arg0: i32) -> (i32, i32) {
    %c0_i32 = arith.constant 0 : i32
    %c0_i32_0 = arith.constant 0 : i32
    %c0_i32_1 = arith.constant 0 : i32
    return %c0_i32, %c0_i32_0 : i32, i32
  }
  func.func @transform_7(%arg0: i32) -> (i32, i32) {
    %c0_i32 = arith.constant 0 : i32
    %c0_i32_0 = arith.constant 0 : i32
    %c0_i32_1 = arith.constant 0 : i32
    return %c0_i32, %c0_i32_0 : i32, i32
  }
  func.func @transform_8(%arg0: i32) -> (i32, i32) {
    %c0_i32 = arith.constant 0 : i32
    %c0_i32_0 = arith.constant 0 : i32
    %c0_i32_1 = arith.constant 0 : i32
    return %c0_i32, %c0_i32_0 : i32, i32
  }
  func.func @transform_9(%arg0: i32) -> (i32, i32) {
    %c0_i32 = arith.constant 0 : i32
    %c0_i32_0 = arith.constant 0 : i32
    return %arg0, %c0_i32 : i32, i32
  }
  func.func @transform_10(%arg0: i32) -> (i32, i32) {
    %c0_i32 = arith.constant 0 : i32
    %c0_i32_0 = arith.constant 0 : i32
    return %arg0, %c0_i32 : i32, i32
  }
  func.func @transform_11(%arg0: i32) -> (i32, i32) {
    %c0_i32 = arith.constant 0 : i32
    %c0_i32_0 = arith.constant 0 : i32
    return %arg0, %c0_i32 : i32, i32
  }
  func.func @transform_12(%arg0: i32) -> (i32, i32) {
    %c0_i32 = arith.constant 0 : i32
    %c0_i32_0 = arith.constant 0 : i32
    return %arg0, %c0_i32 : i32, i32
  }
}

module attributes {stable_mosaic.version = 14 : i64} {
  func.func @_route_body(%arg0: i32, %arg1: memref<2048x8xf32, #tpu.memory_space<vmem>>, %arg2: memref<2048x8xf32, #tpu.memory_space<vmem>>, %arg3: memref<2048x1xi32, #tpu.memory_space<vmem>>, %arg4: memref<2048x1xi32, #tpu.memory_space<vmem>>, %arg5: memref<2048x1xf32, #tpu.memory_space<vmem>>, %arg6: memref<2048x1xf32, #tpu.memory_space<vmem>>, %arg7: memref<23x1xi32, #tpu.memory_space<vmem>>) attributes {dimension_semantics = [#tpu.dimension_semantics<arbitrary>], iteration_bounds = array<i64: 1>, scalar_prefetch = 0 : i64, scratch_operands = 0 : i64, tpu.core_type = #tpu.core_type<tc>, window_params = [{pipeline_mode = #tpu.pipeline_mode<synchronous>, transform_indices = @transform_0, window_bounds = array<i64: 2048, 8>}, {pipeline_mode = #tpu.pipeline_mode<synchronous>, transform_indices = @transform_1, window_bounds = array<i64: 2048, 8>}, {pipeline_mode = #tpu.pipeline_mode<synchronous>, transform_indices = @transform_2, window_bounds = array<i64: 2048, 1>}, {pipeline_mode = #tpu.pipeline_mode<synchronous>, transform_indices = @transform_3, window_bounds = array<i64: 2048, 1>}, {pipeline_mode = #tpu.pipeline_mode<synchronous>, transform_indices = @transform_4, window_bounds = array<i64: 2048, 1>}, {pipeline_mode = #tpu.pipeline_mode<synchronous>, transform_indices = @transform_5, window_bounds = array<i64: 2048, 1>}, {pipeline_mode = #tpu.pipeline_mode<synchronous>, transform_indices = @transform_6, window_bounds = array<i64: 23, 1>}]} {
    %get3A = arith.constant 0 : index
    %get3A_0 = arith.constant 0 : index
    %get3A_1 = vector.load %arg1[%get3A, %get3A_0] : memref<2048x8xf32, #tpu.memory_space<vmem>>, vector<2048x8xf32>
    %convert_element_type3A = arith.truncf %get3A_1 : vector<2048x8xf32> to vector<2048x8xbf16>
    %iota3A = tpu.iota {dimensions = array<i32: 0>} : vector<2048x2048xi32>
    %iota3A_2 = tpu.iota {dimensions = array<i32: 1>} : vector<2048x2048xi32>
    %gt3A = arith.cmpi sgt, %iota3A, %iota3A_2 : vector<2048x2048xi32>
    %convert_element_type3A_3 = arith.extui %gt3A : vector<2048x2048xi1> to vector<2048x2048xi32>
    %convert_element_type3A_4 = arith.sitofp %convert_element_type3A_3 : vector<2048x2048xi32> to vector<2048x2048xf32>
    %convert_element_type3A_5 = arith.truncf %convert_element_type3A_4 : vector<2048x2048xf32> to vector<2048x2048xbf16>
    %dot_general3A = arith.constant dense<0.000000e+00> : vector<2048x8xf32>
    %dot_general3A_6 = tpu.matmul %convert_element_type3A_5, %convert_element_type3A, %dot_general3A {dimension_numbers = #tpu.dot_dimension_numbers<[1], [0], [0], [1], [0, 0, 1, 1], [], []>, transpose_lhs_hint = false} : vector<2048x2048xbf16>, vector<2048x8xbf16>, vector<2048x8xf32> -> vector<2048x8xf32>
    %reduce_sum3A = arith.constant dense<0.000000e+00> : vector<8xf32>
    %reduce_sum3A_7 = vector.multi_reduction <add>, %get3A_1, %reduce_sum3A [0] : vector<2048x8xf32> to vector<8xf32>
    %broadcast_in_dim3A = vector.shape_cast %reduce_sum3A_7 : vector<8xf32> to vector<1x8xf32>
    %add3A = arith.constant 2.550000e+02 : f32
    %add3A_8 = vector.broadcast %add3A : f32 to vector<1x8xf32>
    %add3A_9 = arith.addf %broadcast_in_dim3A, %add3A_8 : vector<1x8xf32>
    %mul3A = arith.constant 3.906250e-03 : f32
    %mul3A_10 = vector.broadcast %mul3A : f32 to vector<1x8xf32>
    %mul3A_11 = arith.mulf %add3A_9, %mul3A_10 : vector<1x8xf32>
    %floor3A = math.floor %mul3A_11 : vector<1x8xf32>
    %iota3A_12 = tpu.iota {dimensions = array<i32: 0>} : vector<8x8xi32>
    %iota3A_13 = tpu.iota {dimensions = array<i32: 1>} : vector<8x8xi32>
    %lt3A = arith.cmpi slt, %iota3A_12, %iota3A_13 : vector<8x8xi32>
    %convert_element_type3A_14 = arith.extui %lt3A : vector<8x8xi1> to vector<8x8xi32>
    %convert_element_type3A_15 = arith.sitofp %convert_element_type3A_14 : vector<8x8xi32> to vector<8x8xf32>
    %dot_general3A_16 = arith.constant dense<0.000000e+00> : vector<1x8xf32>
    %dot_general3A_17 = tpu.matmul %floor3A, %convert_element_type3A_15, %dot_general3A_16 {dimension_numbers = #tpu.dot_dimension_numbers<[1], [0], [0], [1], [0, 0, 1, 1], [], []>, transpose_lhs_hint = false} : vector<1x8xf32>, vector<8x8xf32>, vector<1x8xf32> -> vector<1x8xf32>
    %mul3A_18 = arith.constant 2.560000e+02 : f32
    %mul3A_19 = vector.broadcast %mul3A_18 : f32 to vector<1x8xf32>
    %mul3A_20 = arith.mulf %dot_general3A_17, %mul3A_19 : vector<1x8xf32>
    %add3A_21 = vector.broadcast %mul3A_20 : vector<1x8xf32> to vector<2048x8xf32>
    %add3A_22 = arith.addf %add3A_21, %dot_general3A_6 : vector<2048x8xf32>
    %iota3A_23 = tpu.iota {dimensions = array<i32: 1>} : vector<2048x8xi32>
    %gt3A_24 = arith.constant 5.000000e-01 : f32
    %gt3A_25 = vector.broadcast %gt3A_24 : f32 to vector<2048x8xf32>
    %gt3A_26 = arith.cmpf ogt, %get3A_1, %gt3A_25 : vector<2048x8xf32>
    %jit3A = arith.constant 127 : i32
    %broadcast_in_dim3A_27 = vector.broadcast %jit3A : i32 to vector<2048x8xi32>
    %select_n3A = arith.select %gt3A_26, %iota3A_23, %broadcast_in_dim3A_27 : vector<2048x8xi1>, vector<2048x8xi32>
    %reduce_min3A = arith.constant dense<2147483647> : vector<2048xi32>
    %reduce_min3A_28 = vector.multi_reduction <minsi>, %select_n3A, %reduce_min3A [1] : vector<2048x8xi32> to vector<2048xi32>
    %broadcast_in_dim3A_29 = vector.shape_cast %reduce_min3A_28 : vector<2048xi32> to vector<2048x1xi32>
    %jit3A_30 = arith.constant -1 : i32
    %broadcast_in_dim3A_31 = vector.broadcast %jit3A_30 : i32 to vector<2048x8xi32>
    %select_n3A_32 = arith.select %gt3A_26, %iota3A_23, %broadcast_in_dim3A_31 : vector<2048x8xi1>, vector<2048x8xi32>
    %reduce_max3A = arith.constant dense<-2147483648> : vector<2048xi32>
    %reduce_max3A_33 = vector.multi_reduction <maxsi>, %select_n3A_32, %reduce_max3A [1] : vector<2048x8xi32> to vector<2048xi32>
    %broadcast_in_dim3A_34 = vector.shape_cast %reduce_max3A_33 : vector<2048xi32> to vector<2048x1xi32>
    %get3A_35 = arith.constant 0 : index
    %get3A_36 = arith.constant 0 : index
    %get3A_37 = vector.load %arg2[%get3A_35, %get3A_36] : memref<2048x8xf32, #tpu.memory_space<vmem>>, vector<2048x8xf32>
    %eq3A = vector.broadcast %broadcast_in_dim3A_29 : vector<2048x1xi32> to vector<2048x8xi32>
    %eq3A_38 = arith.cmpi eq, %iota3A_23, %eq3A : vector<2048x8xi32>
    %jit3A_39 = arith.constant 0.000000e+00 : f32
    %broadcast_in_dim3A_40 = vector.broadcast %jit3A_39 : f32 to vector<2048x8xf32>
    %select_n3A_41 = arith.select %eq3A_38, %add3A_22, %broadcast_in_dim3A_40 : vector<2048x8xi1>, vector<2048x8xf32>
    %reduce_sum3A_42 = arith.constant dense<0.000000e+00> : vector<2048xf32>
    %reduce_sum3A_43 = vector.multi_reduction <add>, %select_n3A_41, %reduce_sum3A_42 [1] : vector<2048x8xf32> to vector<2048xf32>
    %broadcast_in_dim3A_44 = vector.shape_cast %reduce_sum3A_43 : vector<2048xf32> to vector<2048x1xf32>
    %convert_element_type3A_45 = arith.fptosi %broadcast_in_dim3A_44 : vector<2048x1xf32> to vector<2048x1xi32>
    %swap3A = arith.constant 0 : index
    %swap3A_46 = arith.constant 0 : index
    %swap3A_47 = vector.load %arg3[%swap3A, %swap3A_46] : memref<2048x1xi32, #tpu.memory_space<vmem>>, vector<2048x1xi32>
    tpu.vector_store %arg3[%swap3A, %swap3A_46], %convert_element_type3A_45 {strides = array<i32>} : memref<2048x1xi32, #tpu.memory_space<vmem>>, vector<2048x1xi32>,
    %eq3A_48 = vector.broadcast %broadcast_in_dim3A_34 : vector<2048x1xi32> to vector<2048x8xi32>
    %eq3A_49 = arith.cmpi eq, %iota3A_23, %eq3A_48 : vector<2048x8xi32>
    %jit3A_50 = arith.constant 0.000000e+00 : f32
    %broadcast_in_dim3A_51 = vector.broadcast %jit3A_50 : f32 to vector<2048x8xf32>
    %select_n3A_52 = arith.select %eq3A_49, %add3A_22, %broadcast_in_dim3A_51 : vector<2048x8xi1>, vector<2048x8xf32>
    %reduce_sum3A_53 = arith.constant dense<0.000000e+00> : vector<2048xf32>
    %reduce_sum3A_54 = vector.multi_reduction <add>, %select_n3A_52, %reduce_sum3A_53 [1] : vector<2048x8xf32> to vector<2048xf32>
    %broadcast_in_dim3A_55 = vector.shape_cast %reduce_sum3A_54 : vector<2048xf32> to vector<2048x1xf32>
    %convert_element_type3A_56 = arith.fptosi %broadcast_in_dim3A_55 : vector<2048x1xf32> to vector<2048x1xi32>
    %swap3A_57 = arith.constant 0 : index
    %swap3A_58 = arith.constant 0 : index
    %swap3A_59 = vector.load %arg4[%swap3A_57, %swap3A_58] : memref<2048x1xi32, #tpu.memory_space<vmem>>, vector<2048x1xi32>
    tpu.vector_store %arg4[%swap3A_57, %swap3A_58], %convert_element_type3A_56 {strides = array<i32>} : memref<2048x1xi32, #tpu.memory_space<vmem>>, vector<2048x1xi32>,
    %eq3A_60 = vector.broadcast %broadcast_in_dim3A_29 : vector<2048x1xi32> to vector<2048x8xi32>
    %eq3A_61 = arith.cmpi eq, %iota3A_23, %eq3A_60 : vector<2048x8xi32>
    %jit3A_62 = arith.constant 0.000000e+00 : f32
    %broadcast_in_dim3A_63 = vector.broadcast %jit3A_62 : f32 to vector<2048x8xf32>
    %select_n3A_64 = arith.select %eq3A_61, %get3A_37, %broadcast_in_dim3A_63 : vector<2048x8xi1>, vector<2048x8xf32>
    %reduce_sum3A_65 = arith.constant dense<0.000000e+00> : vector<2048xf32>
    %reduce_sum3A_66 = vector.multi_reduction <add>, %select_n3A_64, %reduce_sum3A_65 [1] : vector<2048x8xf32> to vector<2048xf32>
    %broadcast_in_dim3A_67 = vector.shape_cast %reduce_sum3A_66 : vector<2048xf32> to vector<2048x1xf32>
    %swap3A_68 = arith.constant 0 : index
    %swap3A_69 = arith.constant 0 : index
    %swap3A_70 = vector.load %arg5[%swap3A_68, %swap3A_69] : memref<2048x1xf32, #tpu.memory_space<vmem>>, vector<2048x1xf32>
    tpu.vector_store %arg5[%swap3A_68, %swap3A_69], %broadcast_in_dim3A_67 {strides = array<i32>} : memref<2048x1xf32, #tpu.memory_space<vmem>>, vector<2048x1xf32>,
    %eq3A_71 = vector.broadcast %broadcast_in_dim3A_34 : vector<2048x1xi32> to vector<2048x8xi32>
    %eq3A_72 = arith.cmpi eq, %iota3A_23, %eq3A_71 : vector<2048x8xi32>
    %jit3A_73 = arith.constant 0.000000e+00 : f32
    %broadcast_in_dim3A_74 = vector.broadcast %jit3A_73 : f32 to vector<2048x8xf32>
    %select_n3A_75 = arith.select %eq3A_72, %get3A_37, %broadcast_in_dim3A_74 : vector<2048x8xi1>, vector<2048x8xf32>
    %reduce_sum3A_76 = arith.constant dense<0.000000e+00> : vector<2048xf32>
    %reduce_sum3A_77 = vector.multi_reduction <add>, %select_n3A_75, %reduce_sum3A_76 [1] : vector<2048x8xf32> to vector<2048xf32>
    %broadcast_in_dim3A_78 = vector.shape_cast %reduce_sum3A_77 : vector<2048xf32> to vector<2048x1xf32>
    %swap3A_79 = arith.constant 0 : index
    %swap3A_80 = arith.constant 0 : index
    %swap3A_81 = vector.load %arg6[%swap3A_79, %swap3A_80] : memref<2048x1xf32, #tpu.memory_space<vmem>>, vector<2048x1xf32>
    tpu.vector_store %arg6[%swap3A_79, %swap3A_80], %broadcast_in_dim3A_78 {strides = array<i32>} : memref<2048x1xf32, #tpu.memory_space<vmem>>, vector<2048x1xf32>,
    %iota3A_82 = tpu.iota {dimensions = array<i32: 0>} : vector<23x8xi32>
    %convert_element_type3A_83 = arith.sitofp %iota3A_82 : vector<23x8xi32> to vector<23x8xf32>
    %mul3A_84 = arith.constant 2.560000e+02 : f32
    %mul3A_85 = vector.broadcast %mul3A_84 : f32 to vector<23x8xf32>
    %mul3A_86 = arith.mulf %convert_element_type3A_83, %mul3A_85 : vector<23x8xf32>
    %iota3A_87 = tpu.iota {dimensions = array<i32: 1>} : vector<23x8xi32>
    %ge3A = vector.broadcast %mul3A_20 : vector<1x8xf32> to vector<23x8xf32>
    %ge3A_88 = arith.cmpf oge, %mul3A_86, %ge3A : vector<23x8xf32>
    %mul3A_89 = arith.constant 2.560000e+02 : f32
    %mul3A_90 = vector.broadcast %mul3A_89 : f32 to vector<1x8xf32>
    %mul3A_91 = arith.mulf %floor3A, %mul3A_90 : vector<1x8xf32>
    %add3A_92 = arith.addf %mul3A_20, %mul3A_91 : vector<1x8xf32>
    %lt3A_93 = vector.broadcast %add3A_92 : vector<1x8xf32> to vector<23x8xf32>
    %lt3A_94 = arith.cmpf olt, %mul3A_86, %lt3A_93 : vector<23x8xf32>
    %and3A = arith.andi %ge3A_88, %lt3A_94 : vector<23x8xi1>
    %jit3A_95 = arith.constant 0 : i32
    %broadcast_in_dim3A_96 = vector.broadcast %jit3A_95 : i32 to vector<23x8xi32>
    %select_n3A_97 = arith.select %and3A, %iota3A_87, %broadcast_in_dim3A_96 : vector<23x8xi1>, vector<23x8xi32>
    %reduce_sum3A_98 = arith.constant dense<0> : vector<23xi32>
    %reduce_sum3A_99 = vector.multi_reduction <add>, %select_n3A_97, %reduce_sum3A_98 [1] : vector<23x8xi32> to vector<23xi32>
    %broadcast_in_dim3A_100 = vector.shape_cast %reduce_sum3A_99 : vector<23xi32> to vector<23x1xi32>
    %swap3A_101 = arith.constant 0 : index
    %swap3A_102 = arith.constant 0 : index
    %swap3A_103 = vector.load %arg7[%swap3A_101, %swap3A_102] : memref<23x1xi32, #tpu.memory_space<vmem>>, vector<23x1xi32>
    tpu.vector_store %arg7[%swap3A_101, %swap3A_102], %broadcast_in_dim3A_100 {strides = array<i32>} : memref<23x1xi32, #tpu.memory_space<vmem>>, vector<23x1xi32>,
    return
  }
  func.func @transform_0(%arg0: i32) -> (i32, i32) {
    %c0_i32 = arith.constant 0 : i32
    %c0_i32_0 = arith.constant 0 : i32
    %c0_i32_1 = arith.constant 0 : i32
    return %c0_i32, %c0_i32_0 : i32, i32
  }
  func.func @transform_1(%arg0: i32) -> (i32, i32) {
    %c0_i32 = arith.constant 0 : i32
    %c0_i32_0 = arith.constant 0 : i32
    %c0_i32_1 = arith.constant 0 : i32
    return %c0_i32, %c0_i32_0 : i32, i32
  }
  func.func @transform_2(%arg0: i32) -> (i32, i32) {
    %c0_i32 = arith.constant 0 : i32
    %c0_i32_0 = arith.constant 0 : i32
    %c0_i32_1 = arith.constant 0 : i32
    return %c0_i32, %c0_i32_0 : i32, i32
  }
  func.func @transform_3(%arg0: i32) -> (i32, i32) {
    %c0_i32 = arith.constant 0 : i32
    %c0_i32_0 = arith.constant 0 : i32
    %c0_i32_1 = arith.constant 0 : i32
    return %c0_i32, %c0_i32_0 : i32, i32
  }
  func.func @transform_4(%arg0: i32) -> (i32, i32) {
    %c0_i32 = arith.constant 0 : i32
    %c0_i32_0 = arith.constant 0 : i32
    %c0_i32_1 = arith.constant 0 : i32
    return %c0_i32, %c0_i32_0 : i32, i32
  }
  func.func @transform_5(%arg0: i32) -> (i32, i32) {
    %c0_i32 = arith.constant 0 : i32
    %c0_i32_0 = arith.constant 0 : i32
    %c0_i32_1 = arith.constant 0 : i32
    return %c0_i32, %c0_i32_0 : i32, i32
  }
  func.func @transform_6(%arg0: i32) -> (i32, i32) {
    %c0_i32 = arith.constant 0 : i32
    %c0_i32_0 = arith.constant 0 : i32
    %c0_i32_1 = arith.constant 0 : i32
    return %c0_i32, %c0_i32_0 : i32, i32
  }
}

module attributes {stable_mosaic.version = 14 : i64} {
  func.func @_invert_body(%arg0: i32, %arg1: memref<2048x1xi32, #tpu.memory_space<vmem>>, %arg2: memref<2048x1xi32, #tpu.memory_space<vmem>>, %arg3: memref<1x2048xf32, #tpu.memory_space<vmem>>, %arg4: memref<1x2048xf32, #tpu.memory_space<vmem>>, %arg5: memref<1x128xi32, #tpu.memory_space<vmem>>, %arg6: memref<1x128xf32, #tpu.memory_space<vmem>>) attributes {dimension_semantics = [#tpu.dimension_semantics<arbitrary>], iteration_bounds = array<i64: 46>, scalar_prefetch = 0 : i64, scratch_operands = 0 : i64, tpu.core_type = #tpu.core_type<tc>, window_params = [{pipeline_mode = #tpu.pipeline_mode<synchronous>, transform_indices = @transform_0, window_bounds = array<i64: 2048, 1>}, {pipeline_mode = #tpu.pipeline_mode<synchronous>, transform_indices = @transform_1, window_bounds = array<i64: 2048, 1>}, {pipeline_mode = #tpu.pipeline_mode<synchronous>, transform_indices = @transform_2, window_bounds = array<i64: 1, 2048>}, {pipeline_mode = #tpu.pipeline_mode<synchronous>, transform_indices = @transform_3, window_bounds = array<i64: 1, 2048>}, {transform_indices = @transform_4, window_bounds = array<i64: 1, 128>}, {transform_indices = @transform_5, window_bounds = array<i64: 1, 128>}]} {
    %mul3A = arith.constant 128 : i32
    %mul3A_0 = arith.muli %arg0, %mul3A : i32
    %iota3A = tpu.iota {dimensions = array<i32: 1>} : vector<1x128xi32>
    %add3A = vector.broadcast %mul3A_0 : i32 to vector<1x128xi32>
    %add3A_1 = arith.addi %add3A, %iota3A : vector<1x128xi32>
    %get3A = arith.constant 0 : index
    %get3A_2 = arith.constant 0 : index
    %get3A_3 = vector.load %arg1[%get3A, %get3A_2] : memref<2048x1xi32, #tpu.memory_space<vmem>>, vector<2048x1xi32>
    %eq3A = vector.broadcast %get3A_3 : vector<2048x1xi32> to vector<2048x128xi32>
    %eq3A_4 = vector.broadcast %add3A_1 : vector<1x128xi32> to vector<2048x128xi32>
    %eq3A_5 = arith.cmpi eq, %eq3A, %eq3A_4 : vector<2048x128xi32>
    %convert_element_type3A = arith.extui %eq3A_5 : vector<2048x128xi1> to vector<2048x128xi32>
    %convert_element_type3A_6 = arith.sitofp %convert_element_type3A : vector<2048x128xi32> to vector<2048x128xf32>
    %get3A_7 = arith.constant 0 : index
    %get3A_8 = arith.constant 0 : index
    %get3A_9 = vector.load %arg2[%get3A_7, %get3A_8] : memref<2048x1xi32, #tpu.memory_space<vmem>>, vector<2048x1xi32>
    %eq3A_10 = vector.broadcast %get3A_9 : vector<2048x1xi32> to vector<2048x128xi32>
    %eq3A_11 = vector.broadcast %add3A_1 : vector<1x128xi32> to vector<2048x128xi32>
    %eq3A_12 = arith.cmpi eq, %eq3A_10, %eq3A_11 : vector<2048x128xi32>
    %convert_element_type3A_13 = arith.extui %eq3A_12 : vector<2048x128xi1> to vector<2048x128xi32>
    %convert_element_type3A_14 = arith.sitofp %convert_element_type3A_13 : vector<2048x128xi32> to vector<2048x128xf32>
    %iota3A_15 = tpu.iota {dimensions = array<i32: 1>} : vector<1x2048xi32>
    %convert_element_type3A_16 = arith.sitofp %iota3A_15 : vector<1x2048xi32> to vector<1x2048xf32>
    %dot_general3A = arith.constant dense<0.000000e+00> : vector<1x128xf32>
    %dot_general3A_17 = tpu.matmul %convert_element_type3A_16, %convert_element_type3A_6, %dot_general3A {dimension_numbers = #tpu.dot_dimension_numbers<[1], [0], [0], [1], [0, 0, 1, 1], [], []>, precision = #tpu.contract_precision<fp32>, transpose_lhs_hint = false} : vector<1x2048xf32>, vector<2048x128xf32>, vector<1x128xf32> -> vector<1x128xf32>
    %dot_general3A_18 = arith.constant dense<0.000000e+00> : vector<1x128xf32>
    %dot_general3A_19 = tpu.matmul %convert_element_type3A_16, %convert_element_type3A_14, %dot_general3A_18 {dimension_numbers = #tpu.dot_dimension_numbers<[1], [0], [0], [1], [0, 0, 1, 1], [], []>, precision = #tpu.contract_precision<fp32>, transpose_lhs_hint = false} : vector<1x2048xf32>, vector<2048x128xf32>, vector<1x128xf32> -> vector<1x128xf32>
    %add3A_20 = arith.addf %dot_general3A_17, %dot_general3A_19 : vector<1x128xf32>
    %get3A_21 = arith.constant 0 : index
    %get3A_22 = arith.constant 0 : index
    %get3A_23 = vector.load %arg3[%get3A_21, %get3A_22] : memref<1x2048xf32, #tpu.memory_space<vmem>>, vector<1x2048xf32>
    %dot_general3A_24 = arith.constant dense<0.000000e+00> : vector<1x128xf32>
    %dot_general3A_25 = tpu.matmul %get3A_23, %convert_element_type3A_6, %dot_general3A_24 {dimension_numbers = #tpu.dot_dimension_numbers<[1], [0], [0], [1], [0, 0, 1, 1], [], []>, precision = #tpu.contract_precision<fp32>, transpose_lhs_hint = false} : vector<1x2048xf32>, vector<2048x128xf32>, vector<1x128xf32> -> vector<1x128xf32>
    %get3A_26 = arith.constant 0 : index
    %get3A_27 = arith.constant 0 : index
    %get3A_28 = vector.load %arg4[%get3A_26, %get3A_27] : memref<1x2048xf32, #tpu.memory_space<vmem>>, vector<1x2048xf32>
    %dot_general3A_29 = arith.constant dense<0.000000e+00> : vector<1x128xf32>
    %dot_general3A_30 = tpu.matmul %get3A_28, %convert_element_type3A_14, %dot_general3A_29 {dimension_numbers = #tpu.dot_dimension_numbers<[1], [0], [0], [1], [0, 0, 1, 1], [], []>, precision = #tpu.contract_precision<fp32>, transpose_lhs_hint = false} : vector<1x2048xf32>, vector<2048x128xf32>, vector<1x128xf32> -> vector<1x128xf32>
    %add3A_31 = arith.addf %dot_general3A_25, %dot_general3A_30 : vector<1x128xf32>
    %convert_element_type3A_32 = arith.fptosi %add3A_20 : vector<1x128xf32> to vector<1x128xi32>
    %swap3A = arith.constant 0 : index
    %swap3A_33 = arith.constant 0 : index
    %swap3A_34 = vector.load %arg5[%swap3A, %swap3A_33] : memref<1x128xi32, #tpu.memory_space<vmem>>, vector<1x128xi32>
    tpu.vector_store %arg5[%swap3A, %swap3A_33], %convert_element_type3A_32 {strides = array<i32>} : memref<1x128xi32, #tpu.memory_space<vmem>>, vector<1x128xi32>,
    %swap3A_35 = arith.constant 0 : index
    %swap3A_36 = arith.constant 0 : index
    %swap3A_37 = vector.load %arg6[%swap3A_35, %swap3A_36] : memref<1x128xf32, #tpu.memory_space<vmem>>, vector<1x128xf32>
    tpu.vector_store %arg6[%swap3A_35, %swap3A_36], %add3A_31 {strides = array<i32>} : memref<1x128xf32, #tpu.memory_space<vmem>>, vector<1x128xf32>,
    return
  }
  func.func @transform_0(%arg0: i32) -> (i32, i32) {
    %c0_i32 = arith.constant 0 : i32
    %c0_i32_0 = arith.constant 0 : i32
    %c0_i32_1 = arith.constant 0 : i32
    return %c0_i32, %c0_i32_0 : i32, i32
  }
  func.func @transform_1(%arg0: i32) -> (i32, i32) {
    %c0_i32 = arith.constant 0 : i32
    %c0_i32_0 = arith.constant 0 : i32
    %c0_i32_1 = arith.constant 0 : i32
    return %c0_i32, %c0_i32_0 : i32, i32
  }
  func.func @transform_2(%arg0: i32) -> (i32, i32) {
    %c0_i32 = arith.constant 0 : i32
    %c0_i32_0 = arith.constant 0 : i32
    %c0_i32_1 = arith.constant 0 : i32
    return %c0_i32, %c0_i32_0 : i32, i32
  }
  func.func @transform_3(%arg0: i32) -> (i32, i32) {
    %c0_i32 = arith.constant 0 : i32
    %c0_i32_0 = arith.constant 0 : i32
    %c0_i32_1 = arith.constant 0 : i32
    return %c0_i32, %c0_i32_0 : i32, i32
  }
  func.func @transform_4(%arg0: i32) -> (i32, i32) {
    %c0_i32 = arith.constant 0 : i32
    %c0_i32_0 = arith.constant 0 : i32
    return %c0_i32, %arg0 : i32, i32
  }
  func.func @transform_5(%arg0: i32) -> (i32, i32) {
    %c0_i32 = arith.constant 0 : i32
    %c0_i32_0 = arith.constant 0 : i32
    return %c0_i32, %arg0 : i32, i32
  }
}

module attributes {stable_mosaic.version = 14 : i64} {
  func.func @_group_body(%arg0: i32, %arg1: memref<23xi32, #tpu.memory_space<smem>>, %arg2: memref<256x640xf32, #tpu.memory_space<vmem>>, %arg3: memref<256x1xf32, #tpu.memory_space<vmem>>, %arg4: memref<1x576x1536xf32, #tpu.memory_space<vmem>>, %arg5: memref<1x576x1536xf32, #tpu.memory_space<vmem>>, %arg6: memref<1x1536x576xf32, #tpu.memory_space<vmem>>, %arg7: memref<256x640xf32, #tpu.memory_space<vmem>>) attributes {dimension_semantics = [#tpu.dimension_semantics<arbitrary>], iteration_bounds = array<i64: 23>, scalar_prefetch = 1 : i64, scratch_operands = 0 : i64, tpu.core_type = #tpu.core_type<tc>, window_params = [{transform_indices = @transform_0, window_bounds = array<i64: 256, 640>}, {transform_indices = @transform_1, window_bounds = array<i64: 256, 1>}, {transform_indices = @transform_2, window_bounds = array<i64: 1, 576, 1536>}, {transform_indices = @transform_3, window_bounds = array<i64: 1, 576, 1536>}, {transform_indices = @transform_4, window_bounds = array<i64: 1, 1536, 576>}, {transform_indices = @transform_5, window_bounds = array<i64: 256, 640>}]} {
    %get3A = arith.constant 0 : index
    %get3A_0 = arith.constant 0 : index
    %get3A_1 = vector.load %arg2[%get3A, %get3A_0] : memref<256x640xf32, #tpu.memory_space<vmem>>, vector<256x576xf32>
    %get3A_2 = arith.constant 0 : index
    %get3A_3 = arith.constant 0 : index
    %get3A_4 = arith.constant 0 : index
    %get3A_5 = vector.load %arg4[%get3A_2, %get3A_3, %get3A_4] : memref<1x576x1536xf32, #tpu.memory_space<vmem>>, vector<1x576x1536xf32>
    %get3A_6 = vector.shape_cast %get3A_5 : vector<1x576x1536xf32> to vector<576x1536xf32>
    %dot_general3A = arith.constant dense<0.000000e+00> : vector<256x1536xf32>
    %dot_general3A_7 = tpu.matmul %get3A_1, %get3A_6, %dot_general3A {dimension_numbers = #tpu.dot_dimension_numbers<[1], [0], [0], [1], [0, 0, 1, 1], [], []>, transpose_lhs_hint = false} : vector<256x576xf32>, vector<576x1536xf32>, vector<256x1536xf32> -> vector<256x1536xf32>
    %get3A_8 = arith.constant 0 : index
    %get3A_9 = arith.constant 0 : index
    %get3A_10 = arith.constant 0 : index
    %get3A_11 = vector.load %arg5[%get3A_8, %get3A_9, %get3A_10] : memref<1x576x1536xf32, #tpu.memory_space<vmem>>, vector<1x576x1536xf32>
    %get3A_12 = vector.shape_cast %get3A_11 : vector<1x576x1536xf32> to vector<576x1536xf32>
    %dot_general3A_13 = arith.constant dense<0.000000e+00> : vector<256x1536xf32>
    %dot_general3A_14 = tpu.matmul %get3A_1, %get3A_12, %dot_general3A_13 {dimension_numbers = #tpu.dot_dimension_numbers<[1], [0], [0], [1], [0, 0, 1, 1], [], []>, transpose_lhs_hint = false} : vector<256x576xf32>, vector<576x1536xf32>, vector<256x1536xf32> -> vector<256x1536xf32>
    %logistic3A = arith.negf %dot_general3A_7 : vector<256x1536xf32>
    %logistic3A_15 = math.exp %logistic3A : vector<256x1536xf32>
    %logistic3A_16 = arith.constant 1.000000e+00 : f32
    %logistic3A_17 = vector.broadcast %logistic3A_16 : f32 to vector<256x1536xf32>
    %logistic3A_18 = arith.addf %logistic3A_17, %logistic3A_15 : vector<256x1536xf32>
    %logistic3A_19 = arith.divf %logistic3A_17, %logistic3A_18 : vector<256x1536xf32>
    %mul3A = arith.mulf %dot_general3A_7, %logistic3A_19 : vector<256x1536xf32>
    %mul3A_20 = arith.mulf %mul3A, %dot_general3A_14 : vector<256x1536xf32>
    %get3A_21 = arith.constant 0 : index
    %get3A_22 = arith.constant 0 : index
    %get3A_23 = arith.constant 0 : index
    %get3A_24 = vector.load %arg6[%get3A_21, %get3A_22, %get3A_23] : memref<1x1536x576xf32, #tpu.memory_space<vmem>>, vector<1x1536x576xf32>
    %get3A_25 = vector.shape_cast %get3A_24 : vector<1x1536x576xf32> to vector<1536x576xf32>
    %dot_general3A_26 = arith.constant dense<0.000000e+00> : vector<256x576xf32>
    %dot_general3A_27 = tpu.matmul %mul3A_20, %get3A_25, %dot_general3A_26 {dimension_numbers = #tpu.dot_dimension_numbers<[1], [0], [0], [1], [0, 0, 1, 1], [], []>, transpose_lhs_hint = false} : vector<256x1536xf32>, vector<1536x576xf32>, vector<256x576xf32> -> vector<256x576xf32>
    %get3A_28 = arith.constant 0 : index
    %get3A_29 = arith.constant 0 : index
    %get3A_30 = vector.load %arg3[%get3A_28, %get3A_29] : memref<256x1xf32, #tpu.memory_space<vmem>>, vector<256x1xf32>
    %mul3A_31 = vector.broadcast %get3A_30 : vector<256x1xf32> to vector<256x576xf32>
    %mul3A_32 = arith.mulf %dot_general3A_27, %mul3A_31 : vector<256x576xf32>
    %broadcast_in_dim3A = arith.constant 0.000000e+00 : f32
    %broadcast_in_dim3A_33 = vector.broadcast %broadcast_in_dim3A : f32 to vector<256x64xf32>
    %concatenate3A = tpu.concatenate %mul3A_32, %broadcast_in_dim3A_33 in 1 : vector<256x576xf32>, vector<256x64xf32> -> vector<256x640xf32>
    %swap3A = arith.constant 0 : index
    %swap3A_34 = arith.constant 0 : index
    %swap3A_35 = vector.load %arg7[%swap3A, %swap3A_34] : memref<256x640xf32, #tpu.memory_space<vmem>>, vector<256x640xf32>
    tpu.vector_store %arg7[%swap3A, %swap3A_34], %concatenate3A {strides = array<i32>} : memref<256x640xf32, #tpu.memory_space<vmem>>, vector<256x640xf32>,
    return
  }
  func.func @transform_0(%arg0: i32, %arg1: memref<23xi32, #tpu.memory_space<smem>>) -> (i32, i32) {
    %c0_i32 = arith.constant 0 : i32
    %c0_i32_0 = arith.constant 0 : i32
    return %arg0, %c0_i32 : i32, i32
  }
  func.func @transform_1(%arg0: i32, %arg1: memref<23xi32, #tpu.memory_space<smem>>) -> (i32, i32) {
    %c0_i32 = arith.constant 0 : i32
    %c0_i32_0 = arith.constant 0 : i32
    return %arg0, %c0_i32 : i32, i32
  }
  func.func @transform_2(%arg0: i32, %arg1: memref<23xi32, #tpu.memory_space<smem>>) -> (i32, i32, i32) {
    %get3A = arith.index_cast %arg0 : i32 to index
    %get3A_0 = memref.load %arg1[%get3A] : memref<23xi32, #tpu.memory_space<smem>>
    %c0_i32 = arith.constant 0 : i32
    %c0_i32_1 = arith.constant 0 : i32
    %c0_i32_2 = arith.constant 0 : i32
    return %get3A_0, %c0_i32, %c0_i32_1 : i32, i32, i32
  }
  func.func @transform_3(%arg0: i32, %arg1: memref<23xi32, #tpu.memory_space<smem>>) -> (i32, i32, i32) {
    %get3A = arith.index_cast %arg0 : i32 to index
    %get3A_0 = memref.load %arg1[%get3A] : memref<23xi32, #tpu.memory_space<smem>>
    %c0_i32 = arith.constant 0 : i32
    %c0_i32_1 = arith.constant 0 : i32
    %c0_i32_2 = arith.constant 0 : i32
    return %get3A_0, %c0_i32, %c0_i32_1 : i32, i32, i32
  }
  func.func @transform_4(%arg0: i32, %arg1: memref<23xi32, #tpu.memory_space<smem>>) -> (i32, i32, i32) {
    %get3A = arith.index_cast %arg0 : i32 to index
    %get3A_0 = memref.load %arg1[%get3A] : memref<23xi32, #tpu.memory_space<smem>>
    %c0_i32 = arith.constant 0 : i32
    %c0_i32_1 = arith.constant 0 : i32
    %c0_i32_2 = arith.constant 0 : i32
    return %get3A_0, %c0_i32, %c0_i32_1 : i32, i32, i32
  }
  func.func @transform_5(%arg0: i32, %arg1: memref<23xi32, #tpu.memory_space<smem>>) -> (i32, i32) {
    %c0_i32 = arith.constant 0 : i32
    %c0_i32_0 = arith.constant 0 : i32
    return %arg0, %c0_i32 : i32, i32
  }
}

module attributes {stable_mosaic.version = 14 : i64} {
  func.func @_combine_body(%arg0: i32, %arg1: memref<512x576xf32, #tpu.memory_space<vmem>>, %arg2: memref<512x640xf32, #tpu.memory_space<vmem>>, %arg3: memref<512x640xf32, #tpu.memory_space<vmem>>, %arg4: memref<512x576xf32, #tpu.memory_space<vmem>>) attributes {dimension_semantics = [#tpu.dimension_semantics<arbitrary>], iteration_bounds = array<i64: 4>, scalar_prefetch = 0 : i64, scratch_operands = 0 : i64, tpu.core_type = #tpu.core_type<tc>, window_params = [{transform_indices = @transform_0, window_bounds = array<i64: 512, 576>}, {transform_indices = @transform_1, window_bounds = array<i64: 512, 640>}, {transform_indices = @transform_2, window_bounds = array<i64: 512, 640>}, {transform_indices = @transform_3, window_bounds = array<i64: 512, 576>}]} {
    %get3A = arith.constant 0 : index
    %get3A_0 = arith.constant 0 : index
    %get3A_1 = vector.load %arg1[%get3A, %get3A_0] : memref<512x576xf32, #tpu.memory_space<vmem>>, vector<512x576xf32>
    %get3A_2 = arith.constant 0 : index
    %get3A_3 = arith.constant 0 : index
    %get3A_4 = vector.load %arg2[%get3A_2, %get3A_3] : memref<512x640xf32, #tpu.memory_space<vmem>>, vector<512x576xf32>
    %add3A = arith.addf %get3A_1, %get3A_4 : vector<512x576xf32>
    %get3A_5 = arith.constant 0 : index
    %get3A_6 = arith.constant 0 : index
    %get3A_7 = vector.load %arg3[%get3A_5, %get3A_6] : memref<512x640xf32, #tpu.memory_space<vmem>>, vector<512x576xf32>
    %add3A_8 = arith.addf %add3A, %get3A_7 : vector<512x576xf32>
    %swap3A = arith.constant 0 : index
    %swap3A_9 = arith.constant 0 : index
    %swap3A_10 = vector.load %arg4[%swap3A, %swap3A_9] : memref<512x576xf32, #tpu.memory_space<vmem>>, vector<512x576xf32>
    tpu.vector_store %arg4[%swap3A, %swap3A_9], %add3A_8 {strides = array<i32>} : memref<512x576xf32, #tpu.memory_space<vmem>>, vector<512x576xf32>,
    return
  }
  func.func @transform_0(%arg0: i32) -> (i32, i32) {
    %c0_i32 = arith.constant 0 : i32
    %c0_i32_0 = arith.constant 0 : i32
    return %arg0, %c0_i32 : i32, i32
  }
  func.func @transform_1(%arg0: i32) -> (i32, i32) {
    %c0_i32 = arith.constant 0 : i32
    %c0_i32_0 = arith.constant 0 : i32
    return %arg0, %c0_i32 : i32, i32
  }
  func.func @transform_2(%arg0: i32) -> (i32, i32) {
    %c0_i32 = arith.constant 0 : i32
    %c0_i32_0 = arith.constant 0 : i32
    return %arg0, %c0_i32 : i32, i32
  }
  func.func @transform_3(%arg0: i32) -> (i32, i32) {
    %c0_i32 = arith.constant 0 : i32
    %c0_i32_0 = arith.constant 0 : i32
    return %arg0, %c0_i32 : i32, i32
  }
}

</mosaic_0001>

<sc_bundles>
// kernel: kernel.11.cloned.1.call-start
scs
__scs_entry_jumppad:
0x0: {  	(pc) =	sbr.rel $0x88, $3  }
0x1: {  	(tag) =	ssettag $0x0;
	lr =	simm.s32 $0x1  }
0x2: {  	[smem:$0x3F90] =	sst lr;
	_ =	strace $0xD0000000  }
0x3: {  	_ = 	snop  }
0x4: {  	_ = 	snop  }
0x5: {  	_ = 	snop  }
0x6: {  	_ = 	snop  }
0x7: {  	_ = 	snop  }
__scs_overlays_trampoline_lowered:
0x8: {  	[smem:$0x3F9F] =	sst s0  }
0x9: {  	[smem:$0x3FA0] =	sst s1  }
0xa: {  	[smem:$0x3FA1] =	sst s2  }
0xb: {  	[smem:$0x3FA2] =	sst s3  }
0xc: {  	[smem:$0x3FA3] =	sst s4  }
0xd: {  	[smem:$0x3FA4] =	sst s5  }
0xe: {  	[smem:$0x3FA5] =	sst s6  }
0xf: {  	[smem:$0x3FA6] =	sst s7  }
0x10: {  	[smem:$0x3FA7] =	sst s8  }
0x11: {  	[smem:$0x3FA8] =	sst s9;
	s0 =	simm.s32 @!p0 $0x0  }
0x12: {  	s1 =	sld [smem:$0x3F8E];
	s0 =	simm.s32 @p0 $0x1  }
0x13: {  	[smem:$0x3FA9] =	sst s0;
	s0 =	simm.s32 @!p1 $0x0  }
0x14: {  	s2 =	sld [smem:$0x3F8D];
	s0 =	simm.s32 @p1 $0x1  }
0x15: {  	[smem:$0x3FAA] =	sst s0;
	s0 =	simm.s32 @!p2 $0x0  }
0x16: {  	s3 =	sld [smem:$0x3FDB];
	s0 =	simm.s32 @p2 $0x1  }
0x17: {  	s4 =	simm.s32 $0x1BF5;
	[smem:$0x3FAC] =	sst s0  }
0x18: {  	s0 =	sld [smem:$0x3F8F];
	_ =	swait.ge [sflag:s4], $0x0  }
0x19: {  	s7 =	sld [smem:$0x3F90]  }
0x1a: {  	s8 =	sadd.s32 $0xFFFFE003, lr  }
0x1b: {  	s9 =	sadd.s32 $0xFFFFFEF7, lr;
	s5 =	simm.s32 $0xFFFFFFFF;
	p2 =	slt.u32 s8, $0xFFFFF086  }
0x1c: {  	p1 =	slt.u32 s9, $0xF7A;
	s5 =	simm.s32 @!p2 $0x0  }
0x1d: {  	s5 =	simm.s32 @p1 $0x1;
	p0 =	seq.s32 s7, s2  }
0x1e: {  	s7 =	smul.u32 @!p0 $0xF7A, s2;
	p2 =	seq.s32 @!p0 s5, $0x0  }
0x1f: {  	s9 =	smul.u32 $0xF7A, s1;
	s8 =	simm.s32 @!p0 $0x1BF5;
	p2 =	por !p2, p0  }
0x20: {  	[sflag:s8] =	ssyncset.s32 @!p0 $0xFFFFF086;
	s6 =	sadd.s32 @!p0 s3, s7;
	s7 =	simm.s32 @!p0 $0x108  }
0x21: {  	s3 =	sadd.s32 s3, s9;
	s6 =	sadd.s32 @!p0 $0x88, s6;
	s7 =	simm.s32 @p2 $0x1082  }
0x22: {  	[simem:s7], [sflag:s8] =	dma.local @!p0 [hbm:s6], $0xF7A  }
0x23: {  	s9 =	sor.u32 $0xD0000000, s2;
	s6 =	simm.s32 $0x108;
	_ =	swait.ge @!p0 [sflag:s8], $0x0  }
0x24: {  	s3 =	sadd.s32 $0x88, s3;
	s6 =	simm.s32 @!p1 $0x1082;
	[sflag:s4] =	ssyncset.s32 $0xFFFFF086  }
0x25: {  	[simem:s6], [sflag:s4] =	dma.local [hbm:s3], $0xF7A  }
0x26: {  	[smem:$0x3F90] =	sst s1;
	(tag) =	ssettag s2;
	_ =	strace s9  }
0x27: {  	s1 =	sld [smem:$0x3FA0]  }
0x28: {  	s2 =	sld [smem:$0x3FA1]  }
0x29: {  	s4 =	sld [smem:$0x3FA3]  }
0x2a: {  	p0 =	seq.s32 s5, $0x0;
	s5 =	sld [smem:$0x3FA4]  }
0x2b: {  	s6 =	sld [smem:$0x3FA5]  }
0x2c: {  	s7 =	sld [smem:$0x3FA6]  }
0x2d: {  	s3 =	simm.s32 $0x108;
	s8 =	sld [smem:$0x3FA7]  }
0x2e: {  	s3 =	simm.s32 @!p0 $0x1082;
	s9 =	sld [smem:$0x3FA8]  }
0x2f: {  	lr =	sadd.s32 s0, s3;
	s0 =	sld [smem:$0x3F9F]  }
0x30: {  	s3 =	sld [smem:$0x3FA2]  }
0x31: {  	[smem:$0x3FAB] =	sst s10  }
0x32: {  	s10 =	sld [smem:$0x3FA9];
	_ =	sdelay $0x3  }
0x33: {  	p0 =	seq.s32 s10, $0x1;
	s10 =	sld [smem:$0x3FAB];
	_ =	sdelay $0x3  }
0x34: {  	[smem:$0x3FAB] =	sst s10  }
0x35: {  	s10 =	sld [smem:$0x3FAA];
	_ =	sdelay $0x3  }
0x36: {  	p1 =	seq.s32 s10, $0x1;
	s10 =	sld [smem:$0x3FAB];
	_ =	sdelay $0x3  }
0x37: {  	[smem:$0x3FAB] =	sst s10  }
0x38: {  	s10 =	sld [smem:$0x3FAC]  }
0x39: {  	_ = 	snop;
	(pc) =	sbr.ind lr, $3  }
0x3a: {  	_ = 	snop  }
0x3b: {  	_ = 	snop  }
0x3c: {  	p2 =	seq.s32 s10, $0x1;
	s10 =	sld [smem:$0x3FAB]  }
0x3d: {  	_ =	shalt  }
0x3e: {  	_ =	shalt  }
0x3f: {  	_ =	shalt  }
0x40: {  	_ =	shalt  }
0x41: {  	_ =	shalt  }
0x42: {  	_ =	shalt  }
0x43: {  	_ =	shalt  }
0x44: {  	_ =	shalt  }
0x45: {  	_ =	shalt  }
0x46: {  	_ =	shalt  }
0x47: {  	_ =	shalt  }
0x48: {  	_ =	shalt  }
0x49: {  	_ =	shalt  }
0x4a: {  	_ =	shalt  }
0x4b: {  	_ =	shalt  }
0x4c: {  	_ =	shalt  }
0x4d: {  	_ =	shalt  }
0x4e: {  	_ =	shalt  }
0x4f: {  	_ =	shalt  }
0x50: {  	_ =	shalt  }
0x51: {  	_ =	shalt  }
0x52: {  	_ =	shalt  }
0x53: {  	_ =	shalt  }
0x54: {  	_ =	shalt  }
0x55: {  	_ =	shalt  }
0x56: {  	_ =	shalt  }
0x57: {  	_ =	shalt  }
0x58: {  	_ =	shalt  }
0x59: {  	_ =	shalt  }
0x5a: {  	_ =	shalt  }
0x5b: {  	_ =	shalt  }
0x5c: {  	_ =	shalt  }
0x5d: {  	_ =	shalt  }
0x5e: {  	_ =	shalt  }
0x5f: {  	_ =	shalt  }
0x60: {  	_ =	shalt  }
0x61: {  	_ =	shalt  }
0x62: {  	_ =	shalt  }
0x63: {  	_ =	shalt  }
0x64: {  	_ =	shalt  }
0x65: {  	_ =	shalt  }
0x66: {  	_ =	shalt  }
0x67: {  	_ =	shalt  }
0x68: {  	_ =	shalt  }
0x69: {  	_ =	shalt  }
0x6a: {  	_ =	shalt  }
0x6b: {  	_ =	shalt  }
0x6c: {  	_ =	shalt  }
0x6d: {  	_ =	shalt  }
0x6e: {  	_ =	shalt  }
0x6f: {  	_ =	shalt  }
0x70: {  	_ =	shalt  }
0x71: {  	_ =	shalt  }
0x72: {  	_ =	shalt  }
0x73: {  	_ =	shalt  }
0x74: {  	_ =	shalt  }
0x75: {  	_ =	shalt  }
0x76: {  	_ =	shalt  }
0x77: {  	_ =	shalt  }
0x78: {  	_ =	shalt  }
0x79: {  	_ =	shalt  }
0x7a: {  	_ =	shalt  }
0x7b: {  	_ =	shalt  }
0x7c: {  	_ =	shalt  }
0x7d: {  	_ =	shalt  }
0x7e: {  	_ =	shalt  }
0x7f: {  	_ =	shalt  }
0x80: {  	_ =	shalt  }
0x81: {  	_ =	shalt  }
0x82: {  	_ =	shalt  }
0x83: {  	_ =	shalt  }
0x84: {  	_ =	shalt  }
0x85: {  	_ =	shalt  }
0x86: {  	_ =	shalt  }
0x87: {  	_ =	shalt  }
.Lfunc_end0:
.L_simem_size_0:
called_computation_lowered:
.L_overlay_start_0:
0x88: {  	s2 =	sld [smem:$0x3FD9]  }
0x89: {  	s3 =	sld [smem:$0x3FFE];
	_ =	sdelay $0x1  }
0x8a: {  	s1 =	srdreg.scid  }
0x8b: {  	s0 =	sand.u32 $0x1, s1  }
0x8c: {  	s17 =	sshll.u32 s0, $0xA;
	s2 =	sadd.s32 s3, s2  }
0x8d: {  	s2 =	sadd.s32 s2, s17  }
0x8e: {  	[smem:$0x3FB7] =	sst s2  }
0x8f: {  	_ = 	snop  }
0x90: {  	s2 =	sld [smem:$0x3FD0];
	(tm) =	ssettm $0x1  }
0x91: {  	s18 =	sld [smem:$0x3FFB];
	_ =	sdelay $0x3  }
0x92: {  	_ =	strace s18  }
0x93: {  	s3 =	sld [smem:$0x3FFC];
	_ =	sdelay $0x3  }
0x94: {  	_ =	strace s3  }
0x95: {  	s3 =	sld [smem:$0x3FFD];
	_ =	sdelay $0x3  }
0x96: {  	_ =	strace s3  }
0x97: {  	_ =	strace $0x8FFFFFFF  }
0x98: {  	s19 =	sld [smem:$0x3FDB];
	_ =	sdelay $0x1  }
0x99: {  	s4 =	simm.s32 $_scs_section_size  }
0x9a: {  	s5 =	simm.s32 $_size__tile_overlayer_lowered;
	s6 =	simm.s32 $_tile_overlayer_lowered  }
0x9b: {  	s22 =	simm.s32 $0x1BFF;
	s21 =	sshll.u32 s6, $0x1;
	s3 =	sadd.s32 s4, s19  }
0x9c: {  	s7 =	simm.s32 $0x0;
	s20 =	sshll.u32 s5, $0x1;
	s5 =	sadd.s32 s21, s3  }
0x9d: {  	[timem:s7], [sflag:s22] =	dma.local [hbm:s5], s20  }
0x9e: {  	_ =	swait.ge [sflag:s22], s20  }
0x9f: {  	s4 =	ssub.s32 $0x0, s20;
	[sflag:s22] =	ssyncset.done $0x0  }
0xa0: {  	[sflag:s22] =	ssyncadd.s32 s4;
	_ =	sdelay $0x1  }
0xa1: {  	s23 =	simm.s32 $0x1B8B  }
0xa2: {  	_ =	swait.ge [sflag:s23], $0x1  }
0xa3: {  	[sflag:s23] =	ssyncset.done $0x0  }
0xa4: {  	s25 =	simm.s32 $0x1B8E;
	s24 =	sld [smem:$0x3FFE];
	[sflag:s23] =	ssyncadd.s32 $0xFFFFFFFF  }
0xa5: {  	s26 =	simm.s32 $execute0_lowered;
	[smem:$0x3FD2] =	sst s25  }
0xa6: {  	s5 =	sshll.u32 s26, $0x1;
	_ =	strace $0x80000046;
	[dreg:$0x1] =	wrdreg $0xFFFFFFFF  }
0xa7: {  	s28 =	simm.s32 $_size_execute0_lowered;
	s3 =	sadd.s32 s3, s5;
	[dreg:$0x0] =	wrdreg $0x0  }
0xa8: {  	s5 =	sshll.u32 s28, $0x1;
	[dreg:$0x2] =	wrdreg s3  }
0xa9: {  	[dreg:$0x3] =	wrdreg s5  }
0xaa: {  	[dreg:$0x4] =	wrdreg $0xC0  }
0xab: {  	_ =	task [dreg:s7], $0x5FFFF  }
0xac: {  	[dreg:$0x1] =	wrdreg $0xFFFFFFFF  }
0xad: {  	[dreg:$0x0] =	wrdreg $0x60  }
0xae: {  	[dreg:$0x2] =	wrdreg s24  }
0xaf: {  	[dreg:$0x3] =	wrdreg s2  }
0xb0: {  	[dreg:$0x4] =	wrdreg $0x9  }
0xb1: {  	_ =	task.clear_ibuf [dreg:s7], $0x5FFFF;
	_ =	strace $0x90000046  }
0xb2: {  	s29 =	simm.s32 $0x9;
	_ =	strace $0x80000048  }
0xb3: {  	_ =	swait.ge [sflag:s29], $0x1  }
0xb4: {  	[sflag:s29] =	ssyncadd.s32 $0xFFFFFFFF  }
0xb5: {  	_ =	strace $0x90000048  }
0xb6: {  	_ =	sfence  }
0xb7: {  	s30 =	sld [smem:$0x0];
	_ =	sdelay $0x2  }
0xb8: {  	s31 =	sshll.u32 s1, $0xD;
	s1 =	sshrl.u32 s1, $0x2  }
0xb9: {  	s3 =	sand.u32 $0x4000, s31;
	s1 =	sadd.s32 s1, s30  }
0xba: {  	s0 =	sor.u32 s3, s0;
	s1 =	sshll.u32 s1, $0x11  }
0xbb: {  	s0 =	sor.u32 s1, s0  }
0xbc: {  	s0 =	sadd.s32 $0x8F2B, s0  }
0xbd: {  	[sflag:s0] =	ssyncadd.remote.s32 $0x1  }
0xbe: {  	_ =	sfence.sel $0xFFFF  }
0xbf: {  	[dreg:$0x0] =	wrdreg $0xFFFFFFFF;
	(pc) =	sbr.abs _section_cstart, $3  }
0xc0: {  	[dreg:$0x1] =	wrdreg $0xFFFFFFFF  }
0xc1: {  	_ =	task.clear_ibuf [dreg:s7], $0x2FFFF;
	_ =	strace $0x9FFFFFFF  }
0xc2: {  	(tm) =	ssettm $0x7FFFFFFF  }
0xc3: {  	_ =	shalt  }
tec
execute0_lowered:
.L_overlay_start_1:
0x0: {  	(tag) =	ssettag $0x1  }
0x1: {  	s1 =	srdreg.scid;
	s0 =	stileid.u32  }
0x2: {  	s5 =	rddreg [dreg:$0x1];
	s4 =	sand.u32 $0x1, s1;
	s2 =	sshll.u32 s0, $0x1  }
0x3: {  	s1 =	rddreg [dreg:$0x0];
	s3 =	sor.u32 s4, s2;
	s2 =	simm.s32 $0x0  }
0x4: {  	s0 =	simm.s32 $0x900;
	[smem:$0x7FF] =	sst s2  }
0x5: {  	s7 =	simm.s32 $0x1D00;
	_ =	strace $0x80000047;
	[dreg:$0x5] =	wrdreg s0  }
0x6: {  	s8 =	simm.s32 $0x2500;
	[dreg:$0x8] =	wrdreg s7  }
0x7: {  	s9 =	simm.s32 $0x2900;
	[dreg:$0x9] =	wrdreg s8  }
0x8: {  	s10 =	simm.s32 $0x3100;
	[dreg:$0xa] =	wrdreg s9  }
0x9: {  	s11 =	simm.s32 $0x3900;
	[dreg:$0xb] =	wrdreg s10  }
0xa: {  	s12 =	simm.s32 $0x3D00;
	[dreg:$0xc] =	wrdreg s11  }
0xb: {  	s13 =	simm.s32 $0x4500;
	[dreg:$0xd] =	wrdreg s12  }
0xc: {  	s14 =	simm.s32 $0x4D00;
	[dreg:$0xe] =	wrdreg s13  }
0xd: {  	s15 =	simm.s32 $0x5100;
	[dreg:$0xf] =	wrdreg s14  }
0xe: {  	s16 =	simm.s32 $0x5900;
	[dreg:$0x10] =	wrdreg s15  }
0xf: {  	s17 =	simm.s32 $0x6100;
	[dreg:$0x11] =	wrdreg s16  }
0x10: {  	s18 =	simm.s32 $0x6500;
	[dreg:$0x12] =	wrdreg s17  }
0x11: {  	s19 =	simm.s32 $0x6D00;
	[dreg:$0x13] =	wrdreg s18  }
0x12: {  	s20 =	simm.s32 $0x7500;
	[dreg:$0x14] =	wrdreg s19  }
0x13: {  	s21 =	simm.s32 $0x7900;
	[dreg:$0x15] =	wrdreg s20  }
0x14: {  	s22 =	simm.s32 $0x8100;
	[dreg:$0x16] =	wrdreg s21  }
0x15: {  	s23 =	simm.s32 $0x8900;
	[dreg:$0x17] =	wrdreg s22  }
0x16: {  	s24 =	simm.s32 $0x8D00;
	[dreg:$0x18] =	wrdreg s23  }
0x17: {  	s25 =	simm.s32 $0x9500;
	[dreg:$0x19] =	wrdreg s24  }
0x18: {  	[dreg:$0x1a] =	wrdreg s25;
	s0 =	simm.s32 $0xA100  }
0x19: {  	s7 =	simm.s32 $0xB500;
	[dreg:$0x1c] =	wrdreg s0  }
0x1a: {  	s8 =	simm.s32 $0xBD00;
	[dreg:$0x1f] =	wrdreg s7  }
0x1b: {  	s9 =	simm.s32 $0xC500;
	[smem:$0x7EB] =	sst s8  }
0x1c: {  	s10 =	simm.s32 $0xC900;
	[smem:$0x7EC] =	sst s9  }
0x1d: {  	s11 =	simm.s32 $0xD100;
	[smem:$0x7ED] =	sst s10  }
0x1e: {  	s12 =	simm.s32 $0xD900;
	[smem:$0x7EE] =	sst s11  }
0x1f: {  	s13 =	simm.s32 $0xDD00;
	[smem:$0x7EF] =	sst s12  }
0x20: {  	s28 =	simm.s32 $0x1B500;
	s14 =	simm.s32 $0xE500;
	[smem:$0x7F0] =	sst s13  }
0x21: {  	s29 =	simm.s32 $0x1B900;
	s15 =	simm.s32 $0xED00;
	[smem:$0x7F1] =	sst s14  }
0x22: {  	s30 =	simm.s32 $0x1C100;
	s16 =	simm.s32 $0xF100;
	[smem:$0x7F2] =	sst s15  }
0x23: {  	s31 =	simm.s32 $0x1C900;
	s17 =	simm.s32 $0xF900;
	[smem:$0x7F3] =	sst s16  }
0x24: {  	s4 =	ssub.s32 $0x2, s4;
	s18 =	simm.s32 $0x10100;
	[smem:$0x7F4] =	sst s17  }
0x25: {  	s6 =	smul.u32 $0x3980, s3;
	s19 =	simm.s32 $0x10500;
	[smem:$0x7F5] =	sst s18  }
0x26: {  	s3 =	smul.u32 $0x17, s3;
	s21 =	simm.s32 $0x10D00;
	[smem:$0x7F6] =	sst s19  }
0x27: {  	s20 =	sshrl.u32 s4, $0x1;
	s22 =	simm.s32 $0x11500;
	[smem:$0x7F7] =	sst s21  }
0x28: {  	s23 =	simm.s32 $0x12100;
	s24 =	simm.s32 $0x12900;
	[smem:$0x7F8] =	sst s22  }
0x29: {  	s25 =	simm.s32 $0x12D00;
	s6 =	sadd.s32 s6, s1;
	[smem:$0x7FA] =	sst s23  }
0x2a: {  	s3 =	sadd.s32 s5, s3;
	s5 =	simm.s32 $0x1100;
	[smem:$0x7FB] =	sst s24  }
0x2b: {  	s7 =	simm.s32 $0x11900;
	s8 =	simm.s32 $0x100;
	[smem:$0x7FC] =	sst s25  }
0x2c: {  	s10 =	simm.s32 $0x14100;
	s11 =	simm.s32 $0x14900;
	s12 =	simm.s32 $0x15100  }
0x2d: {  	s13 =	simm.s32 $0x15500;
	s14 =	simm.s32 $0x15D00;
	s15 =	simm.s32 $0x16500  }
0x2e: {  	s16 =	simm.s32 $0x16900;
	s17 =	simm.s32 $0x17100;
	s18 =	simm.s32 $0x17900  }
0x2f: {  	s19 =	simm.s32 $0x17D00;
	s21 =	simm.s32 $0x18D00;
	[dreg:$0x3] =	wrdreg s3  }
0x30: {  	s22 =	simm.s32 $0x19100;
	s23 =	simm.s32 $0x19900;
	[dreg:$0x6] =	wrdreg s5  }
0x31: {  	s24 =	simm.s32 $0x1A100;
	s26 =	sadd.s32 $0x51200, s6;
	[smem:$0x7F9] =	sst s7  }
0x32: {  	s25 =	simm.s32 $0x1A500;
	s6 =	simm.s32 $0x1500;
	[dreg:$0x4] =	wrdreg s26  }
0x33: {  	s5 =	simm.s32 $0xA900;
	s3 =	sadd.s32 $0x29200, s1;
	[dreg:$0x7] =	wrdreg s6  }
0x34: {  	s7 =	simm.s32 $0x2;
	s26 =	simm.s32 $0x9D00;
	[dreg:$0x1d] =	wrdreg s5  }
0x35: {  	s6 =	simm.s32 $0xB100;
	s5 =	sadd.s32 $0x29400, s1;
	[dreg:$0x1b] =	wrdreg s26  }
0x36: {  	v2 =	vlaneseq.u32;
	[dreg:$0x1e] =	wrdreg s6;
	s6 =	ssub.s32 s4, s20;
	s4 =	sadd.s32 $0x29300, s1  }
0x37: {  	vm0 =	vmmov $0xffff;
	vm1 =	vmmov $0xff;
	v1 =	vshrl.u32 v2, $0x3;
	s26 =	simm.s32 $0x13500;
	s20 =	simm.s32 $0x18500;
	s1 =	simm.s32 $0x1  }
0x38: {  	v0 =	vand.u32 $0x7, v2;
	v2 =	vor.u32 $0x8, v2;
	v1 =	vmul.u32 $0x8, v1;
	s6 =	smax.u32 s6, $0x1;
	[smem:$0x7FD] =	sst s26;
	s26 =	simm.s32 $0x1AD00  }
.LBB2_1:
0x39: {  	s0 =	rddreg [dreg:$0x3]  }
0x3a: {  	[tilespmem:s2], [sflag:$0x2] =	stream.linear.gather [hbm4b:s0+s2], $0xB8, $0x38;
	[tilespmem:$0x1CD00] =	vst v63  }
0x3b: {  	_ =	swait.ge [sflag:s7], $0xB8  }
0x3c: {  	[sflag:s7] =	ssyncset.done $0x0  }
0x3d: {  	[sflag:s7] =	ssyncadd.s32 $0xFFFFFF48  }
0x3e: {  	v3 =	vld [tilespmem:$0x0];
	_ =	sdelay $0x4  }
0x3f: {  	v4 =	vshrl.u32 v3, $0x3  }
0x40: {  	v4 =	vmul.u32 $0x28, v4  }
0x41: {  	v3 =	vand.u32 $0x7, v3  }
0x42: {  	v3 =	vor.u32 v3, v4  }
0x43: {  	v4 =	vperm.xlane v3, v0;
	_ =	sdelay $0x1  }
0x44: {  	v4 =	vadd.s32 v1, v4;
	_ =	sdelay $0x3  }
0x45: {  	v3 =	vperm.xlane v3, v2  }
0x46: {  	[tilespmem:s8], [sflag:$0x1] =	stream.indirect_vreg.gather [hbm4b:s3+s2], $0x80, v4, vm0, $0xb8;
	[tilespmem:$0x1CD00] =	vst v63  }
0x47: {  	s0 =	rddreg [dreg:$0x5];
	v3 =	vadd.s32 v1, v3  }
0x48: {  	[tilespmem:s0], [sflag:$0x1] =	stream.indirect_vreg.gather [hbm4b:s4+s2], $0x80, v4, vm0, $0xb8;
	[tilespmem:$0x1CD00] =	vst v63  }
0x49: {  	s9 =	rddreg [dreg:$0x6]  }
0x4a: {  	[tilespmem:s9], [sflag:$0x1] =	stream.indirect_vreg.gather [hbm4b:s5+s2], $0x80, v4, vm1, $0xb8;
	[tilespmem:$0x1CD00] =	vst v63  }
0x4b: {  	s0 =	rddreg [dreg:$0x7]  }
0x4c: {  	[tilespmem:s0], [sflag:$0x1] =	stream.indirect_vreg.gather [hbm4b:s3+s2], $0x80, v3, vm0, $0xb8;
	[tilespmem:$0x1CD00] =	vst v63  }
0x4d: {  	s9 =	rddreg [dreg:$0x8]  }
0x4e: {  	[tilespmem:s9], [sflag:$0x1] =	stream.indirect_vreg.gather [hbm4b:s4+s2], $0x80, v3, vm0, $0xb8;
	[tilespmem:$0x1CD00] =	vst v63  }
0x4f: {  	s0 =	rddreg [dreg:$0x9]  }
0x50: {  	[tilespmem:s0], [sflag:$0x1] =	stream.indirect_vreg.gather [hbm4b:s5+s2], $0x80, v3, vm1, $0xb8;
	[tilespmem:$0x1CD00] =	vst v63  }
0x51: {  	v3 =	vld [tilespmem:$0x10];
	_ =	sdelay $0x4  }
0x52: {  	v53 =	vshrl.u32 v3, $0x3  }
0x53: {  	v4 =	vmul.u32 $0x28, v53  }
0x54: {  	v3 =	vand.u32 $0x7, v3  }
0x55: {  	v3 =	vor.u32 v3, v4  }
0x56: {  	v4 =	vperm.xlane v3, v0;
	_ =	sdelay $0x1  }
0x57: {  	v4 =	vadd.s32 v1, v4;
	_ =	sdelay $0x3  }
0x58: {  	s0 =	rddreg [dreg:$0xa];
	v3 =	vperm.xlane v3, v2  }
0x59: {  	[tilespmem:s0], [sflag:$0x1] =	stream.indirect_vreg.gather [hbm4b:s3+s2], $0x80, v4, vm0, $0xb8;
	[tilespmem:$0x1CD00] =	vst v63  }
0x5a: {  	s9 =	rddreg [dreg:$0xb];
	v3 =	vadd.s32 v1, v3  }
0x5b: {  	[tilespmem:s9], [sflag:$0x1] =	stream.indirect_vreg.gather [hbm4b:s4+s2], $0x80, v4, vm0, $0xb8;
	[tilespmem:$0x1CD00] =	vst v63  }
0x5c: {  	s0 =	rddreg [dreg:$0xc]  }
0x5d: {  	[tilespmem:s0], [sflag:$0x1] =	stream.indirect_vreg.gather [hbm4b:s5+s2], $0x80, v4, vm1, $0xb8;
	[tilespmem:$0x1CD00] =	vst v63  }
0x5e: {  	s9 =	rddreg [dreg:$0xd]  }
0x5f: {  	[tilespmem:s9], [sflag:$0x1] =	stream.indirect_vreg.gather [hbm4b:s3+s2], $0x80, v3, vm0, $0xb8;
	[tilespmem:$0x1CD00] =	vst v63  }
0x60: {  	s0 =	rddreg [dreg:$0xe]  }
0x61: {  	[tilespmem:s0], [sflag:$0x1] =	stream.indirect_vreg.gather [hbm4b:s4+s2], $0x80, v3, vm0, $0xb8;
	[tilespmem:$0x1CD00] =	vst v63  }
0x62: {  	s9 =	rddreg [dreg:$0xf]  }
0x63: {  	[tilespmem:s9], [sflag:$0x1] =	stream.indirect_vreg.gather [hbm4b:s5+s2], $0x80, v3, vm1, $0xb8;
	[tilespmem:$0x1CD00] =	vst v63  }
0x64: {  	v3 =	vld [tilespmem:$0x20];
	_ =	sdelay $0x4  }
0x65: {  	v54 =	vshrl.u32 v3, $0x3  }
0x66: {  	v4 =	vmul.u32 $0x28, v54  }
0x67: {  	v3 =	vand.u32 $0x7, v3  }
0x68: {  	v3 =	vor.u32 v3, v4  }
0x69: {  	v4 =	vperm.xlane v3, v0;
	_ =	sdelay $0x1  }
0x6a: {  	v4 =	vadd.s32 v1, v4;
	_ =	sdelay $0x3  }
0x6b: {  	s0 =	rddreg [dreg:$0x10];
	v3 =	vperm.xlane v3, v2  }
0x6c: {  	[tilespmem:s0], [sflag:$0x1] =	stream.indirect_vreg.gather [hbm4b:s3+s2], $0x80, v4, vm0, $0xb8;
	[tilespmem:$0x1CD00] =	vst v63  }
0x6d: {  	s9 =	rddreg [dreg:$0x11];
	v3 =	vadd.s32 v1, v3  }
0x6e: {  	[tilespmem:s9], [sflag:$0x1] =	stream.indirect_vreg.gather [hbm4b:s4+s2], $0x80, v4, vm0, $0xb8;
	[tilespmem:$0x1CD00] =	vst v63  }
0x6f: {  	s0 =	rddreg [dreg:$0x12]  }
0x70: {  	[tilespmem:s0], [sflag:$0x1] =	stream.indirect_vreg.gather [hbm4b:s5+s2], $0x80, v4, vm1, $0xb8;
	[tilespmem:$0x1CD00] =	vst v63  }
0x71: {  	s9 =	rddreg [dreg:$0x13]  }
0x72: {  	[tilespmem:s9], [sflag:$0x1] =	stream.indirect_vreg.gather [hbm4b:s3+s2], $0x80, v3, vm0, $0xb8;
	[tilespmem:$0x1CD00] =	vst v63  }
0x73: {  	s0 =	rddreg [dreg:$0x14]  }
0x74: {  	[tilespmem:s0], [sflag:$0x1] =	stream.indirect_vreg.gather [hbm4b:s4+s2], $0x80, v3, vm0, $0xb8;
	[tilespmem:$0x1CD00] =	vst v63  }
0x75: {  	s9 =	rddreg [dreg:$0x15]  }
0x76: {  	[tilespmem:s9], [sflag:$0x1] =	stream.indirect_vreg.gather [hbm4b:s5+s2], $0x80, v3, vm1, $0xb8;
	[tilespmem:$0x1CD00] =	vst v63  }
0x77: {  	v3 =	vld [tilespmem:$0x30];
	_ =	sdelay $0x4  }
0x78: {  	v55 =	vshrl.u32 v3, $0x3  }
0x79: {  	v4 =	vmul.u32 $0x28, v55  }
0x7a: {  	v3 =	vand.u32 $0x7, v3  }
0x7b: {  	v3 =	vor.u32 v3, v4  }
0x7c: {  	v4 =	vperm.xlane v3, v0;
	_ =	sdelay $0x1  }
0x7d: {  	v4 =	vadd.s32 v1, v4;
	_ =	sdelay $0x3  }
0x7e: {  	s0 =	rddreg [dreg:$0x16];
	v3 =	vperm.xlane v3, v2  }
0x7f: {  	[tilespmem:s0], [sflag:$0x1] =	stream.indirect_vreg.gather [hbm4b:s3+s2], $0x80, v4, vm0, $0xb8;
	[tilespmem:$0x1CD00] =	vst v63  }
0x80: {  	s9 =	rddreg [dreg:$0x17];
	v3 =	vadd.s32 v1, v3  }
0x81: {  	[tilespmem:s9], [sflag:$0x1] =	stream.indirect_vreg.gather [hbm4b:s4+s2], $0x80, v4, vm0, $0xb8;
	[tilespmem:$0x1CD00] =	vst v63  }
0x82: {  	s0 =	rddreg [dreg:$0x18]  }
0x83: {  	[tilespmem:s0], [sflag:$0x1] =	stream.indirect_vreg.gather [hbm4b:s5+s2], $0x80, v4, vm1, $0xb8;
	[tilespmem:$0x1CD00] =	vst v63  }
0x84: {  	s9 =	rddreg [dreg:$0x19]  }
0x85: {  	[tilespmem:s9], [sflag:$0x1] =	stream.indirect_vreg.gather [hbm4b:s3+s2], $0x80, v3, vm0, $0xb8;
	[tilespmem:$0x1CD00] =	vst v63  }
0x86: {  	s0 =	rddreg [dreg:$0x1a]  }
0x87: {  	[tilespmem:s0], [sflag:$0x1] =	stream.indirect_vreg.gather [hbm4b:s4+s2], $0x80, v3, vm0, $0xb8;
	[tilespmem:$0x1CD00] =	vst v63  }
0x88: {  	s9 =	rddreg [dreg:$0x1b]  }
0x89: {  	[tilespmem:s9], [sflag:$0x1] =	stream.indirect_vreg.gather [hbm4b:s5+s2], $0x80, v3, vm1, $0xb8;
	[tilespmem:$0x1CD00] =	vst v63  }
0x8a: {  	v3 =	vld [tilespmem:$0x40];
	_ =	sdelay $0x4  }
0x8b: {  	v56 =	vshrl.u32 v3, $0x3  }
0x8c: {  	v4 =	vmul.u32 $0x28, v56  }
0x8d: {  	v3 =	vand.u32 $0x7, v3  }
0x8e: {  	v3 =	vor.u32 v3, v4  }
0x8f: {  	v4 =	vperm.xlane v3, v0;
	_ =	sdelay $0x1  }
0x90: {  	v4 =	vadd.s32 v1, v4;
	_ =	sdelay $0x2  }
0x91: {  	s0 =	rddreg [dreg:$0x1c]  }
0x92: {  	s9 =	rddreg [dreg:$0x1d];
	v3 =	vperm.xlane v3, v2  }
0x93: {  	[tilespmem:s0], [sflag:$0x1] =	stream.indirect_vreg.gather [hbm4b:s3+s2], $0x80, v4, vm0, $0xb8;
	[tilespmem:$0x1CD00] =	vst v63  }
0x94: {  	v3 =	vadd.s32 v1, v3;
	s0 =	rddreg [dreg:$0x1e]  }
0x95: {  	[tilespmem:s9], [sflag:$0x1] =	stream.indirect_vreg.gather [hbm4b:s4+s2], $0x80, v4, vm0, $0xb8;
	[tilespmem:$0x1CD00] =	vst v63  }
0x96: {  	s9 =	rddreg [dreg:$0x1f]  }
0x97: {  	[tilespmem:s0], [sflag:$0x1] =	stream.indirect_vreg.gather [hbm4b:s5+s2], $0x80, v4, vm1, $0xb8;
	[tilespmem:$0x1CD00] =	vst v63  }
0x98: {  	s0 =	sld [smem:$0x7EB]  }
0x99: {  	[tilespmem:s9], [sflag:$0x1] =	stream.indirect_vreg.gather [hbm4b:s3+s2], $0x80, v3, vm0, $0xb8;
	[tilespmem:$0x1CD00] =	vst v63  }
0x9a: {  	s9 =	sld [smem:$0x7EC]  }
0x9b: {  	[tilespmem:s0], [sflag:$0x1] =	stream.indirect_vreg.gather [hbm4b:s4+s2], $0x80, v3, vm0, $0xb8;
	[tilespmem:$0x1CD00] =	vst v63  }
0x9c: {  	_ = 	snop  }
0x9d: {  	[tilespmem:s9], [sflag:$0x1] =	stream.indirect_vreg.gather [hbm4b:s5+s2], $0x80, v3, vm1, $0xb8;
	[tilespmem:$0x1CD00] =	vst v63  }
0x9e: {  	v3 =	vld [tilespmem:$0x50];
	_ =	sdelay $0x4  }
0x9f: {  	v57 =	vshrl.u32 v3, $0x3  }
0xa0: {  	v4 =	vmul.u32 $0x28, v57  }
0xa1: {  	v3 =	vand.u32 $0x7, v3  }
0xa2: {  	v3 =	vor.u32 v3, v4  }
0xa3: {  	v4 =	vperm.xlane v3, v0;
	_ =	sdelay $0x1  }
0xa4: {  	v4 =	vadd.s32 v1, v4;
	_ =	sdelay $0x1  }
0xa5: {  	s0 =	sld [smem:$0x7ED];
	_ =	sdelay $0x1  }
0xa6: {  	s9 =	sld [smem:$0x7EE];
	v3 =	vperm.xlane v3, v2  }
0xa7: {  	[tilespmem:s0], [sflag:$0x1] =	stream.indirect_vreg.gather [hbm4b:s3+s2], $0x80, v4, vm0, $0xb8;
	[tilespmem:$0x1CD00] =	vst v63  }
0xa8: {  	v3 =	vadd.s32 v1, v3;
	s0 =	sld [smem:$0x7EF]  }
0xa9: {  	[tilespmem:s9], [sflag:$0x1] =	stream.indirect_vreg.gather [hbm4b:s4+s2], $0x80, v4, vm0, $0xb8;
	[tilespmem:$0x1CD00] =	vst v63  }
0xaa: {  	s9 =	sld [smem:$0x7F0]  }
0xab: {  	[tilespmem:s0], [sflag:$0x1] =	stream.indirect_vreg.gather [hbm4b:s5+s2], $0x80, v4, vm1, $0xb8;
	[tilespmem:$0x1CD00] =	vst v63  }
0xac: {  	s0 =	sld [smem:$0x7F1]  }
0xad: {  	[tilespmem:s9], [sflag:$0x1] =	stream.indirect_vreg.gather [hbm4b:s3+s2], $0x80, v3, vm0, $0xb8;
	[tilespmem:$0x1CD00] =	vst v63  }
0xae: {  	s9 =	sld [smem:$0x7F2]  }
0xaf: {  	[tilespmem:s0], [sflag:$0x1] =	stream.indirect_vreg.gather [hbm4b:s4+s2], $0x80, v3, vm0, $0xb8;
	[tilespmem:$0x1CD00] =	vst v63  }
0xb0: {  	_ = 	snop  }
0xb1: {  	[tilespmem:s9], [sflag:$0x1] =	stream.indirect_vreg.gather [hbm4b:s5+s2], $0x80, v3, vm1, $0xb8;
	[tilespmem:$0x1CD00] =	vst v63  }
0xb2: {  	v3 =	vld [tilespmem:$0x60];
	_ =	sdelay $0x4  }
0xb3: {  	v58 =	vshrl.u32 v3, $0x3  }
0xb4: {  	v4 =	vmul.u32 $0x28, v58  }
0xb5: {  	v3 =	vand.u32 $0x7, v3  }
0xb6: {  	v3 =	vor.u32 v3, v4  }
0xb7: {  	v4 =	vperm.xlane v3, v0;
	_ =	sdelay $0x1  }
0xb8: {  	v4 =	vadd.s32 v1, v4;
	_ =	sdelay $0x1  }
0xb9: {  	s0 =	sld [smem:$0x7F3];
	_ =	sdelay $0x1  }
0xba: {  	s9 =	sld [smem:$0x7F4];
	v3 =	vperm.xlane v3, v2  }
0xbb: {  	[tilespmem:s0], [sflag:$0x1] =	stream.indirect_vreg.gather [hbm4b:s3+s2], $0x80, v4, vm0, $0xb8;
	[tilespmem:$0x1CD00] =	vst v63  }
0xbc: {  	v3 =	vadd.s32 v1, v3;
	s0 =	sld [smem:$0x7F5]  }
0xbd: {  	[tilespmem:s9], [sflag:$0x1] =	stream.indirect_vreg.gather [hbm4b:s4+s2], $0x80, v4, vm0, $0xb8;
	[tilespmem:$0x1CD00] =	vst v63  }
0xbe: {  	s9 =	sld [smem:$0x7F6]  }
0xbf: {  	[tilespmem:s0], [sflag:$0x1] =	stream.indirect_vreg.gather [hbm4b:s5+s2], $0x80, v4, vm1, $0xb8;
	[tilespmem:$0x1CD00] =	vst v63  }
0xc0: {  	s0 =	sld [smem:$0x7F7]  }
0xc1: {  	[tilespmem:s9], [sflag:$0x1] =	stream.indirect_vreg.gather [hbm4b:s3+s2], $0x80, v3, vm0, $0xb8;
	[tilespmem:$0x1CD00] =	vst v63  }
0xc2: {  	s9 =	sld [smem:$0x7F8]  }
0xc3: {  	[tilespmem:s0], [sflag:$0x1] =	stream.indirect_vreg.gather [hbm4b:s4+s2], $0x80, v3, vm0, $0xb8;
	[tilespmem:$0x1CD00] =	vst v63  }
0xc4: {  	_ = 	snop  }
0xc5: {  	[tilespmem:s9], [sflag:$0x1] =	stream.indirect_vreg.gather [hbm4b:s5+s2], $0x80, v3, vm1, $0xb8;
	[tilespmem:$0x1CD00] =	vst v63  }
0xc6: {  	v3 =	vld [tilespmem:$0x70];
	_ =	sdelay $0x4  }
0xc7: {  	v59 =	vshrl.u32 v3, $0x3  }
0xc8: {  	v4 =	vmul.u32 $0x28, v59  }
0xc9: {  	v3 =	vand.u32 $0x7, v3  }
0xca: {  	v3 =	vor.u32 v3, v4  }
0xcb: {  	v4 =	vperm.xlane v3, v0;
	_ =	sdelay $0x1  }
0xcc: {  	v4 =	vadd.s32 v1, v4;
	_ =	sdelay $0x1  }
0xcd: {  	s0 =	sld [smem:$0x7F9];
	_ =	sdelay $0x1  }
0xce: {  	s9 =	sld [smem:$0x7FA];
	v3 =	vperm.xlane v3, v2  }
0xcf: {  	[tilespmem:s0], [sflag:$0x1] =	stream.indirect_vreg.gather [hbm4b:s3+s2], $0x80, v4, vm0, $0xb8;
	[tilespmem:$0x1CD00] =	vst v63  }
0xd0: {  	v3 =	vadd.s32 v1, v3;
	s0 =	sld [smem:$0x7FB]  }
0xd1: {  	[tilespmem:s9], [sflag:$0x1] =	stream.indirect_vreg.gather [hbm4b:s4+s2], $0x80, v4, vm0, $0xb8;
	[tilespmem:$0x1CD00] =	vst v63  }
0xd2: {  	s9 =	sld [smem:$0x7FC]  }
0xd3: {  	[tilespmem:s0], [sflag:$0x1] =	stream.indirect_vreg.gather [hbm4b:s5+s2], $0x80, v4, vm1, $0xb8;
	[tilespmem:$0x1CD00] =	vst v63  }
0xd4: {  	s0 =	sld [smem:$0x7FD]  }
0xd5: {  	[tilespmem:s9], [sflag:$0x1] =	stream.indirect_vreg.gather [hbm4b:s3+s2], $0x80, v3, vm0, $0xb8;
	[tilespmem:$0x1CD00] =	vst v63  }
0xd6: {  	_ = 	snop  }
0xd7: {  	[tilespmem:s0], [sflag:$0x1] =	stream.indirect_vreg.gather [hbm4b:s4+s2], $0x80, v3, vm0, $0xb8;
	[tilespmem:$0x1CD00] =	vst v63  }
0xd8: {  	s9 =	simm.s32 $0x13D00  }
0xd9: {  	[tilespmem:s9], [sflag:$0x1] =	stream.indirect_vreg.gather [hbm4b:s5+s2], $0x80, v3, vm1, $0xb8;
	[tilespmem:$0x1CD00] =	vst v63  }
0xda: {  	v3 =	vld [tilespmem:$0x80];
	_ =	sdelay $0x4  }
0xdb: {  	v60 =	vshrl.u32 v3, $0x3  }
0xdc: {  	v4 =	vmul.u32 $0x28, v60  }
0xdd: {  	v3 =	vand.u32 $0x7, v3  }
0xde: {  	v3 =	vor.u32 v3, v4  }
0xdf: {  	v4 =	vperm.xlane v3, v0;
	_ =	sdelay $0x1  }
0xe0: {  	v4 =	vadd.s32 v1, v4;
	_ =	sdelay $0x3  }
0xe1: {  	v3 =	vperm.xlane v3, v2  }
0xe2: {  	[tilespmem:s10], [sflag:$0x1] =	stream.indirect_vreg.gather [hbm4b:s3+s2], $0x80, v4, vm0, $0xb8;
	[tilespmem:$0x1CD00] =	vst v63  }
0xe3: {  	v3 =	vadd.s32 v1, v3  }
0xe4: {  	[tilespmem:s11], [sflag:$0x1] =	stream.indirect_vreg.gather [hbm4b:s4+s2], $0x80, v4, vm0, $0xb8;
	[tilespmem:$0x1CD00] =	vst v63  }
0xe5: {  	_ = 	snop  }
0xe6: {  	[tilespmem:s12], [sflag:$0x1] =	stream.indirect_vreg.gather [hbm4b:s5+s2], $0x80, v4, vm1, $0xb8;
	[tilespmem:$0x1CD00] =	vst v63  }
0xe7: {  	_ = 	snop  }
0xe8: {  	[tilespmem:s13], [sflag:$0x1] =	stream.indirect_vreg.gather [hbm4b:s3+s2], $0x80, v3, vm0, $0xb8;
	[tilespmem:$0x1CD00] =	vst v63  }
0xe9: {  	_ = 	snop  }
0xea: {  	[tilespmem:s14], [sflag:$0x1] =	stream.indirect_vreg.gather [hbm4b:s4+s2], $0x80, v3, vm0, $0xb8;
	[tilespmem:$0x1CD00] =	vst v63  }
0xeb: {  	_ = 	snop  }
0xec: {  	[tilespmem:s15], [sflag:$0x1] =	stream.indirect_vreg.gather [hbm4b:s5+s2], $0x80, v3, vm1, $0xb8;
	[tilespmem:$0x1CD00] =	vst v63  }
0xed: {  	v3 =	vld [tilespmem:$0x90];
	_ =	sdelay $0x4  }
0xee: {  	v61 =	vshrl.u32 v3, $0x3  }
0xef: {  	v4 =	vmul.u32 $0x28, v61  }
0xf0: {  	v3 =	vand.u32 $0x7, v3  }
0xf1: {  	v3 =	vor.u32 v3, v4  }
0xf2: {  	v4 =	vperm.xlane v3, v0;
	_ =	sdelay $0x1  }
0xf3: {  	v4 =	vadd.s32 v1, v4;
	_ =	sdelay $0x3  }
0xf4: {  	v3 =	vperm.xlane v3, v2  }
0xf5: {  	[tilespmem:s16], [sflag:$0x1] =	stream.indirect_vreg.gather [hbm4b:s3+s2], $0x80, v4, vm0, $0xb8;
	[tilespmem:$0x1CD00] =	vst v63  }
0xf6: {  	v3 =	vadd.s32 v1, v3  }
0xf7: {  	[tilespmem:s17], [sflag:$0x1] =	stream.indirect_vreg.gather [hbm4b:s4+s2], $0x80, v4, vm0, $0xb8;
	[tilespmem:$0x1CD00] =	vst v63  }
0xf8: {  	_ = 	snop  }
0xf9: {  	[tilespmem:s18], [sflag:$0x1] =	stream.indirect_vreg.gather [hbm4b:s5+s2], $0x80, v4, vm1, $0xb8;
	[tilespmem:$0x1CD00] =	vst v63  }
0xfa: {  	_ = 	snop  }
0xfb: {  	[tilespmem:s19], [sflag:$0x1] =	stream.indirect_vreg.gather [hbm4b:s3+s2], $0x80, v3, vm0, $0xb8;
	[tilespmem:$0x1CD00] =	vst v63  }
0xfc: {  	_ = 	snop  }
0xfd: {  	[tilespmem:s20], [sflag:$0x1] =	stream.indirect_vreg.gather [hbm4b:s4+s2], $0x80, v3, vm0, $0xb8;
	[tilespmem:$0x1CD00] =	vst v63  }
0xfe: {  	_ = 	snop  }
0xff: {  	[tilespmem:s21], [sflag:$0x1] =	stream.indirect_vreg.gather [hbm4b:s5+s2], $0x80, v3, vm1, $0xb8;
	[tilespmem:$0x1CD00] =	vst v63  }
0x100: {  	v3 =	vld [tilespmem:$0xA0];
	_ =	sdelay $0x4  }
0x101: {  	v62 =	vshrl.u32 v3, $0x3  }
0x102: {  	v4 =	vmul.u32 $0x28, v62  }
0x103: {  	v3 =	vand.u32 $0x7, v3  }
0x104: {  	v3 =	vor.u32 v3, v4  }
0x105: {  	v4 =	vperm.xlane v3, v0;
	_ =	sdelay $0x1  }
0x106: {  	v4 =	vadd.s32 v1, v4;
	_ =	sdelay $0x3  }
0x107: {  	v3 =	vperm.xlane v3, v2  }
0x108: {  	[tilespmem:s22], [sflag:$0x1] =	stream.indirect_vreg.gather [hbm4b:s3+s2], $0x80, v4, vm0, $0xb8;
	[tilespmem:$0x1CD00] =	vst v63  }
0x109: {  	v3 =	vadd.s32 v1, v3  }
0x10a: {  	[tilespmem:s23], [sflag:$0x1] =	stream.indirect_vreg.gather [hbm4b:s4+s2], $0x80, v4, vm0, $0xb8;
	[tilespmem:$0x1CD00] =	vst v63  }
0x10b: {  	_ = 	snop  }
0x10c: {  	[tilespmem:s24], [sflag:$0x1] =	stream.indirect_vreg.gather [hbm4b:s5+s2], $0x80, v4, vm1, $0xb8;
	[tilespmem:$0x1CD00] =	vst v63  }
0x10d: {  	_ = 	snop  }
0x10e: {  	[tilespmem:s25], [sflag:$0x1] =	stream.indirect_vreg.gather [hbm4b:s3+s2], $0x80, v3, vm0, $0xb8;
	[tilespmem:$0x1CD00] =	vst v63  }
0x10f: {  	_ = 	snop  }
0x110: {  	[tilespmem:s26], [sflag:$0x1] =	stream.indirect_vreg.gather [hbm4b:s4+s2], $0x80, v3, vm0, $0xb8;
	[tilespmem:$0x1CD00] =	vst v63  }
0x111: {  	_ = 	snop  }
0x112: {  	[tilespmem:s28], [sflag:$0x1] =	stream.indirect_vreg.gather [hbm4b:s5+s2], $0x80, v3, vm1, $0xb8;
	[tilespmem:$0x1CD00] =	vst v63  }
0x113: {  	v3 =	vld.msk [tilespmem:$0xB0], $0xff;
	_ =	sdelay $0x4  }
0x114: {  	v63 =	vshrl.u32 v3, $0x3  }
0x115: {  	v4 =	vmul.u32 $0x28, v63  }
0x116: {  	v3 =	vand.u32 $0x7, v3  }
0x117: {  	v3 =	vor.u32 v3, v4  }
0x118: {  	v3 =	vperm.xlane v3, v0;
	_ =	sdelay $0x1  }
0x119: {  	v3 =	vadd.s32 v1, v3;
	_ =	sdelay $0x4  }
0x11a: {  	[tilespmem:s29], [sflag:$0x1] =	stream.indirect_vreg.gather [hbm4b:s3+s2], $0x80, v3, vm0, $0xb8;
	[tilespmem:$0x1CD00] =	vst v63  }
0x11b: {  	_ = 	snop  }
0x11c: {  	[tilespmem:s30], [sflag:$0x1] =	stream.indirect_vreg.gather [hbm4b:s4+s2], $0x80, v3, vm0, $0xb8;
	[tilespmem:$0x1CD00] =	vst v63  }
0x11d: {  	_ = 	snop  }
0x11e: {  	[tilespmem:s31], [sflag:$0x1] =	stream.indirect_vreg.gather [hbm4b:s5+s2], $0x80, v3, vm1, $0xb8;
	[tilespmem:$0x1CD00] =	vst v63  }
0x11f: {  	_ =	swait.ge [sflag:s1], $0x1CC00  }
0x120: {  	p0 =	sne.s32 s6, $0x1;
	[sflag:s1] =	ssyncset.done $0x0  }
.Ltmp0:
0x121: {  	s9 =	rddreg [dreg:$0x4];
	[sflag:s1] =	ssyncadd.s32 $0xFFFE3400;
	(pc) =	sbr.rel @p0 .LBB2_1-.Ltmp0, $4  }
0x122: {  	[hbm4b:s9+s2] =	stream.linear.scatter [tilespmem:s8], [sflag:$0x2], $0x1CC00, $0x38;
	[tilespmem:$0x1CD00] =	vst v63  }
0x123: {  	_ =	swait.ge [sflag:s7], $0x1CC00  }
0x124: {  	[sflag:s7] =	ssyncset.done $0x0  }
0x125: {  	s6 =	sadd.s32 $0xFFFFFFFF, s6;
	[sflag:s7] =	ssyncadd.s32 $0xFFFE3400  }
0x126: {  	_ =	sfence.sel $0x180000  }
0x127: {  	[bflag:$0x0] =	sbarrier.arrive $0xFFFF  }
0x128: {  	_ =	strace $0x90000047  }
0x129: {  	s0 =	stileid.u32;
	[bflag:$0x2] =	sbarrier.arrive $0xFFFF  }
0x12a: {  	p0 =	sne.s32 s0, $0x0;
	s0 =	rddreg [dreg:$0x2]  }
0x12b: {  	s0 =	sadd.s32 @!p0 $0x100000, s0  }
0x12c: {  	[sflag:s0] =	ssyncadd.tile.s32 @!p0 $0x1;
	_ =	shalt  }
.Lfunc_end2:
_tile_overlayer_lowered:
.L_overlay_start_2:
0x12d: {  	(tag) =	ssettag $0x2  }
0x12e: {  	s0 =	rddreg [dreg:$0x0];
	s2 =	stileid.u32  }
0x12f: {  	s1 =	rddreg [dreg:$0x1];
	p0 =	sne.s32 s2, $0x0  }
0x130: {  	s3 =	rddreg [dreg:$0x2];
	[bflag:$0x3] =	sbarrier.arrive $0xFFFF;
	s2 =	simm.s32 @!p0 $0x1C02  }
0x131: {  	[timem:s3], [sflag:s2] =	dma.local @!p0 [hbm:s0], s1  }
0x132: {  	s0 =	simm.s32 @!p0 $0x2  }
0x133: {  	_ =	swait.ge @!p0 [sflag:s0], s1  }
0x134: {  	s1 =	ssub.s32 @!p0 $0x0, s1;
	[sflag:s0] =	ssyncset.done @!p0 $0x0  }
0x135: {  	[sflag:s0] =	ssyncadd.s32 @!p0 s1  }
0x136: {  	[bflag:$0x3] =	sbarrier.arrive $0xFFFF  }
0x137: {  	_ =	shalt  }

// kernel: kernel.14.cloned.1.call-start
scs
__scs_entry_jumppad:
0x0: {  	(pc) =	sbr.rel $0x88, $3  }
0x1: {  	(tag) =	ssettag $0x0;
	lr =	simm.s32 $0x1  }
0x2: {  	[smem:$0x3F90] =	sst lr;
	_ =	strace $0xD0000000  }
0x3: {  	_ = 	snop  }
0x4: {  	_ = 	snop  }
0x5: {  	_ = 	snop  }
0x6: {  	_ = 	snop  }
0x7: {  	_ = 	snop  }
__scs_overlays_trampoline_lowered:
0x8: {  	[smem:$0x3F9F] =	sst s0  }
0x9: {  	[smem:$0x3FA0] =	sst s1  }
0xa: {  	[smem:$0x3FA1] =	sst s2  }
0xb: {  	[smem:$0x3FA2] =	sst s3  }
0xc: {  	[smem:$0x3FA3] =	sst s4  }
0xd: {  	[smem:$0x3FA4] =	sst s5  }
0xe: {  	[smem:$0x3FA5] =	sst s6  }
0xf: {  	[smem:$0x3FA6] =	sst s7  }
0x10: {  	[smem:$0x3FA7] =	sst s8  }
0x11: {  	[smem:$0x3FA8] =	sst s9;
	s0 =	simm.s32 @!p0 $0x0  }
0x12: {  	s1 =	sld [smem:$0x3F8E];
	s0 =	simm.s32 @p0 $0x1  }
0x13: {  	[smem:$0x3FA9] =	sst s0;
	s0 =	simm.s32 @!p1 $0x0  }
0x14: {  	s2 =	sld [smem:$0x3F8D];
	s0 =	simm.s32 @p1 $0x1  }
0x15: {  	[smem:$0x3FAA] =	sst s0;
	s0 =	simm.s32 @!p2 $0x0  }
0x16: {  	s3 =	sld [smem:$0x3FDB];
	s0 =	simm.s32 @p2 $0x1  }
0x17: {  	s4 =	simm.s32 $0x1BF5;
	[smem:$0x3FAC] =	sst s0  }
0x18: {  	s0 =	sld [smem:$0x3F8F];
	_ =	swait.ge [sflag:s4], $0x0  }
0x19: {  	s7 =	sld [smem:$0x3F90]  }
0x1a: {  	s8 =	sadd.s32 $0xFFFFE003, lr  }
0x1b: {  	s9 =	sadd.s32 $0xFFFFFEF7, lr;
	s5 =	simm.s32 $0xFFFFFFFF;
	p2 =	slt.u32 s8, $0xFFFFF086  }
0x1c: {  	p1 =	slt.u32 s9, $0xF7A;
	s5 =	simm.s32 @!p2 $0x0  }
0x1d: {  	s5 =	simm.s32 @p1 $0x1;
	p0 =	seq.s32 s7, s2  }
0x1e: {  	s7 =	smul.u32 @!p0 $0xF7A, s2;
	p2 =	seq.s32 @!p0 s5, $0x0  }
0x1f: {  	s9 =	smul.u32 $0xF7A, s1;
	s8 =	simm.s32 @!p0 $0x1BF5;
	p2 =	por !p2, p0  }
0x20: {  	[sflag:s8] =	ssyncset.s32 @!p0 $0xFFFFF086;
	s6 =	sadd.s32 @!p0 s3, s7;
	s7 =	simm.s32 @!p0 $0x108  }
0x21: {  	s3 =	sadd.s32 s3, s9;
	s6 =	sadd.s32 @!p0 $0x88, s6;
	s7 =	simm.s32 @p2 $0x1082  }
0x22: {  	[simem:s7], [sflag:s8] =	dma.local @!p0 [hbm:s6], $0xF7A  }
0x23: {  	s9 =	sor.u32 $0xD0000000, s2;
	s6 =	simm.s32 $0x108;
	_ =	swait.ge @!p0 [sflag:s8], $0x0  }
0x24: {  	s3 =	sadd.s32 $0x88, s3;
	s6 =	simm.s32 @!p1 $0x1082;
	[sflag:s4] =	ssyncset.s32 $0xFFFFF086  }
0x25: {  	[simem:s6], [sflag:s4] =	dma.local [hbm:s3], $0xF7A  }
0x26: {  	[smem:$0x3F90] =	sst s1;
	(tag) =	ssettag s2;
	_ =	strace s9  }
0x27: {  	s1 =	sld [smem:$0x3FA0]  }
0x28: {  	s2 =	sld [smem:$0x3FA1]  }
0x29: {  	s4 =	sld [smem:$0x3FA3]  }
0x2a: {  	p0 =	seq.s32 s5, $0x0;
	s5 =	sld [smem:$0x3FA4]  }
0x2b: {  	s6 =	sld [smem:$0x3FA5]  }
0x2c: {  	s7 =	sld [smem:$0x3FA6]  }
0x2d: {  	s3 =	simm.s32 $0x108;
	s8 =	sld [smem:$0x3FA7]  }
0x2e: {  	s3 =	simm.s32 @!p0 $0x1082;
	s9 =	sld [smem:$0x3FA8]  }
0x2f: {  	lr =	sadd.s32 s0, s3;
	s0 =	sld [smem:$0x3F9F]  }
0x30: {  	s3 =	sld [smem:$0x3FA2]  }
0x31: {  	[smem:$0x3FAB] =	sst s10  }
0x32: {  	s10 =	sld [smem:$0x3FA9];
	_ =	sdelay $0x3  }
0x33: {  	p0 =	seq.s32 s10, $0x1;
	s10 =	sld [smem:$0x3FAB];
	_ =	sdelay $0x3  }
0x34: {  	[smem:$0x3FAB] =	sst s10  }
0x35: {  	s10 =	sld [smem:$0x3FAA];
	_ =	sdelay $0x3  }
0x36: {  	p1 =	seq.s32 s10, $0x1;
	s10 =	sld [smem:$0x3FAB];
	_ =	sdelay $0x3  }
0x37: {  	[smem:$0x3FAB] =	sst s10  }
0x38: {  	s10 =	sld [smem:$0x3FAC]  }
0x39: {  	_ = 	snop;
	(pc) =	sbr.ind lr, $3  }
0x3a: {  	_ = 	snop  }
0x3b: {  	_ = 	snop  }
0x3c: {  	p2 =	seq.s32 s10, $0x1;
	s10 =	sld [smem:$0x3FAB]  }
0x3d: {  	_ =	shalt  }
0x3e: {  	_ =	shalt  }
0x3f: {  	_ =	shalt  }
0x40: {  	_ =	shalt  }
0x41: {  	_ =	shalt  }
0x42: {  	_ =	shalt  }
0x43: {  	_ =	shalt  }
0x44: {  	_ =	shalt  }
0x45: {  	_ =	shalt  }
0x46: {  	_ =	shalt  }
0x47: {  	_ =	shalt  }
0x48: {  	_ =	shalt  }
0x49: {  	_ =	shalt  }
0x4a: {  	_ =	shalt  }
0x4b: {  	_ =	shalt  }
0x4c: {  	_ =	shalt  }
0x4d: {  	_ =	shalt  }
0x4e: {  	_ =	shalt  }
0x4f: {  	_ =	shalt  }
0x50: {  	_ =	shalt  }
0x51: {  	_ =	shalt  }
0x52: {  	_ =	shalt  }
0x53: {  	_ =	shalt  }
0x54: {  	_ =	shalt  }
0x55: {  	_ =	shalt  }
0x56: {  	_ =	shalt  }
0x57: {  	_ =	shalt  }
0x58: {  	_ =	shalt  }
0x59: {  	_ =	shalt  }
0x5a: {  	_ =	shalt  }
0x5b: {  	_ =	shalt  }
0x5c: {  	_ =	shalt  }
0x5d: {  	_ =	shalt  }
0x5e: {  	_ =	shalt  }
0x5f: {  	_ =	shalt  }
0x60: {  	_ =	shalt  }
0x61: {  	_ =	shalt  }
0x62: {  	_ =	shalt  }
0x63: {  	_ =	shalt  }
0x64: {  	_ =	shalt  }
0x65: {  	_ =	shalt  }
0x66: {  	_ =	shalt  }
0x67: {  	_ =	shalt  }
0x68: {  	_ =	shalt  }
0x69: {  	_ =	shalt  }
0x6a: {  	_ =	shalt  }
0x6b: {  	_ =	shalt  }
0x6c: {  	_ =	shalt  }
0x6d: {  	_ =	shalt  }
0x6e: {  	_ =	shalt  }
0x6f: {  	_ =	shalt  }
0x70: {  	_ =	shalt  }
0x71: {  	_ =	shalt  }
0x72: {  	_ =	shalt  }
0x73: {  	_ =	shalt  }
0x74: {  	_ =	shalt  }
0x75: {  	_ =	shalt  }
0x76: {  	_ =	shalt  }
0x77: {  	_ =	shalt  }
0x78: {  	_ =	shalt  }
0x79: {  	_ =	shalt  }
0x7a: {  	_ =	shalt  }
0x7b: {  	_ =	shalt  }
0x7c: {  	_ =	shalt  }
0x7d: {  	_ =	shalt  }
0x7e: {  	_ =	shalt  }
0x7f: {  	_ =	shalt  }
0x80: {  	_ =	shalt  }
0x81: {  	_ =	shalt  }
0x82: {  	_ =	shalt  }
0x83: {  	_ =	shalt  }
0x84: {  	_ =	shalt  }
0x85: {  	_ =	shalt  }
0x86: {  	_ =	shalt  }
0x87: {  	_ =	shalt  }
.Lfunc_end0:
.L_simem_size_0:
called_computation.1_lowered:
.L_overlay_start_0:
0x88: {  	s2 =	sld [smem:$0x3FD9]  }
0x89: {  	s3 =	sld [smem:$0x3FFE];
	_ =	sdelay $0x1  }
0x8a: {  	s1 =	srdreg.scid  }
0x8b: {  	s0 =	sand.u32 $0x1, s1  }
0x8c: {  	s16 =	sshll.u32 s0, $0xA;
	s2 =	sadd.s32 s3, s2  }
0x8d: {  	s2 =	sadd.s32 s2, s16  }
0x8e: {  	[smem:$0x3FB7] =	sst s2  }
0x8f: {  	_ = 	snop  }
0x90: {  	(tm) =	ssettm $0x1  }
0x91: {  	s17 =	sld [smem:$0x3FFB];
	_ =	sdelay $0x3  }
0x92: {  	_ =	strace s17  }
0x93: {  	s2 =	sld [smem:$0x3FFC];
	_ =	sdelay $0x3  }
0x94: {  	_ =	strace s2  }
0x95: {  	s2 =	sld [smem:$0x3FFD];
	_ =	sdelay $0x3  }
0x96: {  	_ =	strace s2  }
0x97: {  	_ =	strace $0x8FFFFFFF  }
0x98: {  	s18 =	sld [smem:$0x3FDB];
	_ =	sdelay $0x1  }
0x99: {  	s19 =	simm.s32 $_scs_section_size  }
0x9a: {  	s4 =	simm.s32 $_size__tile_overlayer_lowered;
	s5 =	simm.s32 $_tile_overlayer_lowered  }
0x9b: {  	s22 =	simm.s32 $0x1BFF;
	s21 =	sshll.u32 s5, $0x1;
	s2 =	sadd.s32 s19, s18  }
0x9c: {  	s6 =	simm.s32 $0x0;
	s20 =	sshll.u32 s4, $0x1;
	s4 =	sadd.s32 s21, s2  }
0x9d: {  	[timem:s6], [sflag:s22] =	dma.local [hbm:s4], s20  }
0x9e: {  	_ =	swait.ge [sflag:s22], s20  }
0x9f: {  	s3 =	ssub.s32 $0x0, s20;
	[sflag:s22] =	ssyncset.done $0x0  }
0xa0: {  	[sflag:s22] =	ssyncadd.s32 s3;
	_ =	sdelay $0x1  }
0xa1: {  	s23 =	simm.s32 $0x1B8B  }
0xa2: {  	_ =	swait.ge [sflag:s23], $0x1  }
0xa3: {  	[sflag:s23] =	ssyncset.done $0x0  }
0xa4: {  	s25 =	simm.s32 $0x1B8E;
	s24 =	sld [smem:$0x3FFE];
	[sflag:s23] =	ssyncadd.s32 $0xFFFFFFFF  }
0xa5: {  	s26 =	simm.s32 $execute0_lowered;
	[smem:$0x3FD2] =	sst s25  }
0xa6: {  	s4 =	sshll.u32 s26, $0x1;
	_ =	strace $0x80000049;
	[dreg:$0x1] =	wrdreg $0xFFFFFFFF  }
0xa7: {  	s28 =	simm.s32 $_size_execute0_lowered;
	s2 =	sadd.s32 s2, s4;
	[dreg:$0x0] =	wrdreg $0x0  }
0xa8: {  	s4 =	sshll.u32 s28, $0x1;
	[dreg:$0x2] =	wrdreg s2  }
0xa9: {  	[dreg:$0x3] =	wrdreg s4  }
0xaa: {  	[dreg:$0x4] =	wrdreg $0xC0  }
0xab: {  	_ =	task [dreg:s6], $0x5FFFF  }
0xac: {  	[dreg:$0x1] =	wrdreg $0xFFFFFFFF  }
0xad: {  	[dreg:$0x0] =	wrdreg $0x60  }
0xae: {  	[dreg:$0x2] =	wrdreg s24  }
0xaf: {  	[dreg:$0x3] =	wrdreg $0x9  }
0xb0: {  	_ =	task.clear_ibuf [dreg:s6], $0x4FFFF;
	_ =	strace $0x90000049  }
0xb1: {  	s29 =	simm.s32 $0x9;
	_ =	strace $0x8000004B  }
0xb2: {  	_ =	swait.ge [sflag:s29], $0x1  }
0xb3: {  	[sflag:s29] =	ssyncadd.s32 $0xFFFFFFFF  }
0xb4: {  	_ =	strace $0x9000004B  }
0xb5: {  	_ =	sfence  }
0xb6: {  	s30 =	sld [smem:$0x0];
	_ =	sdelay $0x2  }
0xb7: {  	s31 =	sshll.u32 s1, $0xD;
	s1 =	sshrl.u32 s1, $0x2  }
0xb8: {  	s3 =	sand.u32 $0x4000, s31;
	s1 =	sadd.s32 s1, s30  }
0xb9: {  	s0 =	sor.u32 s3, s0;
	s1 =	sshll.u32 s1, $0x11  }
0xba: {  	s0 =	sor.u32 s1, s0  }
0xbb: {  	s0 =	sadd.s32 $0x8F2B, s0  }
0xbc: {  	[sflag:s0] =	ssyncadd.remote.s32 $0x1  }
0xbd: {  	_ =	sfence.sel $0xFFFF  }
0xbe: {  	[dreg:$0x0] =	wrdreg $0xFFFFFFFF;
	(pc) =	sbr.abs _section_cstart, $3  }
0xbf: {  	[dreg:$0x1] =	wrdreg $0xFFFFFFFF  }
0xc0: {  	_ =	task.clear_ibuf [dreg:s6], $0x2FFFF;
	_ =	strace $0x9FFFFFFF  }
0xc1: {  	(tm) =	ssettm $0x7FFFFFFF  }
tec
execute0_lowered:
.L_overlay_start_1:
0x0: {  	(tag) =	ssettag $0x1  }
0x1: {  	s1 =	srdreg.scid  }
0x2: {  	s2 =	simm.s32 $0x0;
	s4 =	sand.u32 $0x1, s1;
	s1 =	rddreg [dreg:$0x0]  }
0x3: {  	s24 =	simm.s32 $0x80;
	[smem:$0x7FF] =	sst s2  }
0x4: {  	s25 =	simm.s32 $0x900;
	_ =	strace $0x8000004A;
	[dreg:$0x6] =	wrdreg s24  }
0x5: {  	s0 =	stileid.u32;
	s26 =	simm.s32 $0x1100;
	[dreg:$0x7] =	wrdreg s25  }
0x6: {  	s3 =	sshll.u32 s0, $0x4;
	s0 =	simm.s32 $0x1500;
	[dreg:$0x8] =	wrdreg s26  }
0x7: {  	s7 =	simm.s32 $0x2900;
	[dreg:$0x9] =	wrdreg s0  }
0x8: {  	s8 =	simm.s32 $0x3100;
	[dreg:$0xc] =	wrdreg s7  }
0x9: {  	s9 =	simm.s32 $0x3900;
	[dreg:$0xd] =	wrdreg s8  }
0xa: {  	s10 =	simm.s32 $0x3D00;
	[dreg:$0xe] =	wrdreg s9  }
0xb: {  	s11 =	simm.s32 $0x4500;
	[dreg:$0xf] =	wrdreg s10  }
0xc: {  	s12 =	simm.s32 $0x4D00;
	[dreg:$0x10] =	wrdreg s11  }
0xd: {  	s13 =	simm.s32 $0x5100;
	[dreg:$0x11] =	wrdreg s12  }
0xe: {  	s14 =	simm.s32 $0x5900;
	[dreg:$0x12] =	wrdreg s13  }
0xf: {  	s15 =	simm.s32 $0x6100;
	[dreg:$0x13] =	wrdreg s14  }
0x10: {  	s16 =	simm.s32 $0x6500;
	[dreg:$0x14] =	wrdreg s15  }
0x11: {  	s17 =	simm.s32 $0x6D00;
	s18 =	simm.s32 $0x7500;
	[dreg:$0x15] =	wrdreg s16  }
0x12: {  	s19 =	simm.s32 $0x7900;
	s21 =	simm.s32 $0x8100;
	[dreg:$0x16] =	wrdreg s17  }
0x13: {  	s22 =	simm.s32 $0x8900;
	s28 =	simm.s32 $0x12900;
	[dreg:$0x17] =	wrdreg s18  }
0x14: {  	s29 =	simm.s32 $0x12D00;
	s30 =	simm.s32 $0x13500;
	[dreg:$0x18] =	wrdreg s19  }
0x15: {  	s31 =	simm.s32 $0x13D00;
	s5 =	sshll.u32 s4, $0x3;
	[dreg:$0x19] =	wrdreg s21  }
0x16: {  	s4 =	ssub.s32 $0x2, s4;
	[dreg:$0x1a] =	wrdreg s22;
	s7 =	simm.s32 $0x8D00  }
0x17: {  	s24 =	simm.s32 $0x9D00;
	s25 =	simm.s32 $0xA900;
	s8 =	simm.s32 $0x100  }
0x18: {  	s26 =	simm.s32 $0xB100;
	s9 =	simm.s32 $0xA100;
	s11 =	simm.s32 $0xBD00  }
0x19: {  	s12 =	simm.s32 $0xC500;
	s13 =	simm.s32 $0xC900;
	s14 =	simm.s32 $0xD100  }
0x1a: {  	s15 =	simm.s32 $0xD900;
	s16 =	simm.s32 $0xDD00;
	s17 =	simm.s32 $0xE500  }
0x1b: {  	s18 =	simm.s32 $0xED00;
	s19 =	simm.s32 $0xF100;
	[dreg:$0x1b] =	wrdreg s7  }
0x1c: {  	s21 =	simm.s32 $0x10100;
	s22 =	simm.s32 $0x10500;
	[dreg:$0x1d] =	wrdreg s24  }
0x1d: {  	s3 =	sor.u32 s5, s3;
	s20 =	sshrl.u32 s4, $0x1;
	[dreg:$0x1e] =	wrdreg s25  }
0x1e: {  	s7 =	simm.s32 $0x2;
	[dreg:$0x1f] =	wrdreg s26;
	s5 =	sadd.s32 s3, s1  }
0x1f: {  	s24 =	simm.s32 $0x11500;
	s25 =	simm.s32 $0x11900;
	s6 =	sadd.s32 $0xC4200, s5  }
0x20: {  	s3 =	smul.u32 $0x280, s3;
	s5 =	sadd.s32 $0xC4400, s5;
	[dreg:$0x2] =	wrdreg s6  }
0x21: {  	s26 =	simm.s32 $0x12100;
	[dreg:$0x3] =	wrdreg s5;
	s5 =	simm.s32 $0x1D00  }
0x22: {  	s3 =	sadd.s32 s3, s1;
	s6 =	simm.s32 $0x2500;
	[dreg:$0xa] =	wrdreg s5  }
0x23: {  	s23 =	sadd.s32 $0x9C200, s3;
	s3 =	sadd.s32 $0xC4600, s3;
	[dreg:$0xb] =	wrdreg s6  }
0x24: {  	s6 =	ssub.s32 s4, s20;
	s4 =	sadd.s32 $0x29300, s1;
	[dreg:$0x4] =	wrdreg s23  }
0x25: {  	v2 =	vlaneseq.u32;
	s5 =	sadd.s32 $0x29400, s1;
	s20 =	simm.s32 $0xF900;
	[dreg:$0x5] =	wrdreg s3  }
0x26: {  	vm0 =	vmmov $0xffff;
	vm1 =	vmmov $0xff;
	v1 =	vshrl.u32 v2, $0x3;
	s3 =	sadd.s32 $0x29200, s1;
	s23 =	simm.s32 $0x9500;
	s6 =	smax.u32 s6, $0x1  }
0x27: {  	v0 =	vand.u32 $0x7, v2;
	v2 =	vor.u32 $0x8, v2;
	v1 =	vmul.u32 $0x8, v1;
	s1 =	simm.s32 $0x1;
	[dreg:$0x1c] =	wrdreg s23;
	s23 =	simm.s32 $0x10D00  }
.LBB2_1:
0x28: {  	s0 =	rddreg [dreg:$0x2]  }
0x29: {  	[tilespmem:s2], [sflag:$0x2] =	stream.linear.gather [hbm4b:s0+s2], $0x40, $0x38;
	[tilespmem:$0x14100] =	vst v63  }
0x2a: {  	_ =	swait.ge [sflag:s7], $0x40  }
0x2b: {  	s0 =	rddreg [dreg:$0x3];
	[sflag:s7] =	ssyncset.done $0x0  }
0x2c: {  	s10 =	rddreg [dreg:$0x6];
	[sflag:s7] =	ssyncadd.s32 $0xFFFFFFC0  }
0x2d: {  	[tilespmem:s10], [sflag:$0x2] =	stream.linear.gather [hbm4b:s0+s2], $0x40, $0x38;
	[tilespmem:$0x14100] =	vst v63  }
0x2e: {  	_ =	swait.ge [sflag:s7], $0x40  }
0x2f: {  	[sflag:s7] =	ssyncset.done $0x0  }
0x30: {  	[sflag:s7] =	ssyncadd.s32 $0xFFFFFFC0  }
0x31: {  	v3 =	vld [tilespmem:$0x0];
	_ =	sdelay $0x4  }
0x32: {  	v4 =	vshrl.u32 v3, $0x3  }
0x33: {  	v4 =	vmul.u32 $0x28, v4  }
0x34: {  	v3 =	vand.u32 $0x7, v3  }
0x35: {  	v3 =	vor.u32 v3, v4  }
0x36: {  	v4 =	vperm.xlane v3, v0;
	_ =	sdelay $0x1  }
0x37: {  	v4 =	vadd.s32 v1, v4;
	_ =	sdelay $0x3  }
0x38: {  	v3 =	vperm.xlane v3, v2  }
0x39: {  	[tilespmem:s8], [sflag:$0x1] =	stream.indirect_vreg.gather [hbm4b:s3+s2], $0x80, v4, vm0, $0xb8;
	[tilespmem:$0x14100] =	vst v63  }
0x3a: {  	s0 =	rddreg [dreg:$0x7];
	v3 =	vadd.s32 v1, v3  }
0x3b: {  	[tilespmem:s0], [sflag:$0x1] =	stream.indirect_vreg.gather [hbm4b:s4+s2], $0x80, v4, vm0, $0xb8;
	[tilespmem:$0x14100] =	vst v63  }
0x3c: {  	s10 =	rddreg [dreg:$0x8]  }
0x3d: {  	[tilespmem:s10], [sflag:$0x1] =	stream.indirect_vreg.gather [hbm4b:s5+s2], $0x80, v4, vm1, $0xb8;
	[tilespmem:$0x14100] =	vst v63  }
0x3e: {  	s0 =	rddreg [dreg:$0x9]  }
0x3f: {  	[tilespmem:s0], [sflag:$0x1] =	stream.indirect_vreg.gather [hbm4b:s3+s2], $0x80, v3, vm0, $0xb8;
	[tilespmem:$0x14100] =	vst v63  }
0x40: {  	s10 =	rddreg [dreg:$0xa]  }
0x41: {  	[tilespmem:s10], [sflag:$0x1] =	stream.indirect_vreg.gather [hbm4b:s4+s2], $0x80, v3, vm0, $0xb8;
	[tilespmem:$0x14100] =	vst v63  }
0x42: {  	s0 =	rddreg [dreg:$0xb]  }
0x43: {  	[tilespmem:s0], [sflag:$0x1] =	stream.indirect_vreg.gather [hbm4b:s5+s2], $0x80, v3, vm1, $0xb8;
	[tilespmem:$0x14100] =	vst v63  }
0x44: {  	v3 =	vld [tilespmem:$0x10];
	_ =	sdelay $0x4  }
0x45: {  	v57 =	vshrl.u32 v3, $0x3  }
0x46: {  	v4 =	vmul.u32 $0x28, v57  }
0x47: {  	v3 =	vand.u32 $0x7, v3  }
0x48: {  	v3 =	vor.u32 v3, v4  }
0x49: {  	v4 =	vperm.xlane v3, v0;
	_ =	sdelay $0x1  }
0x4a: {  	v4 =	vadd.s32 v1, v4;
	_ =	sdelay $0x3  }
0x4b: {  	s0 =	rddreg [dreg:$0xc];
	v3 =	vperm.xlane v3, v2  }
0x4c: {  	[tilespmem:s0], [sflag:$0x1] =	stream.indirect_vreg.gather [hbm4b:s3+s2], $0x80, v4, vm0, $0xb8;
	[tilespmem:$0x14100] =	vst v63  }
0x4d: {  	s10 =	rddreg [dreg:$0xd];
	v3 =	vadd.s32 v1, v3  }
0x4e: {  	[tilespmem:s10], [sflag:$0x1] =	stream.indirect_vreg.gather [hbm4b:s4+s2], $0x80, v4, vm0, $0xb8;
	[tilespmem:$0x14100] =	vst v63  }
0x4f: {  	s0 =	rddreg [dreg:$0xe]  }
0x50: {  	[tilespmem:s0], [sflag:$0x1] =	stream.indirect_vreg.gather [hbm4b:s5+s2], $0x80, v4, vm1, $0xb8;
	[tilespmem:$0x14100] =	vst v63  }
0x51: {  	s10 =	rddreg [dreg:$0xf]  }
0x52: {  	[tilespmem:s10], [sflag:$0x1] =	stream.indirect_vreg.gather [hbm4b:s3+s2], $0x80, v3, vm0, $0xb8;
	[tilespmem:$0x14100] =	vst v63  }
0x53: {  	s0 =	rddreg [dreg:$0x10]  }
0x54: {  	[tilespmem:s0], [sflag:$0x1] =	stream.indirect_vreg.gather [hbm4b:s4+s2], $0x80, v3, vm0, $0xb8;
	[tilespmem:$0x14100] =	vst v63  }
0x55: {  	s10 =	rddreg [dreg:$0x11]  }
0x56: {  	[tilespmem:s10], [sflag:$0x1] =	stream.indirect_vreg.gather [hbm4b:s5+s2], $0x80, v3, vm1, $0xb8;
	[tilespmem:$0x14100] =	vst v63  }
0x57: {  	v3 =	vld [tilespmem:$0x20];
	_ =	sdelay $0x4  }
0x58: {  	v58 =	vshrl.u32 v3, $0x3  }
0x59: {  	v4 =	vmul.u32 $0x28, v58  }
0x5a: {  	v3 =	vand.u32 $0x7, v3  }
0x5b: {  	v3 =	vor.u32 v3, v4  }
0x5c: {  	v4 =	vperm.xlane v3, v0;
	_ =	sdelay $0x1  }
0x5d: {  	v4 =	vadd.s32 v1, v4;
	_ =	sdelay $0x3  }
0x5e: {  	s0 =	rddreg [dreg:$0x12];
	v3 =	vperm.xlane v3, v2  }
0x5f: {  	[tilespmem:s0], [sflag:$0x1] =	stream.indirect_vreg.gather [hbm4b:s3+s2], $0x80, v4, vm0, $0xb8;
	[tilespmem:$0x14100] =	vst v63  }
0x60: {  	s10 =	rddreg [dreg:$0x13];
	v3 =	vadd.s32 v1, v3  }
0x61: {  	[tilespmem:s10], [sflag:$0x1] =	stream.indirect_vreg.gather [hbm4b:s4+s2], $0x80, v4, vm0, $0xb8;
	[tilespmem:$0x14100] =	vst v63  }
0x62: {  	s0 =	rddreg [dreg:$0x14]  }
0x63: {  	[tilespmem:s0], [sflag:$0x1] =	stream.indirect_vreg.gather [hbm4b:s5+s2], $0x80, v4, vm1, $0xb8;
	[tilespmem:$0x14100] =	vst v63  }
0x64: {  	s10 =	rddreg [dreg:$0x15]  }
0x65: {  	[tilespmem:s10], [sflag:$0x1] =	stream.indirect_vreg.gather [hbm4b:s3+s2], $0x80, v3, vm0, $0xb8;
	[tilespmem:$0x14100] =	vst v63  }
0x66: {  	s0 =	rddreg [dreg:$0x16]  }
0x67: {  	[tilespmem:s0], [sflag:$0x1] =	stream.indirect_vreg.gather [hbm4b:s4+s2], $0x80, v3, vm0, $0xb8;
	[tilespmem:$0x14100] =	vst v63  }
0x68: {  	s10 =	rddreg [dreg:$0x17]  }
0x69: {  	[tilespmem:s10], [sflag:$0x1] =	stream.indirect_vreg.gather [hbm4b:s5+s2], $0x80, v3, vm1, $0xb8;
	[tilespmem:$0x14100] =	vst v63  }
0x6a: {  	v3 =	vld [tilespmem:$0x30];
	_ =	sdelay $0x4  }
0x6b: {  	v59 =	vshrl.u32 v3, $0x3  }
0x6c: {  	v4 =	vmul.u32 $0x28, v59  }
0x6d: {  	v3 =	vand.u32 $0x7, v3  }
0x6e: {  	v3 =	vor.u32 v3, v4  }
0x6f: {  	v4 =	vperm.xlane v3, v0;
	_ =	sdelay $0x1  }
0x70: {  	v4 =	vadd.s32 v1, v4;
	_ =	sdelay $0x3  }
0x71: {  	s0 =	rddreg [dreg:$0x18];
	v3 =	vperm.xlane v3, v2  }
0x72: {  	[tilespmem:s0], [sflag:$0x1] =	stream.indirect_vreg.gather [hbm4b:s3+s2], $0x80, v4, vm0, $0xb8;
	[tilespmem:$0x14100] =	vst v63  }
0x73: {  	s10 =	rddreg [dreg:$0x19];
	v3 =	vadd.s32 v1, v3  }
0x74: {  	[tilespmem:s10], [sflag:$0x1] =	stream.indirect_vreg.gather [hbm4b:s4+s2], $0x80, v4, vm0, $0xb8;
	[tilespmem:$0x14100] =	vst v63  }
0x75: {  	s0 =	rddreg [dreg:$0x1a]  }
0x76: {  	[tilespmem:s0], [sflag:$0x1] =	stream.indirect_vreg.gather [hbm4b:s5+s2], $0x80, v4, vm1, $0xb8;
	[tilespmem:$0x14100] =	vst v63  }
0x77: {  	s10 =	rddreg [dreg:$0x1b]  }
0x78: {  	[tilespmem:s10], [sflag:$0x1] =	stream.indirect_vreg.gather [hbm4b:s3+s2], $0x80, v3, vm0, $0xb8;
	[tilespmem:$0x14100] =	vst v63  }
0x79: {  	s0 =	rddreg [dreg:$0x1c]  }
0x7a: {  	[tilespmem:s0], [sflag:$0x1] =	stream.indirect_vreg.gather [hbm4b:s4+s2], $0x80, v3, vm0, $0xb8;
	[tilespmem:$0x14100] =	vst v63  }
0x7b: {  	s10 =	rddreg [dreg:$0x1d]  }
0x7c: {  	[tilespmem:s10], [sflag:$0x1] =	stream.indirect_vreg.gather [hbm4b:s5+s2], $0x80, v3, vm1, $0xb8;
	[tilespmem:$0x14100] =	vst v63  }
0x7d: {  	v3 =	vld [tilespmem:$0x80];
	_ =	sdelay $0x4  }
0x7e: {  	v60 =	vshrl.u32 v3, $0x3  }
0x7f: {  	v4 =	vmul.u32 $0x28, v60  }
0x80: {  	v3 =	vand.u32 $0x7, v3  }
0x81: {  	v3 =	vor.u32 v3, v4  }
0x82: {  	v4 =	vperm.xlane v3, v0;
	_ =	sdelay $0x1  }
0x83: {  	v4 =	vadd.s32 v1, v4;
	_ =	sdelay $0x3  }
0x84: {  	v3 =	vperm.xlane v3, v2  }
0x85: {  	[tilespmem:s9], [sflag:$0x1] =	stream.indirect_vreg.gather [hbm4b:s3+s2], $0x80, v4, vm0, $0xb8;
	[tilespmem:$0x14100] =	vst v63  }
0x86: {  	s0 =	rddreg [dreg:$0x1e];
	v3 =	vadd.s32 v1, v3  }
0x87: {  	[tilespmem:s0], [sflag:$0x1] =	stream.indirect_vreg.gather [hbm4b:s4+s2], $0x80, v4, vm0, $0xb8;
	[tilespmem:$0x14100] =	vst v63  }
0x88: {  	s10 =	rddreg [dreg:$0x1f]  }
0x89: {  	[tilespmem:s10], [sflag:$0x1] =	stream.indirect_vreg.gather [hbm4b:s5+s2], $0x80, v4, vm1, $0xb8;
	[tilespmem:$0x14100] =	vst v63  }
0x8a: {  	s10 =	simm.s32 $0xB500  }
0x8b: {  	[tilespmem:s10], [sflag:$0x1] =	stream.indirect_vreg.gather [hbm4b:s3+s2], $0x80, v3, vm0, $0xb8;
	[tilespmem:$0x14100] =	vst v63  }
0x8c: {  	_ = 	snop  }
0x8d: {  	[tilespmem:s11], [sflag:$0x1] =	stream.indirect_vreg.gather [hbm4b:s4+s2], $0x80, v3, vm0, $0xb8;
	[tilespmem:$0x14100] =	vst v63  }
0x8e: {  	_ = 	snop  }
0x8f: {  	[tilespmem:s12], [sflag:$0x1] =	stream.indirect_vreg.gather [hbm4b:s5+s2], $0x80, v3, vm1, $0xb8;
	[tilespmem:$0x14100] =	vst v63  }
0x90: {  	v3 =	vld [tilespmem:$0x90];
	_ =	sdelay $0x4  }
0x91: {  	v61 =	vshrl.u32 v3, $0x3  }
0x92: {  	v4 =	vmul.u32 $0x28, v61  }
0x93: {  	v3 =	vand.u32 $0x7, v3  }
0x94: {  	v3 =	vor.u32 v3, v4  }
0x95: {  	v4 =	vperm.xlane v3, v0;
	_ =	sdelay $0x1  }
0x96: {  	v4 =	vadd.s32 v1, v4;
	_ =	sdelay $0x3  }
0x97: {  	v3 =	vperm.xlane v3, v2  }
0x98: {  	[tilespmem:s13], [sflag:$0x1] =	stream.indirect_vreg.gather [hbm4b:s3+s2], $0x80, v4, vm0, $0xb8;
	[tilespmem:$0x14100] =	vst v63  }
0x99: {  	v3 =	vadd.s32 v1, v3  }
0x9a: {  	[tilespmem:s14], [sflag:$0x1] =	stream.indirect_vreg.gather [hbm4b:s4+s2], $0x80, v4, vm0, $0xb8;
	[tilespmem:$0x14100] =	vst v63  }
0x9b: {  	_ = 	snop  }
0x9c: {  	[tilespmem:s15], [sflag:$0x1] =	stream.indirect_vreg.gather [hbm4b:s5+s2], $0x80, v4, vm1, $0xb8;
	[tilespmem:$0x14100] =	vst v63  }
0x9d: {  	_ = 	snop  }
0x9e: {  	[tilespmem:s16], [sflag:$0x1] =	stream.indirect_vreg.gather [hbm4b:s3+s2], $0x80, v3, vm0, $0xb8;
	[tilespmem:$0x14100] =	vst v63  }
0x9f: {  	_ = 	snop  }
0xa0: {  	[tilespmem:s17], [sflag:$0x1] =	stream.indirect_vreg.gather [hbm4b:s4+s2], $0x80, v3, vm0, $0xb8;
	[tilespmem:$0x14100] =	vst v63  }
0xa1: {  	_ = 	snop  }
0xa2: {  	[tilespmem:s18], [sflag:$0x1] =	stream.indirect_vreg.gather [hbm4b:s5+s2], $0x80, v3, vm1, $0xb8;
	[tilespmem:$0x14100] =	vst v63  }
0xa3: {  	v3 =	vld [tilespmem:$0xA0];
	_ =	sdelay $0x4  }
0xa4: {  	v62 =	vshrl.u32 v3, $0x3  }
0xa5: {  	v4 =	vmul.u32 $0x28, v62  }
0xa6: {  	v3 =	vand.u32 $0x7, v3  }
0xa7: {  	v3 =	vor.u32 v3, v4  }
0xa8: {  	v4 =	vperm.xlane v3, v0;
	_ =	sdelay $0x1  }
0xa9: {  	v4 =	vadd.s32 v1, v4;
	_ =	sdelay $0x3  }
0xaa: {  	v3 =	vperm.xlane v3, v2  }
0xab: {  	[tilespmem:s19], [sflag:$0x1] =	stream.indirect_vreg.gather [hbm4b:s3+s2], $0x80, v4, vm0, $0xb8;
	[tilespmem:$0x14100] =	vst v63  }
0xac: {  	v3 =	vadd.s32 v1, v3  }
0xad: {  	[tilespmem:s20], [sflag:$0x1] =	stream.indirect_vreg.gather [hbm4b:s4+s2], $0x80, v4, vm0, $0xb8;
	[tilespmem:$0x14100] =	vst v63  }
0xae: {  	_ = 	snop  }
0xaf: {  	[tilespmem:s21], [sflag:$0x1] =	stream.indirect_vreg.gather [hbm4b:s5+s2], $0x80, v4, vm1, $0xb8;
	[tilespmem:$0x14100] =	vst v63  }
0xb0: {  	_ = 	snop  }
0xb1: {  	[tilespmem:s22], [sflag:$0x1] =	stream.indirect_vreg.gather [hbm4b:s3+s2], $0x80, v3, vm0, $0xb8;
	[tilespmem:$0x14100] =	vst v63  }
0xb2: {  	_ = 	snop  }
0xb3: {  	[tilespmem:s23], [sflag:$0x1] =	stream.indirect_vreg.gather [hbm4b:s4+s2], $0x80, v3, vm0, $0xb8;
	[tilespmem:$0x14100] =	vst v63  }
0xb4: {  	_ = 	snop  }
0xb5: {  	[tilespmem:s24], [sflag:$0x1] =	stream.indirect_vreg.gather [hbm4b:s5+s2], $0x80, v3, vm1, $0xb8;
	[tilespmem:$0x14100] =	vst v63  }
0xb6: {  	v3 =	vld [tilespmem:$0xB0];
	_ =	sdelay $0x4  }
0xb7: {  	v63 =	vshrl.u32 v3, $0x3  }
0xb8: {  	v4 =	vmul.u32 $0x28, v63  }
0xb9: {  	v3 =	vand.u32 $0x7, v3  }
0xba: {  	v3 =	vor.u32 v3, v4  }
0xbb: {  	v4 =	vperm.xlane v3, v0;
	_ =	sdelay $0x1  }
0xbc: {  	v4 =	vadd.s32 v1, v4;
	_ =	sdelay $0x3  }
0xbd: {  	v3 =	vperm.xlane v3, v2  }
0xbe: {  	[tilespmem:s25], [sflag:$0x1] =	stream.indirect_vreg.gather [hbm4b:s3+s2], $0x80, v4, vm0, $0xb8;
	[tilespmem:$0x14100] =	vst v63  }
0xbf: {  	v3 =	vadd.s32 v1, v3  }
0xc0: {  	[tilespmem:s26], [sflag:$0x1] =	stream.indirect_vreg.gather [hbm4b:s4+s2], $0x80, v4, vm0, $0xb8;
	[tilespmem:$0x14100] =	vst v63  }
0xc1: {  	_ = 	snop  }
0xc2: {  	[tilespmem:s28], [sflag:$0x1] =	stream.indirect_vreg.gather [hbm4b:s5+s2], $0x80, v4, vm1, $0xb8;
	[tilespmem:$0x14100] =	vst v63  }
0xc3: {  	_ = 	snop  }
0xc4: {  	[tilespmem:s29], [sflag:$0x1] =	stream.indirect_vreg.gather [hbm4b:s3+s2], $0x80, v3, vm0, $0xb8;
	[tilespmem:$0x14100] =	vst v63  }
0xc5: {  	_ = 	snop  }
0xc6: {  	[tilespmem:s30], [sflag:$0x1] =	stream.indirect_vreg.gather [hbm4b:s4+s2], $0x80, v3, vm0, $0xb8;
	[tilespmem:$0x14100] =	vst v63  }
0xc7: {  	_ = 	snop  }
0xc8: {  	[tilespmem:s31], [sflag:$0x1] =	stream.indirect_vreg.gather [hbm4b:s5+s2], $0x80, v3, vm1, $0xb8;
	[tilespmem:$0x14100] =	vst v63  }
0xc9: {  	_ =	swait.ge [sflag:s1], $0xA000  }
0xca: {  	[sflag:s1] =	ssyncset.done $0x0  }
0xcb: {  	[sflag:s1] =	ssyncadd.s32 $0xFFFF6000  }
0xcc: {  	_ =	swait.ge [sflag:s1], $0xA000  }
0xcd: {  	[sflag:s1] =	ssyncset.done $0x0  }
0xce: {  	s10 =	rddreg [dreg:$0x4];
	[sflag:s1] =	ssyncadd.s32 $0xFFFF6000  }
0xcf: {  	[hbm4b:s10+s2] =	stream.linear.scatter [tilespmem:s8], [sflag:$0x2], $0xA000, $0x38;
	[tilespmem:$0x14100] =	vst v63  }
0xd0: {  	_ =	swait.ge [sflag:s7], $0xA000  }
0xd1: {  	p0 =	sne.s32 s6, $0x1;
	[sflag:s7] =	ssyncset.done $0x0  }
.Ltmp0:
0xd2: {  	s10 =	rddreg [dreg:$0x5];
	[sflag:s7] =	ssyncadd.s32 $0xFFFF6000;
	(pc) =	sbr.rel @p0 .LBB2_1-.Ltmp0, $4  }
0xd3: {  	[hbm4b:s10+s2] =	stream.linear.scatter [tilespmem:s9], [sflag:$0x2], $0xA000, $0x38;
	[tilespmem:$0x14100] =	vst v63  }
0xd4: {  	_ =	swait.ge [sflag:s7], $0xA000  }
0xd5: {  	[sflag:s7] =	ssyncset.done $0x0  }
0xd6: {  	s6 =	sadd.s32 $0xFFFFFFFF, s6;
	[sflag:s7] =	ssyncadd.s32 $0xFFFF6000  }
0xd7: {  	_ =	sfence.sel $0x180000  }
0xd8: {  	[bflag:$0x0] =	sbarrier.arrive $0xFFFF  }
0xd9: {  	_ =	strace $0x9000004A  }
0xda: {  	s0 =	stileid.u32;
	[bflag:$0x2] =	sbarrier.arrive $0xFFFF  }
0xdb: {  	p0 =	sne.s32 s0, $0x0;
	s0 =	rddreg [dreg:$0x1]  }
0xdc: {  	s0 =	sadd.s32 @!p0 $0x100000, s0  }
0xdd: {  	[sflag:s0] =	ssyncadd.tile.s32 @!p0 $0x1;
	_ =	shalt  }
.Lfunc_end2:
_tile_overlayer_lowered:
.L_overlay_start_2:
0xde: {  	(tag) =	ssettag $0x2  }
0xdf: {  	s0 =	rddreg [dreg:$0x0];
	s2 =	stileid.u32  }
0xe0: {  	s1 =	rddreg [dreg:$0x1];
	p0 =	sne.s32 s2, $0x0  }
0xe1: {  	s3 =	rddreg [dreg:$0x2];
	[bflag:$0x3] =	sbarrier.arrive $0xFFFF;
	s2 =	simm.s32 @!p0 $0x1C02  }
0xe2: {  	[timem:s3], [sflag:s2] =	dma.local @!p0 [hbm:s0], s1  }
0xe3: {  	s0 =	simm.s32 @!p0 $0x2  }
0xe4: {  	_ =	swait.ge @!p0 [sflag:s0], s1  }
0xe5: {  	s1 =	ssub.s32 @!p0 $0x0, s1;
	[sflag:s0] =	ssyncset.done @!p0 $0x0  }
0xe6: {  	[sflag:s0] =	ssyncadd.s32 @!p0 s1  }
0xe7: {  	[bflag:$0x3] =	sbarrier.arrive $0xFFFF  }
0xe8: {  	_ =	shalt  }

</sc_bundles>
